<compile_context>
chip_gen: v7x
topology: tpu7x:2x2x1
jax: 0.10.2.dev20260603
libtpu: 0.0.44.dev20260713+nightly
codegen_flags: <defaults>
</compile_context>

<pallas_src>
import functools

import jax
import jax.numpy as jnp
import numpy as np
from jax import lax
from jax.experimental import pallas as pl
from jax.experimental.pallas import tpu as pltpu
from jax.experimental.pallas import tpu_sc as plsc

F32 = jnp.float32
I32 = jnp.int32
BN_EPS = 1e-5


def _fps(xs, ys, zs, npoint):
    B, N = xs.shape

    def body(xs_ref, ys_ref, zs_ref, cx_ref, cy_ref, cz_ref, dist_ref):
        xsv = xs_ref[...]
        ysv = ys_ref[...]
        zsv = zs_ref[...]
        lane = lax.broadcasted_iota(I32, (B, N), 1)
        ocol = lax.broadcasted_iota(I32, (B, npoint), 1)
        dist_ref[...] = jnp.full((B, N), 1e10, F32)

        def step(i, carry):
            far, cxs, cys, czs = carry
            oh = lane == far
            cx = jnp.sum(jnp.where(oh, xsv, 0.0), axis=1, keepdims=True)
            cy = jnp.sum(jnp.where(oh, ysv, 0.0), axis=1, keepdims=True)
            cz = jnp.sum(jnp.where(oh, zsv, 0.0), axis=1, keepdims=True)
            sel = ocol == i
            cxs = jnp.where(sel, cx, cxs)
            cys = jnp.where(sel, cy, cys)
            czs = jnp.where(sel, cz, czs)
            dx = xsv - cx
            dy = ysv - cy
            dz = zsv - cz
            d = dx * dx + dy * dy + dz * dz
            dm = jnp.minimum(dist_ref[...], d)
            dist_ref[...] = dm
            mx = jnp.max(dm, axis=1, keepdims=True)
            far2 = jnp.min(jnp.where(dm == mx, lane, N), axis=1, keepdims=True)
            return far2, cxs, cys, czs

        far0 = jnp.zeros((B, 1), I32)
        z = jnp.zeros((B, npoint), F32)
        _, cxs, cys, czs = lax.fori_loop(0, npoint, step, (far0, z, z, z))
        cx_ref[...] = cxs
        cy_ref[...] = cys
        cz_ref[...] = czs

    return pl.pallas_call(
        body,
        out_shape=[jax.ShapeDtypeStruct((B, npoint), F32)] * 3,
        scratch_shapes=[pltpu.VMEM((B, N), F32)],
    )(xs, ys, zs)


def _ballquery(src_t, dst, r2, K, base):
    B, S, _ = src_t.shape
    N = dst.shape[2]
    C = 128
    NC = N // C

    def body(src_ref, dst_ref, out_ref):
        b = pl.program_id(0)
        src = src_ref[0]
        dstm = dst_ref[0]
        dots = jnp.dot(src.astype(jnp.bfloat16), dstm.astype(jnp.bfloat16),
                       preferred_element_type=F32)
        s2 = jnp.sum(src * src, axis=1, keepdims=True)
        d2 = jnp.sum(dstm * dstm, axis=0, keepdims=True)
        sq = s2 + d2 - 2.0 * dots
        mask = (sq <= r2).astype(F32)
        tri = (lax.broadcasted_iota(I32, (C, C), 0)
               <= lax.broadcasted_iota(I32, (C, C), 1)).astype(F32)
        off = jnp.zeros((S, 1), F32)
        chunks = []
        for c in range(NC):
            pc = jnp.dot(mask[:, c * C:(c + 1) * C], tri,
                         preferred_element_type=F32) + off
            chunks.append(pc)
            off = pc[:, C - 1:C]
        cnt = jnp.concatenate(chunks, axis=1)
        total = off
        cols = []
        for k in range(K):
            gk = jnp.sum((cnt <= float(k)).astype(F32), axis=1, keepdims=True)
            cols.append(gk)
        g = jnp.concatenate(cols, axis=1)
        kr = lax.broadcasted_iota(I32, (S, K), 1).astype(F32)
        g = jnp.where(kr < total, g, g[:, 0:1])
        g = jnp.minimum(g, float(N - 1))
        out_ref[0] = g.astype(I32) + b * base

    return pl.pallas_call(
        body,
        grid=(B,),
        in_specs=[
            pl.BlockSpec((1, S, 3), lambda b: (b, 0, 0)),
            pl.BlockSpec((1, 3, N), lambda b: (b, 0, 0)),
        ],
        out_specs=pl.BlockSpec((1, S, K), lambda b: (b, 0, 0)),
        out_shape=jax.ShapeDtypeStruct((B, S, K), I32),
    )(src_t, dst)


def _sc_gather(table, idx_flat, rows_per_chunk):
    T, D = table.shape
    Bn = idx_flat.shape[0]
    NW = 32
    per_w = Bn // NW
    CH = rows_per_chunk
    n_dma = CH // 128
    n_chunks = per_w // CH
    mesh = plsc.VectorSubcoreMesh(core_axis_name="c", subcore_axis_name="s")

    @functools.partial(
        pl.kernel,
        out_type=jax.ShapeDtypeStruct((Bn, D), table.dtype),
        mesh=mesh,
        scratch_types=[
            pltpu.VMEM((per_w,), I32),
            pltpu.VMEM((CH, D), table.dtype),
            pltpu.SemaphoreType.DMA,
        ],
        compiler_params=pltpu.CompilerParams(use_tc_tiling_on_sc=False),
    )
    def k(table_hbm, idx_hbm, out_hbm, idx_v, rows_v, sem):
        wid = lax.axis_index("s") * 2 + lax.axis_index("c")
        base = wid * per_w
        pltpu.sync_copy(idx_hbm.at[pl.ds(base, per_w)], idx_v)

        def chunk(ci, _):
            waits = []
            for j in range(n_dma):
                cp = pltpu.async_copy(
                    table_hbm.at[idx_v.at[pl.ds(ci * CH + j * 128, 128)]],
                    rows_v.at[pl.ds(j * 128, 128)],
                    sem,
                )
                waits.append(cp)
            for cp in waits:
                cp.wait()
            pltpu.sync_copy(rows_v, out_hbm.at[pl.ds(base + ci * CH, CH)])
            return 0

        lax.fori_loop(0, n_chunks, chunk, 0)

    return k(table, idx_flat)


def _conv_first(Xg, nxp, W, b, K, R):
    M, Dp = Xg.shape
    C = W.shape[1]
    G = R // K

    def body(x_ref, nx_ref, w_ref, b_ref, y_ref, st_ref):
        x = (x_ref[...].reshape(G, K, Dp) - nx_ref[...][:, None, :]).reshape(R, Dp)
        y = jnp.dot(x.astype(jnp.bfloat16), w_ref[...].astype(jnp.bfloat16),
                    preferred_element_type=F32) + b_ref[...]
        y_ref[...] = y

        @pl.when(pl.program_id(0) == 0)
        def _():
            st_ref[...] = jnp.zeros_like(st_ref)

        sy = jnp.sum(y, axis=0, keepdims=True)
        sy2 = jnp.sum(y * y, axis=0, keepdims=True)
        st_ref[...] += jnp.concatenate([sy, sy2], axis=0)

    return pl.pallas_call(
        body,
        grid=(M // R,),
        in_specs=[
            pl.BlockSpec((R, Dp), lambda i: (i, 0)),
            pl.BlockSpec((G, Dp), lambda i: (i, 0)),
            pl.BlockSpec((Dp, C), lambda i: (0, 0)),
            pl.BlockSpec((1, C), lambda i: (0, 0)),
        ],
        out_specs=[
            pl.BlockSpec((R, C), lambda i: (i, 0)),
            pl.BlockSpec((2, C), lambda i: (0, 0)),
        ],
        out_shape=[
            jax.ShapeDtypeStruct((M, C), F32),
            jax.ShapeDtypeStruct((2, C), F32),
        ],
    )(Xg, nxp, W, b)


def _conv_first2(Xc, Xf, nxp, Wc, Wf, b, K, R):
    M, Dc = Xc.shape
    Cf = Xf.shape[1]
    C = Wc.shape[1]
    G = R // K

    def body(xc_ref, xf_ref, nx_ref, wc_ref, wf_ref, b_ref, y_ref, st_ref):
        xc = (xc_ref[...].reshape(G, K, Dc) - nx_ref[...][:, None, :]).reshape(R, Dc)
        y = (jnp.dot(xc.astype(jnp.bfloat16), wc_ref[...].astype(jnp.bfloat16),
                     preferred_element_type=F32)
             + jnp.dot(xf_ref[...], wf_ref[...].astype(jnp.bfloat16),
                       preferred_element_type=F32)
             + b_ref[...])
        y_ref[...] = y

        @pl.when(pl.program_id(0) == 0)
        def _():
            st_ref[...] = jnp.zeros_like(st_ref)

        sy = jnp.sum(y, axis=0, keepdims=True)
        sy2 = jnp.sum(y * y, axis=0, keepdims=True)
        st_ref[...] += jnp.concatenate([sy, sy2], axis=0)

    return pl.pallas_call(
        body,
        grid=(M // R,),
        in_specs=[
            pl.BlockSpec((R, Dc), lambda i: (i, 0)),
            pl.BlockSpec((R, Cf), lambda i: (i, 0)),
            pl.BlockSpec((G, Dc), lambda i: (i, 0)),
            pl.BlockSpec((Dc, C), lambda i: (0, 0)),
            pl.BlockSpec((Cf, C), lambda i: (0, 0)),
            pl.BlockSpec((1, C), lambda i: (0, 0)),
        ],
        out_specs=[
            pl.BlockSpec((R, C), lambda i: (i, 0)),
            pl.BlockSpec((2, C), lambda i: (0, 0)),
        ],
        out_shape=[
            jax.ShapeDtypeStruct((M, C), F32),
            jax.ShapeDtypeStruct((2, C), F32),
        ],
    )(Xc, Xf, nxp, Wc, Wf, b)


def _bn_relu(y, s, g, be, Mf):
    mean = s[0:1] / Mf
    var = s[1:2] / Mf - mean * mean
    scale = g * lax.rsqrt(var + BN_EPS)
    return jnp.maximum((y - mean) * scale + be, 0.0)


def _conv_mid(Y, st, gamma, beta, W, b, R, stats_only=False):
    M, Cin = Y.shape
    C = W.shape[1]
    Mf = float(M)

    def body(y_ref, st_ref, g_ref, be_ref, w_ref, b_ref, *outs):
        x = _bn_relu(y_ref[...].astype(F32), st_ref[...], g_ref[...],
                     be_ref[...], Mf)
        o = jnp.dot(x.astype(jnp.bfloat16), w_ref[...].astype(jnp.bfloat16),
                    preferred_element_type=F32) + b_ref[...]
        if stats_only:
            st2_ref, = outs
        else:
            o_ref, st2_ref = outs
            o_ref[...] = o

        @pl.when(pl.program_id(0) == 0)
        def _():
            st2_ref[...] = jnp.zeros_like(st2_ref)

        so = jnp.sum(o, axis=0, keepdims=True)
        so2 = jnp.sum(o * o, axis=0, keepdims=True)
        st2_ref[...] += jnp.concatenate([so, so2], axis=0)

    o_spec = [pl.BlockSpec((R, C), lambda i: (i, 0))]
    o_shape = [jax.ShapeDtypeStruct((M, C), F32)]
    if stats_only:
        o_spec, o_shape = [], []
    return pl.pallas_call(
        body,
        grid=(M // R,),
        in_specs=[
            pl.BlockSpec((R, Cin), lambda i: (i, 0)),
            pl.BlockSpec((2, Cin), lambda i: (0, 0)),
            pl.BlockSpec((1, Cin), lambda i: (0, 0)),
            pl.BlockSpec((1, Cin), lambda i: (0, 0)),
            pl.BlockSpec((Cin, C), lambda i: (0, 0)),
            pl.BlockSpec((1, C), lambda i: (0, 0)),
        ],
        out_specs=o_spec + [pl.BlockSpec((2, C), lambda i: (0, 0))],
        out_shape=o_shape + [jax.ShapeDtypeStruct((2, C), F32)],
    )(Y, st, gamma, beta, W, b)


def _pool_rc(Y2, st2, gamma2, beta2, W3, b3, st3, gamma3, beta3, K, R):
    M, Cin = Y2.shape
    C = W3.shape[1]
    G = R // K
    Mf = float(M)

    def body(y_ref, st_ref, g2_ref, be2_ref, w_ref, b_ref, st3_ref,
             g3_ref, be3_ref, o_ref):
        x = _bn_relu(y_ref[...].astype(F32), st_ref[...], g2_ref[...],
                     be2_ref[...], Mf)
        y3 = jnp.dot(x.astype(jnp.bfloat16), w_ref[...].astype(jnp.bfloat16),
                     preferred_element_type=F32) + b_ref[...]
        x3 = _bn_relu(y3, st3_ref[...], g3_ref[...], be3_ref[...], Mf)
        o_ref[...] = jnp.max(x3.reshape(G, K, C), axis=1)

    return pl.pallas_call(
        body,
        grid=(M // R,),
        in_specs=[
            pl.BlockSpec((R, Cin), lambda i: (i, 0)),
            pl.BlockSpec((2, Cin), lambda i: (0, 0)),
            pl.BlockSpec((1, Cin), lambda i: (0, 0)),
            pl.BlockSpec((1, Cin), lambda i: (0, 0)),
            pl.BlockSpec((Cin, C), lambda i: (0, 0)),
            pl.BlockSpec((1, C), lambda i: (0, 0)),
            pl.BlockSpec((2, C), lambda i: (0, 0)),
            pl.BlockSpec((1, C), lambda i: (0, 0)),
            pl.BlockSpec((1, C), lambda i: (0, 0)),
        ],
        out_specs=pl.BlockSpec((G, C), lambda i: (i, 0)),
        out_shape=jax.ShapeDtypeStruct((M // K, C), F32),
    )(Y2, st2, gamma2, beta2, W3, b3, st3, gamma3, beta3)


def _sa3_fc(X3, B, c3, fc1, bn1, fc2, bn2, fc3):
    M, Din = X3.shape
    NP = M // B

    def bn2d(y):
        m = jnp.mean(y, axis=0, keepdims=True)
        v = jnp.mean((y - m) * (y - m), axis=0, keepdims=True)
        return m, v

    def bdot(a, b):
        return jnp.dot(a.astype(jnp.bfloat16), b.astype(jnp.bfloat16),
                       preferred_element_type=F32)

    def body(x_ref,
             w1_ref, b1_ref, g1_ref, be1_ref,
             w2_ref, b2_ref, g2_ref, be2_ref,
             w3_ref, b3_ref, g3_ref, be3_ref,
             fw1_ref, fb1_ref, bg1_ref, bb1_ref,
             fw2_ref, fb2_ref, bg2_ref, bb2_ref,
             fw3_ref, fb3_ref,
             out_ref, l3_ref):
        x = x_ref[...]
        for (w_ref, b_ref, g_ref, be_ref) in (
                (w1_ref, b1_ref, g1_ref, be1_ref),
                (w2_ref, b2_ref, g2_ref, be2_ref),
                (w3_ref, b3_ref, g3_ref, be3_ref)):
            y = bdot(x, w_ref[...]) + b_ref[...]
            m, v = bn2d(y)
            x = jnp.maximum((y - m) * (g_ref[...] * lax.rsqrt(v + BN_EPS))
                            + be_ref[...], 0.0)
        l3 = jnp.max(x.reshape(B, NP, x.shape[1]), axis=1)
        l3_ref[...] = l3

        def bn1d(h, g_ref, bref):
            m = jnp.mean(h, axis=0, keepdims=True)
            v = jnp.mean((h - m) * (h - m), axis=0, keepdims=True)
            return jnp.maximum(
                (h - m) * lax.rsqrt(v + BN_EPS) * g_ref[...] + bref[...], 0.0)

        h = bdot(l3, fw1_ref[...]) + fb1_ref[...]
        h = bn1d(h, bg1_ref, bb1_ref)
        h = bdot(h, fw2_ref[...]) + fb2_ref[...]
        h = bn1d(h, bg2_ref, bb2_ref)
        h = bdot(h, fw3_ref[...]) + fb3_ref[...]
        zmax = jnp.max(h, axis=1, keepdims=True)
        z = h - zmax
        out_ref[...] = z - jnp.log(jnp.sum(jnp.exp(z), axis=1, keepdims=True))

    ops = [X3]
    for layer in c3:
        ops += [layer['W'].T, layer['b'][None, :],
                layer['gamma'][None, :], layer['beta'][None, :]]
    ops += [fc1['W'].T, fc1['b'][None, :],
            bn1['gamma'][None, :], bn1['beta'][None, :],
            fc2['W'].T, fc2['b'][None, :],
            bn2['gamma'][None, :], bn2['beta'][None, :],
            fc3['W'].T, fc3['b'][None, :]]

    return pl.pallas_call(
        body,
        out_shape=[
            jax.ShapeDtypeStruct((B, fc3['W'].shape[0]), F32),
            jax.ShapeDtypeStruct((B, c3[-1]['W'].shape[0]), F32),
        ],
    )(*ops)


def _sa_stage(dst_coords, table, feat, convs, S, K, r2, R):
    xs, ys, zs = dst_coords
    B, N = xs.shape
    Dp = table.shape[1]
    cx, cy, cz = _fps(xs, ys, zs, S)
    src_t = jnp.stack([cx, cy, cz], axis=-1)
    dst = jnp.stack([xs, ys, zs], axis=1)
    idx = _ballquery(src_t, dst, r2, K, N)
    rows_per_chunk = 1024 if Dp <= 32 else 256
    Xg = _sc_gather(table, idx.reshape(-1), rows_per_chunk)
    nxp = jnp.concatenate(
        [src_t.reshape(B * S, 3), jnp.zeros((B * S, Dp - 3), F32)], axis=1)
    W0 = convs[0]['W'].T
    W0 = jnp.concatenate(
        [W0, jnp.zeros((Dp - W0.shape[0], W0.shape[1]), F32)], axis=0)
    y, st = _conv_first(Xg, nxp, W0, convs[0]['b'][None, :], K, R)
    y2, st2 = _conv_mid(y, st, convs[0]['gamma'][None, :],
                        convs[0]['beta'][None, :],
                        convs[1]['W'].T, convs[1]['b'][None, :], R)
    st3, = _conv_mid(y2, st2, convs[1]['gamma'][None, :],
                     convs[1]['beta'][None, :],
                     convs[2]['W'].T, convs[2]['b'][None, :], R,
                     stats_only=True)
    pooled = _pool_rc(y2, st2, convs[1]['gamma'][None, :],
                      convs[1]['beta'][None, :],
                      convs[2]['W'].T, convs[2]['b'][None, :], st3,
                      convs[2]['gamma'][None, :], convs[2]['beta'][None, :],
                      K, R)
    return (cx, cy, cz), pooled


def kernel(xyz, params):
    B, _, N = xyz.shape
    xs, ys, zs = xyz[:, 0, :], xyz[:, 1, :], xyz[:, 2, :]

    pts_t = jnp.transpose(xyz, (0, 2, 1))
    table1 = jnp.concatenate(
        [pts_t, jnp.zeros((B, N, 10), F32)], axis=-1).reshape(B * N, 16)
    (cx1, cy1, cz1), l1p = _sa_stage(
        (xs, ys, zs), table1, None, params['sa1'], 512, 32, float(0.2 ** 2), 2048)

    table2 = jnp.concatenate(
        [jnp.stack([cx1, cy1, cz1], axis=-1),
         l1p.reshape(B, 512, 128),
         jnp.zeros((B, 512, 13), F32)], axis=-1).reshape(B * 512, 144)
    (cx2, cy2, cz2), l2p = _sa_stage(
        (cx1, cy1, cz1), table2, None, params['sa2'], 128, 64,
        float(0.4 ** 2), 2048)

    X3 = jnp.concatenate(
        [jnp.stack([cx2, cy2, cz2], axis=-1),
         l2p.reshape(B, 128, 256)], axis=-1).reshape(B * 128, 259)
    logits, l3 = _sa3_fc(X3, B, params['sa3'],
                         params['fc1'], params['bn_fc1'],
                         params['fc2'], params['bn_fc2'], params['fc3'])
    return logits, l3.reshape(B, 1024, 1)

# --- scband reference (transcript-rebuilt; emitter-appended) ---
"""Pipeline reference for scband-get-model-82832739270973 (READ-ONLY COPY).

The authoritative reference and input builder live on the scoring server;
editing this copy changes nothing except your own understanding.
"""

import jax, jax.numpy as jnp
import numpy as np

B = 16
N_PTS = 2048
NUM_CLASS = 40
BN_EPS = 1e-5


def square_distance(src, dst):
    return (jnp.sum(src ** 2, axis=-1)[:, :, None]
            + jnp.sum(dst ** 2, axis=-1)[:, None, :]
            - 2.0 * jnp.einsum('bsc,bnc->bsn', src, dst))


def index_points(points, idx):
    return jax.vmap(lambda p, i: p[i])(points, idx)


def farthest_point_sample(xyz, npoint):
    xyz = jax.lax.stop_gradient(xyz)
    Bn, Nn, _ = xyz.shape

    def body(i, state):
        centroids, distance, farthest = state
        centroids = centroids.at[:, i].set(farthest)
        centroid = jnp.take_along_axis(xyz, farthest[:, None, None], axis=1)
        dist = jnp.sum((xyz - centroid) ** 2, axis=-1)
        distance = jnp.minimum(distance, dist)
        farthest = jnp.argmax(distance, axis=-1).astype(jnp.int32)
        return centroids, distance, farthest

    centroids = jnp.zeros((Bn, npoint), dtype=jnp.int32)
    distance = jnp.full((Bn, Nn), 1e10, dtype=jnp.float32)
    farthest = jnp.zeros((Bn,), dtype=jnp.int32)
    centroids, _, _ = jax.lax.fori_loop(0, npoint, body, (centroids, distance, farthest))
    return centroids


def query_ball_point(radius, nsample, xyz, new_xyz):
    Bn, Nn, _ = xyz.shape
    Sn = new_xyz.shape[1]
    sqrdists = jax.lax.stop_gradient(square_distance(new_xyz, xyz))
    group_idx = jnp.broadcast_to(jnp.arange(Nn, dtype=jnp.int32), (Bn, Sn, Nn))
    group_idx = jnp.where(sqrdists > radius ** 2, Nn, group_idx)
    group_idx = jnp.sort(group_idx, axis=-1)[:, :, :nsample]
    group_first = group_idx[:, :, :1]
    group_idx = jnp.where(group_idx == Nn, group_first, group_idx)
    return group_idx


def bn2d(x, gamma, beta):
    mean = jnp.mean(x, axis=(0, 2, 3), keepdims=True)
    var = jnp.var(x, axis=(0, 2, 3), keepdims=True)
    xh = (x - mean) / jnp.sqrt(var + BN_EPS)
    return xh * gamma[None, :, None, None] + beta[None, :, None, None]


def bn1d(x, gamma, beta):
    mean = jnp.mean(x, axis=0, keepdims=True)
    var = jnp.var(x, axis=0, keepdims=True)
    return (x - mean) / jnp.sqrt(var + BN_EPS) * gamma[None, :] + beta[None, :]


def sa_forward(xyz, points, convs, npoint, radius, nsample, group_all):
    # xyz: [B, 3, N]; points: [B, D, N] or None
    xyz = jnp.transpose(xyz, (0, 2, 1))
    if points is not None:
        points = jnp.transpose(points, (0, 2, 1))
    Bn, Nn, Cn = xyz.shape
    if group_all:
        new_xyz = jnp.zeros((Bn, 1, Cn), dtype=xyz.dtype)
        grouped_xyz = xyz[:, None, :, :]
        if points is not None:
            new_points = jnp.concatenate([grouped_xyz, points[:, None, :, :]], axis=-1)
        else:
            new_points = grouped_xyz
    else:
        fps_idx = farthest_point_sample(xyz, npoint)
        new_xyz = index_points(xyz, fps_idx)
        idx = query_ball_point(radius, nsample, xyz, new_xyz)
        grouped_xyz = index_points(xyz, idx)
        grouped_xyz_norm = grouped_xyz - new_xyz[:, :, None, :]
        if points is not None:
            grouped_points = index_points(points, idx)
            new_points = jnp.concatenate([grouped_xyz_norm, grouped_points], axis=-1)
        else:
            new_points = grouped_xyz_norm
    # [B, npoint, nsample, C+D] -> [B, C+D, nsample, npoint]
    new_points = jnp.transpose(new_points, (0, 3, 2, 1))
    for layer in convs:
        new_points = jnp.einsum('bchw,oc->bohw', new_points, layer['W']) + layer['b'][None, :, None, None]
        new_points = jax.nn.relu(bn2d(new_points, layer['gamma'], layer['beta']))
    new_points = jnp.max(new_points, axis=2)
    new_xyz = jnp.transpose(new_xyz, (0, 2, 1))
    return new_xyz, new_points


def model_forward(xyz, params):
    Bn = xyz.shape[0]
    norm = xyz[:, 3:, :]
    xyz3 = xyz[:, :3, :]
    l1_xyz, l1_points = sa_forward(xyz3, norm, params['sa1'], 512, 0.2, 32, False)
    l2_xyz, l2_points = sa_forward(l1_xyz, l1_points, params['sa2'], 128, 0.4, 64, False)
    l3_xyz, l3_points = sa_forward(l2_xyz, l2_points, params['sa3'], None, None, None, True)
    x = l3_points.reshape(Bn, 1024)
    x = x @ params['fc1']['W'].T + params['fc1']['b']
    x = jax.nn.relu(bn1d(x, params['bn_fc1']['gamma'], params['bn_fc1']['beta']))
    x = x @ params['fc2']['W'].T + params['fc2']['b']
    x = jax.nn.relu(bn1d(x, params['bn_fc2']['gamma'], params['bn_fc2']['beta']))
    x = x @ params['fc3']['W'].T + params['fc3']['b']
    x = jax.nn.log_softmax(x, axis=-1)
    return x, l3_points


def _make_params(key, num_class=NUM_CLASS):
    specs = {
        'sa1': [(6, 64), (64, 64), (64, 128)],
        'sa2': [(131, 128), (128, 128), (128, 256)],
        'sa3': [(259, 256), (256, 512), (512, 1024)],
    }
    params = {}
    for name, layers in specs.items():
        convs = []
        for (cin, cout) in layers:
            key, k1 = jax.random.split(key)
            convs.append({
                'W': jax.random.normal(k1, (cout, cin), dtype=jnp.float32) * (1.0 / np.sqrt(cin)),
                'b': jnp.zeros((cout,), jnp.float32),
                'gamma': jnp.ones((cout,), jnp.float32),
                'beta': jnp.zeros((cout,), jnp.float32),
            })
        params[name] = convs
    for name, (cin, cout) in [('fc1', (1024, 512)), ('fc2', (512, 256)), ('fc3', (256, num_class))]:
        key, k1 = jax.random.split(key)
        params[name] = {
            'W': jax.random.normal(k1, (cout, cin), dtype=jnp.float32) * (1.0 / np.sqrt(cin)),
            'b': jnp.zeros((cout,), jnp.float32),
        }
    for name, c in [('bn_fc1', 512), ('bn_fc2', 256)]:
        params[name] = {'gamma': jnp.ones((c,), jnp.float32), 'beta': jnp.zeros((c,), jnp.float32)}
    return params


def setup_inputs(seed: int = 0) -> dict:
    key = jax.random.key(seed)
    k1, k2 = jax.random.split(key)
    xyz = jax.random.normal(k1, (B, 6, N_PTS), dtype=jnp.float32)
    params = _make_params(k2)
    return {'xyz': xyz, 'params': params}


def reference(xyz, params):
    return model_forward(xyz, params)

if __name__ == "__main__":
    import jax
    _d = setup_inputs()
    print(jax.jit(kernel)(*tuple(_d.values())))

</pallas_src>

<mosaic_0001>
#map = affine_map<(d0, d1) -> (0, 0)>
#map1 = affine_map<(d0, d1) -> (0)>
module attributes {stable_mosaic.version = 14 : i64} {
  func.func @k(%arg0: i32, %arg1: i32, %arg2: memref<32768x16xf32, #tpu.memory_space<hbm>>, %arg3: memref<262144xi32, #tpu.memory_space<hbm>>, %arg4: memref<262144x16xf32, #tpu.memory_space<hbm>>, %arg5: memref<8192xi32, #tpu.memory_space<vmem>>, %arg6: memref<1024x16xf32, #tpu.memory_space<vmem>>, %arg7: memref<!tpu.dma_semaphore, #tpu.memory_space<semaphore_mem>>) attributes {dimension_semantics = [#tpu.dimension_semantics<core_parallel>, #tpu.dimension_semantics<subcore_parallel>], iteration_bounds = array<i64: 2, 16>, scalar_prefetch = 0 : i64, scratch_operands = 3 : i64, tpu.core_type = #tpu.core_type<sc_vector_subcore>, window_params = [{transform_indices = #map}, {transform_indices = #map1}, {transform_indices = #map}]} {
    %mul3A = arith.constant 2 : i32
    %mul3A_0 = arith.muli %arg1, %mul3A : i32
    %add3A = arith.addi %mul3A_0, %arg0 : i32
    %mul3A_1 = arith.constant 8192 : i32
    %mul3A_2 = arith.muli %add3A, %mul3A_1 : i32
    "tpu.region"() ({
      %run_scoped3A = tpu.sem_alloc : memref<!tpu.dma_semaphore, #tpu.memory_space<semaphore_mem>>
      %dma_start3A = tpu.memref_slice %arg3[%mul3A_2] : memref<262144xi32, #tpu.memory_space<hbm>> -> memref<8192xi32, #tpu.memory_space<hbm>>
      %dma_start3A_9 = tpu.memref_slice %arg3[%mul3A_2] : memref<262144xi32, #tpu.memory_space<hbm>> -> memref<8192xi32, #tpu.memory_space<hbm>>
      tpu.enqueue_dma source(%dma_start3A_9 : memref<8192xi32, #tpu.memory_space<hbm>>) target(%arg5 : memref<8192xi32, #tpu.memory_space<vmem>>) target_semaphore(%run_scoped3A : memref<!tpu.dma_semaphore, #tpu.memory_space<semaphore_mem>>)
      %dma_wait3A = tpu.memref_slice %arg3[%mul3A_2] : memref<262144xi32, #tpu.memory_space<hbm>> -> memref<8192xi32, #tpu.memory_space<hbm>>
      %dma_wait3A_10 = tpu.memref_slice %arg3[%mul3A_2] : memref<262144xi32, #tpu.memory_space<hbm>> -> memref<8192xi32, #tpu.memory_space<hbm>>
      tpu.wait_dma2 semaphore(%run_scoped3A : memref<!tpu.dma_semaphore, #tpu.memory_space<semaphore_mem>>) src(%dma_wait3A_10 : memref<8192xi32, #tpu.memory_space<hbm>>) dst(%arg5 : memref<8192xi32, #tpu.memory_space<vmem>>)
      tpu.yield
    }) : () -> ()
    %scan3A = arith.constant 0 : i32
    %scan3A_3 = arith.constant 0 : i32
    %scan3A_4 = arith.constant 8 : i32
    %scan3A_5 = arith.addi %scan3A_3, %scan3A_4 : i32
    %scan3A_6 = arith.constant 1 : i32
    %scan3A_7 = scf.for %scan3A_9 = %scan3A_3 to %scan3A_5 step %scan3A_6 iter_args(%scan3A_10 = %scan3A) -> (i32)  : i32 {
      %mul3A_11 = arith.constant 1024 : i32
      %mul3A_12 = arith.muli %scan3A_9, %mul3A_11 : i32
      %add3A_13 = arith.constant 0 : i32
      %add3A_14 = arith.addi %mul3A_12, %add3A_13 : i32
      %dma_start3A = arith.constant 0 : i32
      %dma_start3A_15 = arith.constant 0 : i32
      %dma_start3A_16 = tpu.memref_slice %arg6[%dma_start3A, %dma_start3A_15] : memref<1024x16xf32, #tpu.memory_space<vmem>> -> memref<128x16xf32, #tpu.memory_space<vmem>>
      %dma_start3A_17 = tpu.memref_slice %arg5[%add3A_14] : memref<8192xi32, #tpu.memory_space<vmem>> -> memref<128xi32, #tpu.memory_space<vmem>>
      %dma_start3A_18 = arith.constant 0 : i32
      %dma_start3A_19 = arith.constant 0 : i32
      %dma_start3A_20 = tpu.memref_slice %arg2[%dma_start3A_18, %dma_start3A_19] : memref<32768x16xf32, #tpu.memory_space<hbm>> -> memref<32768x16xf32, #tpu.memory_space<hbm>>
      tpu.enqueue_indirect_dma source(%dma_start3A_20 : memref<32768x16xf32, #tpu.memory_space<hbm>>) target(%dma_start3A_16 : memref<128x16xf32, #tpu.memory_space<vmem>>) offsets(%dma_start3A_17 : memref<128xi32, #tpu.memory_space<vmem>>) semaphore(%arg7 : memref<!tpu.dma_semaphore, #tpu.memory_space<semaphore_mem>>)
      %mul3A_21 = arith.constant 1024 : i32
      %mul3A_22 = arith.muli %scan3A_9, %mul3A_21 : i32
      %add3A_23 = arith.constant 128 : i32
      %add3A_24 = arith.addi %mul3A_22, %add3A_23 : i32
      %dma_start3A_25 = arith.constant 128 : i32
      %dma_start3A_26 = arith.constant 0 : i32
      %dma_start3A_27 = tpu.memref_slice %arg6[%dma_start3A_25, %dma_start3A_26] : memref<1024x16xf32, #tpu.memory_space<vmem>> -> memref<128x16xf32, #tpu.memory_space<vmem>>
      %dma_start3A_28 = tpu.memref_slice %arg5[%add3A_24] : memref<8192xi32, #tpu.memory_space<vmem>> -> memref<128xi32, #tpu.memory_space<vmem>>
      %dma_start3A_29 = arith.constant 0 : i32
      %dma_start3A_30 = arith.constant 0 : i32
      %dma_start3A_31 = tpu.memref_slice %arg2[%dma_start3A_29, %dma_start3A_30] : memref<32768x16xf32, #tpu.memory_space<hbm>> -> memref<32768x16xf32, #tpu.memory_space<hbm>>
      tpu.enqueue_indirect_dma source(%dma_start3A_31 : memref<32768x16xf32, #tpu.memory_space<hbm>>) target(%dma_start3A_27 : memref<128x16xf32, #tpu.memory_space<vmem>>) offsets(%dma_start3A_28 : memref<128xi32, #tpu.memory_space<vmem>>) semaphore(%arg7 : memref<!tpu.dma_semaphore, #tpu.memory_space<semaphore_mem>>)
      %mul3A_32 = arith.constant 1024 : i32
      %mul3A_33 = arith.muli %scan3A_9, %mul3A_32 : i32
      %add3A_34 = arith.constant 256 : i32
      %add3A_35 = arith.addi %mul3A_33, %add3A_34 : i32
      %dma_start3A_36 = arith.constant 256 : i32
      %dma_start3A_37 = arith.constant 0 : i32
      %dma_start3A_38 = tpu.memref_slice %arg6[%dma_start3A_36, %dma_start3A_37] : memref<1024x16xf32, #tpu.memory_space<vmem>> -> memref<128x16xf32, #tpu.memory_space<vmem>>
      %dma_start3A_39 = tpu.memref_slice %arg5[%add3A_35] : memref<8192xi32, #tpu.memory_space<vmem>> -> memref<128xi32, #tpu.memory_space<vmem>>
      %dma_start3A_40 = arith.constant 0 : i32
      %dma_start3A_41 = arith.constant 0 : i32
      %dma_start3A_42 = tpu.memref_slice %arg2[%dma_start3A_40, %dma_start3A_41] : memref<32768x16xf32, #tpu.memory_space<hbm>> -> memref<32768x16xf32, #tpu.memory_space<hbm>>
      tpu.enqueue_indirect_dma source(%dma_start3A_42 : memref<32768x16xf32, #tpu.memory_space<hbm>>) target(%dma_start3A_38 : memref<128x16xf32, #tpu.memory_space<vmem>>) offsets(%dma_start3A_39 : memref<128xi32, #tpu.memory_space<vmem>>) semaphore(%arg7 : memref<!tpu.dma_semaphore, #tpu.memory_space<semaphore_mem>>)
      %mul3A_43 = arith.constant 1024 : i32
      %mul3A_44 = arith.muli %scan3A_9, %mul3A_43 : i32
      %add3A_45 = arith.constant 384 : i32
      %add3A_46 = arith.addi %mul3A_44, %add3A_45 : i32
      %dma_start3A_47 = arith.constant 384 : i32
      %dma_start3A_48 = arith.constant 0 : i32
      %dma_start3A_49 = tpu.memref_slice %arg6[%dma_start3A_47, %dma_start3A_48] : memref<1024x16xf32, #tpu.memory_space<vmem>> -> memref<128x16xf32, #tpu.memory_space<vmem>>
      %dma_start3A_50 = tpu.memref_slice %arg5[%add3A_46] : memref<8192xi32, #tpu.memory_space<vmem>> -> memref<128xi32, #tpu.memory_space<vmem>>
      %dma_start3A_51 = arith.constant 0 : i32
      %dma_start3A_52 = arith.constant 0 : i32
      %dma_start3A_53 = tpu.memref_slice %arg2[%dma_start3A_51, %dma_start3A_52] : memref<32768x16xf32, #tpu.memory_space<hbm>> -> memref<32768x16xf32, #tpu.memory_space<hbm>>
      tpu.enqueue_indirect_dma source(%dma_start3A_53 : memref<32768x16xf32, #tpu.memory_space<hbm>>) target(%dma_start3A_49 : memref<128x16xf32, #tpu.memory_space<vmem>>) offsets(%dma_start3A_50 : memref<128xi32, #tpu.memory_space<vmem>>) semaphore(%arg7 : memref<!tpu.dma_semaphore, #tpu.memory_space<semaphore_mem>>)
      %mul3A_54 = arith.constant 1024 : i32
      %mul3A_55 = arith.muli %scan3A_9, %mul3A_54 : i32
      %add3A_56 = arith.constant 512 : i32
      %add3A_57 = arith.addi %mul3A_55, %add3A_56 : i32
      %dma_start3A_58 = arith.constant 512 : i32
      %dma_start3A_59 = arith.constant 0 : i32
      %dma_start3A_60 = tpu.memref_slice %arg6[%dma_start3A_58, %dma_start3A_59] : memref<1024x16xf32, #tpu.memory_space<vmem>> -> memref<128x16xf32, #tpu.memory_space<vmem>>
      %dma_start3A_61 = tpu.memref_slice %arg5[%add3A_57] : memref<8192xi32, #tpu.memory_space<vmem>> -> memref<128xi32, #tpu.memory_space<vmem>>
      %dma_start3A_62 = arith.constant 0 : i32
      %dma_start3A_63 = arith.constant 0 : i32
      %dma_start3A_64 = tpu.memref_slice %arg2[%dma_start3A_62, %dma_start3A_63] : memref<32768x16xf32, #tpu.memory_space<hbm>> -> memref<32768x16xf32, #tpu.memory_space<hbm>>
      tpu.enqueue_indirect_dma source(%dma_start3A_64 : memref<32768x16xf32, #tpu.memory_space<hbm>>) target(%dma_start3A_60 : memref<128x16xf32, #tpu.memory_space<vmem>>) offsets(%dma_start3A_61 : memref<128xi32, #tpu.memory_space<vmem>>) semaphore(%arg7 : memref<!tpu.dma_semaphore, #tpu.memory_space<semaphore_mem>>)
      %mul3A_65 = arith.constant 1024 : i32
      %mul3A_66 = arith.muli %scan3A_9, %mul3A_65 : i32
      %add3A_67 = arith.constant 640 : i32
      %add3A_68 = arith.addi %mul3A_66, %add3A_67 : i32
      %dma_start3A_69 = arith.constant 640 : i32
      %dma_start3A_70 = arith.constant 0 : i32
      %dma_start3A_71 = tpu.memref_slice %arg6[%dma_start3A_69, %dma_start3A_70] : memref<1024x16xf32, #tpu.memory_space<vmem>> -> memref<128x16xf32, #tpu.memory_space<vmem>>
      %dma_start3A_72 = tpu.memref_slice %arg5[%add3A_68] : memref<8192xi32, #tpu.memory_space<vmem>> -> memref<128xi32, #tpu.memory_space<vmem>>
      %dma_start3A_73 = arith.constant 0 : i32
      %dma_start3A_74 = arith.constant 0 : i32
      %dma_start3A_75 = tpu.memref_slice %arg2[%dma_start3A_73, %dma_start3A_74] : memref<32768x16xf32, #tpu.memory_space<hbm>> -> memref<32768x16xf32, #tpu.memory_space<hbm>>
      tpu.enqueue_indirect_dma source(%dma_start3A_75 : memref<32768x16xf32, #tpu.memory_space<hbm>>) target(%dma_start3A_71 : memref<128x16xf32, #tpu.memory_space<vmem>>) offsets(%dma_start3A_72 : memref<128xi32, #tpu.memory_space<vmem>>) semaphore(%arg7 : memref<!tpu.dma_semaphore, #tpu.memory_space<semaphore_mem>>)
      %mul3A_76 = arith.constant 1024 : i32
      %mul3A_77 = arith.muli %scan3A_9, %mul3A_76 : i32
      %add3A_78 = arith.constant 768 : i32
      %add3A_79 = arith.addi %mul3A_77, %add3A_78 : i32
      %dma_start3A_80 = arith.constant 768 : i32
      %dma_start3A_81 = arith.constant 0 : i32
      %dma_start3A_82 = tpu.memref_slice %arg6[%dma_start3A_80, %dma_start3A_81] : memref<1024x16xf32, #tpu.memory_space<vmem>> -> memref<128x16xf32, #tpu.memory_space<vmem>>
      %dma_start3A_83 = tpu.memref_slice %arg5[%add3A_79] : memref<8192xi32, #tpu.memory_space<vmem>> -> memref<128xi32, #tpu.memory_space<vmem>>
      %dma_start3A_84 = arith.constant 0 : i32
      %dma_start3A_85 = arith.constant 0 : i32
      %dma_start3A_86 = tpu.memref_slice %arg2[%dma_start3A_84, %dma_start3A_85] : memref<32768x16xf32, #tpu.memory_space<hbm>> -> memref<32768x16xf32, #tpu.memory_space<hbm>>
      tpu.enqueue_indirect_dma source(%dma_start3A_86 : memref<32768x16xf32, #tpu.memory_space<hbm>>) target(%dma_start3A_82 : memref<128x16xf32, #tpu.memory_space<vmem>>) offsets(%dma_start3A_83 : memref<128xi32, #tpu.memory_space<vmem>>) semaphore(%arg7 : memref<!tpu.dma_semaphore, #tpu.memory_space<semaphore_mem>>)
      %mul3A_87 = arith.constant 1024 : i32
      %mul3A_88 = arith.muli %scan3A_9, %mul3A_87 : i32
      %add3A_89 = arith.constant 896 : i32
      %add3A_90 = arith.addi %mul3A_88, %add3A_89 : i32
      %dma_start3A_91 = arith.constant 896 : i32
      %dma_start3A_92 = arith.constant 0 : i32
      %dma_start3A_93 = tpu.memref_slice %arg6[%dma_start3A_91, %dma_start3A_92] : memref<1024x16xf32, #tpu.memory_space<vmem>> -> memref<128x16xf32, #tpu.memory_space<vmem>>
      %dma_start3A_94 = tpu.memref_slice %arg5[%add3A_90] : memref<8192xi32, #tpu.memory_space<vmem>> -> memref<128xi32, #tpu.memory_space<vmem>>
      %dma_start3A_95 = arith.constant 0 : i32
      %dma_start3A_96 = arith.constant 0 : i32
      %dma_start3A_97 = tpu.memref_slice %arg2[%dma_start3A_95, %dma_start3A_96] : memref<32768x16xf32, #tpu.memory_space<hbm>> -> memref<32768x16xf32, #tpu.memory_space<hbm>>
      tpu.enqueue_indirect_dma source(%dma_start3A_97 : memref<32768x16xf32, #tpu.memory_space<hbm>>) target(%dma_start3A_93 : memref<128x16xf32, #tpu.memory_space<vmem>>) offsets(%dma_start3A_94 : memref<128xi32, #tpu.memory_space<vmem>>) semaphore(%arg7 : memref<!tpu.dma_semaphore, #tpu.memory_space<semaphore_mem>>)
      %dma_wait3A = arith.constant 0 : i32
      %dma_wait3A_98 = arith.constant 0 : i32
      %dma_wait3A_99 = tpu.memref_slice %arg6[%dma_wait3A, %dma_wait3A_98] : memref<1024x16xf32, #tpu.memory_space<vmem>> -> memref<128x16xf32, #tpu.memory_space<vmem>>
      %dma_wait3A_100 = tpu.memref_slice %arg5[%add3A_14] : memref<8192xi32, #tpu.memory_space<vmem>> -> memref<128xi32, #tpu.memory_space<vmem>>
      %dma_wait3A_101 = arith.constant 0 : i32
      %dma_wait3A_102 = arith.constant 0 : i32
      %dma_wait3A_103 = tpu.memref_slice %arg2[%dma_wait3A_101, %dma_wait3A_102] : memref<32768x16xf32, #tpu.memory_space<hbm>> -> memref<32768x16xf32, #tpu.memory_space<hbm>>
      tpu.wait_indirect_dma semaphore(%arg7 : memref<!tpu.dma_semaphore, #tpu.memory_space<semaphore_mem>>) src(%dma_wait3A_103 : memref<32768x16xf32, #tpu.memory_space<hbm>>) dst(%dma_wait3A_99 : memref<128x16xf32, #tpu.memory_space<vmem>>)
      %dma_wait3A_104 = arith.constant 128 : i32
      %dma_wait3A_105 = arith.constant 0 : i32
      %dma_wait3A_106 = tpu.memref_slice %arg6[%dma_wait3A_104, %dma_wait3A_105] : memref<1024x16xf32, #tpu.memory_space<vmem>> -> memref<128x16xf32, #tpu.memory_space<vmem>>
      %dma_wait3A_107 = tpu.memref_slice %arg5[%add3A_24] : memref<8192xi32, #tpu.memory_space<vmem>> -> memref<128xi32, #tpu.memory_space<vmem>>
      %dma_wait3A_108 = arith.constant 0 : i32
      %dma_wait3A_109 = arith.constant 0 : i32
      %dma_wait3A_110 = tpu.memref_slice %arg2[%dma_wait3A_108, %dma_wait3A_109] : memref<32768x16xf32, #tpu.memory_space<hbm>> -> memref<32768x16xf32, #tpu.memory_space<hbm>>
      tpu.wait_indirect_dma semaphore(%arg7 : memref<!tpu.dma_semaphore, #tpu.memory_space<semaphore_mem>>) src(%dma_wait3A_110 : memref<32768x16xf32, #tpu.memory_space<hbm>>) dst(%dma_wait3A_106 : memref<128x16xf32, #tpu.memory_space<vmem>>)
      %dma_wait3A_111 = arith.constant 256 : i32
      %dma_wait3A_112 = arith.constant 0 : i32
      %dma_wait3A_113 = tpu.memref_slice %arg6[%dma_wait3A_111, %dma_wait3A_112] : memref<1024x16xf32, #tpu.memory_space<vmem>> -> memref<128x16xf32, #tpu.memory_space<vmem>>
      %dma_wait3A_114 = tpu.memref_slice %arg5[%add3A_35] : memref<8192xi32, #tpu.memory_space<vmem>> -> memref<128xi32, #tpu.memory_space<vmem>>
      %dma_wait3A_115 = arith.constant 0 : i32
      %dma_wait3A_116 = arith.constant 0 : i32
      %dma_wait3A_117 = tpu.memref_slice %arg2[%dma_wait3A_115, %dma_wait3A_116] : memref<32768x16xf32, #tpu.memory_space<hbm>> -> memref<32768x16xf32, #tpu.memory_space<hbm>>
      tpu.wait_indirect_dma semaphore(%arg7 : memref<!tpu.dma_semaphore, #tpu.memory_space<semaphore_mem>>) src(%dma_wait3A_117 : memref<32768x16xf32, #tpu.memory_space<hbm>>) dst(%dma_wait3A_113 : memref<128x16xf32, #tpu.memory_space<vmem>>)
      %dma_wait3A_118 = arith.constant 384 : i32
      %dma_wait3A_119 = arith.constant 0 : i32
      %dma_wait3A_120 = tpu.memref_slice %arg6[%dma_wait3A_118, %dma_wait3A_119] : memref<1024x16xf32, #tpu.memory_space<vmem>> -> memref<128x16xf32, #tpu.memory_space<vmem>>
      %dma_wait3A_121 = tpu.memref_slice %arg5[%add3A_46] : memref<8192xi32, #tpu.memory_space<vmem>> -> memref<128xi32, #tpu.memory_space<vmem>>
      %dma_wait3A_122 = arith.constant 0 : i32
      %dma_wait3A_123 = arith.constant 0 : i32
      %dma_wait3A_124 = tpu.memref_slice %arg2[%dma_wait3A_122, %dma_wait3A_123] : memref<32768x16xf32, #tpu.memory_space<hbm>> -> memref<32768x16xf32, #tpu.memory_space<hbm>>
      tpu.wait_indirect_dma semaphore(%arg7 : memref<!tpu.dma_semaphore, #tpu.memory_space<semaphore_mem>>) src(%dma_wait3A_124 : memref<32768x16xf32, #tpu.memory_space<hbm>>) dst(%dma_wait3A_120 : memref<128x16xf32, #tpu.memory_space<vmem>>)
      %dma_wait3A_125 = arith.constant 512 : i32
      %dma_wait3A_126 = arith.constant 0 : i32
      %dma_wait3A_127 = tpu.memref_slice %arg6[%dma_wait3A_125, %dma_wait3A_126] : memref<1024x16xf32, #tpu.memory_space<vmem>> -> memref<128x16xf32, #tpu.memory_space<vmem>>
      %dma_wait3A_128 = tpu.memref_slice %arg5[%add3A_57] : memref<8192xi32, #tpu.memory_space<vmem>> -> memref<128xi32, #tpu.memory_space<vmem>>
      %dma_wait3A_129 = arith.constant 0 : i32
      %dma_wait3A_130 = arith.constant 0 : i32
      %dma_wait3A_131 = tpu.memref_slice %arg2[%dma_wait3A_129, %dma_wait3A_130] : memref<32768x16xf32, #tpu.memory_space<hbm>> -> memref<32768x16xf32, #tpu.memory_space<hbm>>
      tpu.wait_indirect_dma semaphore(%arg7 : memref<!tpu.dma_semaphore, #tpu.memory_space<semaphore_mem>>) src(%dma_wait3A_131 : memref<32768x16xf32, #tpu.memory_space<hbm>>) dst(%dma_wait3A_127 : memref<128x16xf32, #tpu.memory_space<vmem>>)
      %dma_wait3A_132 = arith.constant 640 : i32
      %dma_wait3A_133 = arith.constant 0 : i32
      %dma_wait3A_134 = tpu.memref_slice %arg6[%dma_wait3A_132, %dma_wait3A_133] : memref<1024x16xf32, #tpu.memory_space<vmem>> -> memref<128x16xf32, #tpu.memory_space<vmem>>
      %dma_wait3A_135 = tpu.memref_slice %arg5[%add3A_68] : memref<8192xi32, #tpu.memory_space<vmem>> -> memref<128xi32, #tpu.memory_space<vmem>>
      %dma_wait3A_136 = arith.constant 0 : i32
      %dma_wait3A_137 = arith.constant 0 : i32
      %dma_wait3A_138 = tpu.memref_slice %arg2[%dma_wait3A_136, %dma_wait3A_137] : memref<32768x16xf32, #tpu.memory_space<hbm>> -> memref<32768x16xf32, #tpu.memory_space<hbm>>
      tpu.wait_indirect_dma semaphore(%arg7 : memref<!tpu.dma_semaphore, #tpu.memory_space<semaphore_mem>>) src(%dma_wait3A_138 : memref<32768x16xf32, #tpu.memory_space<hbm>>) dst(%dma_wait3A_134 : memref<128x16xf32, #tpu.memory_space<vmem>>)
      %dma_wait3A_139 = arith.constant 768 : i32
      %dma_wait3A_140 = arith.constant 0 : i32
      %dma_wait3A_141 = tpu.memref_slice %arg6[%dma_wait3A_139, %dma_wait3A_140] : memref<1024x16xf32, #tpu.memory_space<vmem>> -> memref<128x16xf32, #tpu.memory_space<vmem>>
      %dma_wait3A_142 = tpu.memref_slice %arg5[%add3A_79] : memref<8192xi32, #tpu.memory_space<vmem>> -> memref<128xi32, #tpu.memory_space<vmem>>
      %dma_wait3A_143 = arith.constant 0 : i32
      %dma_wait3A_144 = arith.constant 0 : i32
      %dma_wait3A_145 = tpu.memref_slice %arg2[%dma_wait3A_143, %dma_wait3A_144] : memref<32768x16xf32, #tpu.memory_space<hbm>> -> memref<32768x16xf32, #tpu.memory_space<hbm>>
      tpu.wait_indirect_dma semaphore(%arg7 : memref<!tpu.dma_semaphore, #tpu.memory_space<semaphore_mem>>) src(%dma_wait3A_145 : memref<32768x16xf32, #tpu.memory_space<hbm>>) dst(%dma_wait3A_141 : memref<128x16xf32, #tpu.memory_space<vmem>>)
      %dma_wait3A_146 = arith.constant 896 : i32
      %dma_wait3A_147 = arith.constant 0 : i32
      %dma_wait3A_148 = tpu.memref_slice %arg6[%dma_wait3A_146, %dma_wait3A_147] : memref<1024x16xf32, #tpu.memory_space<vmem>> -> memref<128x16xf32, #tpu.memory_space<vmem>>
      %dma_wait3A_149 = tpu.memref_slice %arg5[%add3A_90] : memref<8192xi32, #tpu.memory_space<vmem>> -> memref<128xi32, #tpu.memory_space<vmem>>
      %dma_wait3A_150 = arith.constant 0 : i32
      %dma_wait3A_151 = arith.constant 0 : i32
      %dma_wait3A_152 = tpu.memref_slice %arg2[%dma_wait3A_150, %dma_wait3A_151] : memref<32768x16xf32, #tpu.memory_space<hbm>> -> memref<32768x16xf32, #tpu.memory_space<hbm>>
      tpu.wait_indirect_dma semaphore(%arg7 : memref<!tpu.dma_semaphore, #tpu.memory_space<semaphore_mem>>) src(%dma_wait3A_152 : memref<32768x16xf32, #tpu.memory_space<hbm>>) dst(%dma_wait3A_148 : memref<128x16xf32, #tpu.memory_space<vmem>>)
      %mul3A_153 = arith.constant 1024 : i32
      %mul3A_154 = arith.muli %scan3A_9, %mul3A_153 : i32
      %add3A_155 = arith.addi %mul3A_2, %mul3A_154 : i32
      "tpu.region"() ({
        %run_scoped3A = tpu.sem_alloc : memref<!tpu.dma_semaphore, #tpu.memory_space<semaphore_mem>>
        %dma_start3A_157 = arith.constant 0 : i32
        %dma_start3A_158 = tpu.memref_slice %arg4[%add3A_155, %dma_start3A_157] : memref<262144x16xf32, #tpu.memory_space<hbm>> -> memref<1024x16xf32, #tpu.memory_space<hbm>>
        %dma_start3A_159 = arith.constant 0 : i32
        %dma_start3A_160 = tpu.memref_slice %arg4[%add3A_155, %dma_start3A_159] : memref<262144x16xf32, #tpu.memory_space<hbm>> -> memref<1024x16xf32, #tpu.memory_space<hbm>>
        tpu.enqueue_dma source(%arg6 : memref<1024x16xf32, #tpu.memory_space<vmem>>) target(%dma_start3A_160 : memref<1024x16xf32, #tpu.memory_space<hbm>>) target_semaphore(%run_scoped3A : memref<!tpu.dma_semaphore, #tpu.memory_space<semaphore_mem>>)
        %dma_wait3A_161 = arith.constant 0 : i32
        %dma_wait3A_162 = tpu.memref_slice %arg4[%add3A_155, %dma_wait3A_161] : memref<262144x16xf32, #tpu.memory_space<hbm>> -> memref<1024x16xf32, #tpu.memory_space<hbm>>
        %dma_wait3A_163 = arith.constant 0 : i32
        %dma_wait3A_164 = tpu.memref_slice %arg4[%add3A_155, %dma_wait3A_163] : memref<262144x16xf32, #tpu.memory_space<hbm>> -> memref<1024x16xf32, #tpu.memory_space<hbm>>
        tpu.wait_dma2 semaphore(%run_scoped3A : memref<!tpu.dma_semaphore, #tpu.memory_space<semaphore_mem>>) src(%arg6 : memref<1024x16xf32, #tpu.memory_space<vmem>>) dst(%dma_wait3A_164 : memref<1024x16xf32, #tpu.memory_space<hbm>>)
        tpu.yield
      }) : () -> ()
      %scan3A_156 = arith.constant 0 : i32
      scf.yield %scan3A_156 : i32
    }
    %scan3A_8 = arith.constant 8 : i32
    return
  }
}

#map = affine_map<(d0, d1) -> (0, 0)>
#map1 = affine_map<(d0, d1) -> (0)>
module attributes {stable_mosaic.version = 14 : i64} {
  func.func @k(%arg0: i32, %arg1: i32, %arg2: memref<8192x144xf32, #tpu.memory_space<hbm>>, %arg3: memref<131072xi32, #tpu.memory_space<hbm>>, %arg4: memref<131072x144xf32, #tpu.memory_space<hbm>>, %arg5: memref<4096xi32, #tpu.memory_space<vmem>>, %arg6: memref<256x144xf32, #tpu.memory_space<vmem>>, %arg7: memref<!tpu.dma_semaphore, #tpu.memory_space<semaphore_mem>>) attributes {dimension_semantics = [#tpu.dimension_semantics<core_parallel>, #tpu.dimension_semantics<subcore_parallel>], iteration_bounds = array<i64: 2, 16>, scalar_prefetch = 0 : i64, scratch_operands = 3 : i64, tpu.core_type = #tpu.core_type<sc_vector_subcore>, window_params = [{transform_indices = #map}, {transform_indices = #map1}, {transform_indices = #map}]} {
    %mul3A = arith.constant 2 : i32
    %mul3A_0 = arith.muli %arg1, %mul3A : i32
    %add3A = arith.addi %mul3A_0, %arg0 : i32
    %mul3A_1 = arith.constant 4096 : i32
    %mul3A_2 = arith.muli %add3A, %mul3A_1 : i32
    "tpu.region"() ({
      %run_scoped3A = tpu.sem_alloc : memref<!tpu.dma_semaphore, #tpu.memory_space<semaphore_mem>>
      %dma_start3A = tpu.memref_slice %arg3[%mul3A_2] : memref<131072xi32, #tpu.memory_space<hbm>> -> memref<4096xi32, #tpu.memory_space<hbm>>
      %dma_start3A_9 = tpu.memref_slice %arg3[%mul3A_2] : memref<131072xi32, #tpu.memory_space<hbm>> -> memref<4096xi32, #tpu.memory_space<hbm>>
      tpu.enqueue_dma source(%dma_start3A_9 : memref<4096xi32, #tpu.memory_space<hbm>>) target(%arg5 : memref<4096xi32, #tpu.memory_space<vmem>>) target_semaphore(%run_scoped3A : memref<!tpu.dma_semaphore, #tpu.memory_space<semaphore_mem>>)
      %dma_wait3A = tpu.memref_slice %arg3[%mul3A_2] : memref<131072xi32, #tpu.memory_space<hbm>> -> memref<4096xi32, #tpu.memory_space<hbm>>
      %dma_wait3A_10 = tpu.memref_slice %arg3[%mul3A_2] : memref<131072xi32, #tpu.memory_space<hbm>> -> memref<4096xi32, #tpu.memory_space<hbm>>
      tpu.wait_dma2 semaphore(%run_scoped3A : memref<!tpu.dma_semaphore, #tpu.memory_space<semaphore_mem>>) src(%dma_wait3A_10 : memref<4096xi32, #tpu.memory_space<hbm>>) dst(%arg5 : memref<4096xi32, #tpu.memory_space<vmem>>)
      tpu.yield
    }) : () -> ()
    %scan3A = arith.constant 0 : i32
    %scan3A_3 = arith.constant 0 : i32
    %scan3A_4 = arith.constant 16 : i32
    %scan3A_5 = arith.addi %scan3A_3, %scan3A_4 : i32
    %scan3A_6 = arith.constant 1 : i32
    %scan3A_7 = scf.for %scan3A_9 = %scan3A_3 to %scan3A_5 step %scan3A_6 iter_args(%scan3A_10 = %scan3A) -> (i32)  : i32 {
      %mul3A_11 = arith.constant 256 : i32
      %mul3A_12 = arith.muli %scan3A_9, %mul3A_11 : i32
      %add3A_13 = arith.constant 0 : i32
      %add3A_14 = arith.addi %mul3A_12, %add3A_13 : i32
      %dma_start3A = arith.constant 0 : i32
      %dma_start3A_15 = arith.constant 0 : i32
      %dma_start3A_16 = tpu.memref_slice %arg6[%dma_start3A, %dma_start3A_15] : memref<256x144xf32, #tpu.memory_space<vmem>> -> memref<128x144xf32, #tpu.memory_space<vmem>>
      %dma_start3A_17 = tpu.memref_slice %arg5[%add3A_14] : memref<4096xi32, #tpu.memory_space<vmem>> -> memref<128xi32, #tpu.memory_space<vmem>>
      %dma_start3A_18 = arith.constant 0 : i32
      %dma_start3A_19 = arith.constant 0 : i32
      %dma_start3A_20 = tpu.memref_slice %arg2[%dma_start3A_18, %dma_start3A_19] : memref<8192x144xf32, #tpu.memory_space<hbm>> -> memref<8192x144xf32, #tpu.memory_space<hbm>>
      tpu.enqueue_indirect_dma source(%dma_start3A_20 : memref<8192x144xf32, #tpu.memory_space<hbm>>) target(%dma_start3A_16 : memref<128x144xf32, #tpu.memory_space<vmem>>) offsets(%dma_start3A_17 : memref<128xi32, #tpu.memory_space<vmem>>) semaphore(%arg7 : memref<!tpu.dma_semaphore, #tpu.memory_space<semaphore_mem>>)
      %mul3A_21 = arith.constant 256 : i32
      %mul3A_22 = arith.muli %scan3A_9, %mul3A_21 : i32
      %add3A_23 = arith.constant 128 : i32
      %add3A_24 = arith.addi %mul3A_22, %add3A_23 : i32
      %dma_start3A_25 = arith.constant 128 : i32
      %dma_start3A_26 = arith.constant 0 : i32
      %dma_start3A_27 = tpu.memref_slice %arg6[%dma_start3A_25, %dma_start3A_26] : memref<256x144xf32, #tpu.memory_space<vmem>> -> memref<128x144xf32, #tpu.memory_space<vmem>>
      %dma_start3A_28 = tpu.memref_slice %arg5[%add3A_24] : memref<4096xi32, #tpu.memory_space<vmem>> -> memref<128xi32, #tpu.memory_space<vmem>>
      %dma_start3A_29 = arith.constant 0 : i32
      %dma_start3A_30 = arith.constant 0 : i32
      %dma_start3A_31 = tpu.memref_slice %arg2[%dma_start3A_29, %dma_start3A_30] : memref<8192x144xf32, #tpu.memory_space<hbm>> -> memref<8192x144xf32, #tpu.memory_space<hbm>>
      tpu.enqueue_indirect_dma source(%dma_start3A_31 : memref<8192x144xf32, #tpu.memory_space<hbm>>) target(%dma_start3A_27 : memref<128x144xf32, #tpu.memory_space<vmem>>) offsets(%dma_start3A_28 : memref<128xi32, #tpu.memory_space<vmem>>) semaphore(%arg7 : memref<!tpu.dma_semaphore, #tpu.memory_space<semaphore_mem>>)
      %dma_wait3A = arith.constant 0 : i32
      %dma_wait3A_32 = arith.constant 0 : i32
      %dma_wait3A_33 = tpu.memref_slice %arg6[%dma_wait3A, %dma_wait3A_32] : memref<256x144xf32, #tpu.memory_space<vmem>> -> memref<128x144xf32, #tpu.memory_space<vmem>>
      %dma_wait3A_34 = tpu.memref_slice %arg5[%add3A_14] : memref<4096xi32, #tpu.memory_space<vmem>> -> memref<128xi32, #tpu.memory_space<vmem>>
      %dma_wait3A_35 = arith.constant 0 : i32
      %dma_wait3A_36 = arith.constant 0 : i32
      %dma_wait3A_37 = tpu.memref_slice %arg2[%dma_wait3A_35, %dma_wait3A_36] : memref<8192x144xf32, #tpu.memory_space<hbm>> -> memref<8192x144xf32, #tpu.memory_space<hbm>>
      tpu.wait_indirect_dma semaphore(%arg7 : memref<!tpu.dma_semaphore, #tpu.memory_space<semaphore_mem>>) src(%dma_wait3A_37 : memref<8192x144xf32, #tpu.memory_space<hbm>>) dst(%dma_wait3A_33 : memref<128x144xf32, #tpu.memory_space<vmem>>)
      %dma_wait3A_38 = arith.constant 128 : i32
      %dma_wait3A_39 = arith.constant 0 : i32
      %dma_wait3A_40 = tpu.memref_slice %arg6[%dma_wait3A_38, %dma_wait3A_39] : memref<256x144xf32, #tpu.memory_space<vmem>> -> memref<128x144xf32, #tpu.memory_space<vmem>>
      %dma_wait3A_41 = tpu.memref_slice %arg5[%add3A_24] : memref<4096xi32, #tpu.memory_space<vmem>> -> memref<128xi32, #tpu.memory_space<vmem>>
      %dma_wait3A_42 = arith.constant 0 : i32
      %dma_wait3A_43 = arith.constant 0 : i32
      %dma_wait3A_44 = tpu.memref_slice %arg2[%dma_wait3A_42, %dma_wait3A_43] : memref<8192x144xf32, #tpu.memory_space<hbm>> -> memref<8192x144xf32, #tpu.memory_space<hbm>>
      tpu.wait_indirect_dma semaphore(%arg7 : memref<!tpu.dma_semaphore, #tpu.memory_space<semaphore_mem>>) src(%dma_wait3A_44 : memref<8192x144xf32, #tpu.memory_space<hbm>>) dst(%dma_wait3A_40 : memref<128x144xf32, #tpu.memory_space<vmem>>)
      %mul3A_45 = arith.constant 256 : i32
      %mul3A_46 = arith.muli %scan3A_9, %mul3A_45 : i32
      %add3A_47 = arith.addi %mul3A_2, %mul3A_46 : i32
      "tpu.region"() ({
        %run_scoped3A = tpu.sem_alloc : memref<!tpu.dma_semaphore, #tpu.memory_space<semaphore_mem>>
        %dma_start3A_49 = arith.constant 0 : i32
        %dma_start3A_50 = tpu.memref_slice %arg4[%add3A_47, %dma_start3A_49] : memref<131072x144xf32, #tpu.memory_space<hbm>> -> memref<256x144xf32, #tpu.memory_space<hbm>>
        %dma_start3A_51 = arith.constant 0 : i32
        %dma_start3A_52 = tpu.memref_slice %arg4[%add3A_47, %dma_start3A_51] : memref<131072x144xf32, #tpu.memory_space<hbm>> -> memref<256x144xf32, #tpu.memory_space<hbm>>
        tpu.enqueue_dma source(%arg6 : memref<256x144xf32, #tpu.memory_space<vmem>>) target(%dma_start3A_52 : memref<256x144xf32, #tpu.memory_space<hbm>>) target_semaphore(%run_scoped3A : memref<!tpu.dma_semaphore, #tpu.memory_space<semaphore_mem>>)
        %dma_wait3A_53 = arith.constant 0 : i32
        %dma_wait3A_54 = tpu.memref_slice %arg4[%add3A_47, %dma_wait3A_53] : memref<131072x144xf32, #tpu.memory_space<hbm>> -> memref<256x144xf32, #tpu.memory_space<hbm>>
        %dma_wait3A_55 = arith.constant 0 : i32
        %dma_wait3A_56 = tpu.memref_slice %arg4[%add3A_47, %dma_wait3A_55] : memref<131072x144xf32, #tpu.memory_space<hbm>> -> memref<256x144xf32, #tpu.memory_space<hbm>>
        tpu.wait_dma2 semaphore(%run_scoped3A : memref<!tpu.dma_semaphore, #tpu.memory_space<semaphore_mem>>) src(%arg6 : memref<256x144xf32, #tpu.memory_space<vmem>>) dst(%dma_wait3A_56 : memref<256x144xf32, #tpu.memory_space<hbm>>)
        tpu.yield
      }) : () -> ()
      %scan3A_48 = arith.constant 0 : i32
      scf.yield %scan3A_48 : i32
    }
    %scan3A_8 = arith.constant 16 : i32
    return
  }
}

module attributes {stable_mosaic.version = 14 : i64} {
  func.func @body(%arg0: memref<16x2048xf32, #tpu.memory_space<vmem>>, %arg1: memref<16x2048xf32, #tpu.memory_space<vmem>>, %arg2: memref<16x2048xf32, #tpu.memory_space<vmem>>, %arg3: memref<16x512xf32, #tpu.memory_space<vmem>>, %arg4: memref<16x512xf32, #tpu.memory_space<vmem>>, %arg5: memref<16x512xf32, #tpu.memory_space<vmem>>, %arg6: memref<16x2048xf32, #tpu.memory_space<vmem>>) attributes {dimension_semantics = [], scalar_prefetch = 0 : i64, scratch_operands = 1 : i64, tpu.core_type = #tpu.core_type<tc>} {
    %get3A = arith.constant 0 : index
    %get3A_0 = arith.constant 0 : index
    %get3A_1 = vector.load %arg0[%get3A, %get3A_0] : memref<16x2048xf32, #tpu.memory_space<vmem>>, vector<16x2048xf32>
    %get3A_2 = arith.constant 0 : index
    %get3A_3 = arith.constant 0 : index
    %get3A_4 = vector.load %arg1[%get3A_2, %get3A_3] : memref<16x2048xf32, #tpu.memory_space<vmem>>, vector<16x2048xf32>
    %get3A_5 = arith.constant 0 : index
    %get3A_6 = arith.constant 0 : index
    %get3A_7 = vector.load %arg2[%get3A_5, %get3A_6] : memref<16x2048xf32, #tpu.memory_space<vmem>>, vector<16x2048xf32>
    %iota3A = tpu.iota {dimensions = array<i32: 1>} : vector<16x2048xi32>
    %iota3A_8 = tpu.iota {dimensions = array<i32: 1>} : vector<16x512xi32>
    %broadcast_in_dim3A = arith.constant 1.000000e+10 : f32
    %broadcast_in_dim3A_9 = vector.broadcast %broadcast_in_dim3A : f32 to vector<16x2048xf32>
    %swap3A = arith.constant 0 : index
    %swap3A_10 = arith.constant 0 : index
    %swap3A_11 = vector.load %arg6[%swap3A, %swap3A_10] : memref<16x2048xf32, #tpu.memory_space<vmem>>, vector<16x2048xf32>
    tpu.vector_store %arg6[%swap3A, %swap3A_10], %broadcast_in_dim3A_9 {strides = array<i32>} : memref<16x2048xf32, #tpu.memory_space<vmem>>, vector<16x2048xf32>,
    %broadcast_in_dim3A_12 = arith.constant 0 : i32
    %broadcast_in_dim3A_13 = vector.broadcast %broadcast_in_dim3A_12 : i32 to vector<16x1xi32>
    %broadcast_in_dim3A_14 = arith.constant 0.000000e+00 : f32
    %broadcast_in_dim3A_15 = vector.broadcast %broadcast_in_dim3A_14 : f32 to vector<16x512xf32>
    %scan3A = arith.constant 0 : i32
    %scan3A_16 = arith.constant 512 : i32
    %scan3A_17 = arith.addi %scan3A, %scan3A_16 : i32
    %scan3A_18 = arith.constant 1 : i32
    %scan3A_19:4 = scf.for %scan3A_30 = %scan3A to %scan3A_17 step %scan3A_18 iter_args(%scan3A_31 = %broadcast_in_dim3A_13, %scan3A_32 = %broadcast_in_dim3A_15, %scan3A_33 = %broadcast_in_dim3A_15, %scan3A_34 = %broadcast_in_dim3A_15) -> (vector<16x1xi32>, vector<16x512xf32>, vector<16x512xf32>, vector<16x512xf32>)  : i32 {
      %eq3A = vector.broadcast %scan3A_31 : vector<16x1xi32> to vector<16x2048xi32>
      %eq3A_35 = arith.cmpi eq, %iota3A, %eq3A : vector<16x2048xi32>
      %jit3A = arith.constant 0.000000e+00 : f32
      %broadcast_in_dim3A_36 = vector.broadcast %jit3A : f32 to vector<16x2048xf32>
      %select_n3A = arith.select %eq3A_35, %get3A_1, %broadcast_in_dim3A_36 : vector<16x2048xi1>, vector<16x2048xf32>
      %reduce_sum3A = arith.constant dense<0.000000e+00> : vector<16xf32>
      %reduce_sum3A_37 = vector.multi_reduction <add>, %select_n3A, %reduce_sum3A [1] : vector<16x2048xf32> to vector<16xf32>
      %broadcast_in_dim3A_38 = vector.shape_cast %reduce_sum3A_37 : vector<16xf32> to vector<16x1xf32>
      %jit3A_39 = arith.constant 0.000000e+00 : f32
      %broadcast_in_dim3A_40 = vector.broadcast %jit3A_39 : f32 to vector<16x2048xf32>
      %select_n3A_41 = arith.select %eq3A_35, %get3A_4, %broadcast_in_dim3A_40 : vector<16x2048xi1>, vector<16x2048xf32>
      %reduce_sum3A_42 = arith.constant dense<0.000000e+00> : vector<16xf32>
      %reduce_sum3A_43 = vector.multi_reduction <add>, %select_n3A_41, %reduce_sum3A_42 [1] : vector<16x2048xf32> to vector<16xf32>
      %broadcast_in_dim3A_44 = vector.shape_cast %reduce_sum3A_43 : vector<16xf32> to vector<16x1xf32>
      %jit3A_45 = arith.constant 0.000000e+00 : f32
      %broadcast_in_dim3A_46 = vector.broadcast %jit3A_45 : f32 to vector<16x2048xf32>
      %select_n3A_47 = arith.select %eq3A_35, %get3A_7, %broadcast_in_dim3A_46 : vector<16x2048xi1>, vector<16x2048xf32>
      %reduce_sum3A_48 = arith.constant dense<0.000000e+00> : vector<16xf32>
      %reduce_sum3A_49 = vector.multi_reduction <add>, %select_n3A_47, %reduce_sum3A_48 [1] : vector<16x2048xf32> to vector<16xf32>
      %broadcast_in_dim3A_50 = vector.shape_cast %reduce_sum3A_49 : vector<16xf32> to vector<16x1xf32>
      %eq3A_51 = vector.broadcast %scan3A_30 : i32 to vector<16x512xi32>
      %eq3A_52 = arith.cmpi eq, %iota3A_8, %eq3A_51 : vector<16x512xi32>
      %broadcast_in_dim3A_53 = vector.shape_cast %broadcast_in_dim3A_38 : vector<16x1xf32> to vector<16x1xf32>
      %broadcast_in_dim3A_54 = vector.broadcast %broadcast_in_dim3A_53 : vector<16x1xf32> to vector<16x512xf32>
      %select_n3A_55 = arith.select %eq3A_52, %broadcast_in_dim3A_54, %scan3A_32 : vector<16x512xi1>, vector<16x512xf32>
      %broadcast_in_dim3A_56 = vector.shape_cast %broadcast_in_dim3A_44 : vector<16x1xf32> to vector<16x1xf32>
      %broadcast_in_dim3A_57 = vector.broadcast %broadcast_in_dim3A_56 : vector<16x1xf32> to vector<16x512xf32>
      %select_n3A_58 = arith.select %eq3A_52, %broadcast_in_dim3A_57, %scan3A_33 : vector<16x512xi1>, vector<16x512xf32>
      %broadcast_in_dim3A_59 = vector.shape_cast %broadcast_in_dim3A_50 : vector<16x1xf32> to vector<16x1xf32>
      %broadcast_in_dim3A_60 = vector.broadcast %broadcast_in_dim3A_59 : vector<16x1xf32> to vector<16x512xf32>
      %select_n3A_61 = arith.select %eq3A_52, %broadcast_in_dim3A_60, %scan3A_34 : vector<16x512xi1>, vector<16x512xf32>
      %sub3A = vector.broadcast %broadcast_in_dim3A_38 : vector<16x1xf32> to vector<16x2048xf32>
      %sub3A_62 = arith.subf %get3A_1, %sub3A : vector<16x2048xf32>
      %sub3A_63 = vector.broadcast %broadcast_in_dim3A_44 : vector<16x1xf32> to vector<16x2048xf32>
      %sub3A_64 = arith.subf %get3A_4, %sub3A_63 : vector<16x2048xf32>
      %sub3A_65 = vector.broadcast %broadcast_in_dim3A_50 : vector<16x1xf32> to vector<16x2048xf32>
      %sub3A_66 = arith.subf %get3A_7, %sub3A_65 : vector<16x2048xf32>
      %mul3A = arith.mulf %sub3A_62, %sub3A_62 : vector<16x2048xf32>
      %mul3A_67 = arith.mulf %sub3A_64, %sub3A_64 : vector<16x2048xf32>
      %add3A = arith.addf %mul3A, %mul3A_67 : vector<16x2048xf32>
      %mul3A_68 = arith.mulf %sub3A_66, %sub3A_66 : vector<16x2048xf32>
      %add3A_69 = arith.addf %add3A, %mul3A_68 : vector<16x2048xf32>
      %get3A_70 = arith.constant 0 : index
      %get3A_71 = arith.constant 0 : index
      %get3A_72 = vector.load %arg6[%get3A_70, %get3A_71] : memref<16x2048xf32, #tpu.memory_space<vmem>>, vector<16x2048xf32>
      %min3A = arith.minimumf %get3A_72, %add3A_69 : vector<16x2048xf32>
      %swap3A_73 = arith.constant 0 : index
      %swap3A_74 = arith.constant 0 : index
      %swap3A_75 = vector.load %arg6[%swap3A_73, %swap3A_74] : memref<16x2048xf32, #tpu.memory_space<vmem>>, vector<16x2048xf32>
      tpu.vector_store %arg6[%swap3A_73, %swap3A_74], %min3A {strides = array<i32>} : memref<16x2048xf32, #tpu.memory_space<vmem>>, vector<16x2048xf32>,
      %reduce_max3A = arith.constant dense<0xFF800000> : vector<16xf32>
      %reduce_max3A_76 = vector.multi_reduction <maximumf>, %min3A, %reduce_max3A [1] : vector<16x2048xf32> to vector<16xf32>
      %broadcast_in_dim3A_77 = vector.shape_cast %reduce_max3A_76 : vector<16xf32> to vector<16x1xf32>
      %eq3A_78 = vector.broadcast %broadcast_in_dim3A_77 : vector<16x1xf32> to vector<16x2048xf32>
      %eq3A_79 = arith.cmpf oeq, %min3A, %eq3A_78 : vector<16x2048xf32>
      %jit3A_80 = arith.constant 2048 : i32
      %broadcast_in_dim3A_81 = vector.broadcast %jit3A_80 : i32 to vector<16x2048xi32>
      %select_n3A_82 = arith.select %eq3A_79, %iota3A, %broadcast_in_dim3A_81 : vector<16x2048xi1>, vector<16x2048xi32>
      %reduce_min3A = arith.constant dense<2147483647> : vector<16xi32>
      %reduce_min3A_83 = vector.multi_reduction <minsi>, %select_n3A_82, %reduce_min3A [1] : vector<16x2048xi32> to vector<16xi32>
      %broadcast_in_dim3A_84 = vector.shape_cast %reduce_min3A_83 : vector<16xi32> to vector<16x1xi32>
      scf.yield %broadcast_in_dim3A_84, %select_n3A_55, %select_n3A_58, %select_n3A_61 : vector<16x1xi32>, vector<16x512xf32>, vector<16x512xf32>, vector<16x512xf32>
    }
    %scan3A_20 = arith.constant 512 : i32
    %swap3A_21 = arith.constant 0 : index
    %swap3A_22 = arith.constant 0 : index
    %swap3A_23 = vector.load %arg3[%swap3A_21, %swap3A_22] : memref<16x512xf32, #tpu.memory_space<vmem>>, vector<16x512xf32>
    tpu.vector_store %arg3[%swap3A_21, %swap3A_22], %scan3A_19#1 {strides = array<i32>} : memref<16x512xf32, #tpu.memory_space<vmem>>, vector<16x512xf32>,
    %swap3A_24 = arith.constant 0 : index
    %swap3A_25 = arith.constant 0 : index
    %swap3A_26 = vector.load %arg4[%swap3A_24, %swap3A_25] : memref<16x512xf32, #tpu.memory_space<vmem>>, vector<16x512xf32>
    tpu.vector_store %arg4[%swap3A_24, %swap3A_25], %scan3A_19#2 {strides = array<i32>} : memref<16x512xf32, #tpu.memory_space<vmem>>, vector<16x512xf32>,
    %swap3A_27 = arith.constant 0 : index
    %swap3A_28 = arith.constant 0 : index
    %swap3A_29 = vector.load %arg5[%swap3A_27, %swap3A_28] : memref<16x512xf32, #tpu.memory_space<vmem>>, vector<16x512xf32>
    tpu.vector_store %arg5[%swap3A_27, %swap3A_28], %scan3A_19#3 {strides = array<i32>} : memref<16x512xf32, #tpu.memory_space<vmem>>, vector<16x512xf32>,
    return
  }
}

module attributes {stable_mosaic.version = 14 : i64} {
  func.func @body(%arg0: i32, %arg1: memref<1x512x3xf32, #tpu.memory_space<vmem>>, %arg2: memref<1x3x2048xf32, #tpu.memory_space<vmem>>, %arg3: memref<1x512x32xi32, #tpu.memory_space<vmem>>) attributes {dimension_semantics = [#tpu.dimension_semantics<arbitrary>], iteration_bounds = array<i64: 16>, scalar_prefetch = 0 : i64, scratch_operands = 0 : i64, tpu.core_type = #tpu.core_type<tc>, window_params = [{transform_indices = @transform_0, window_bounds = array<i64: 1, 512, 3>}, {transform_indices = @transform_1, window_bounds = array<i64: 1, 3, 2048>}, {transform_indices = @transform_2, window_bounds = array<i64: 1, 512, 32>}]} {
    %get3A = arith.constant 0 : index
    %get3A_0 = arith.constant 0 : index
    %get3A_1 = arith.constant 0 : index
    %get3A_2 = vector.load %arg1[%get3A, %get3A_0, %get3A_1] : memref<1x512x3xf32, #tpu.memory_space<vmem>>, vector<1x512x3xf32>
    %get3A_3 = vector.shape_cast %get3A_2 : vector<1x512x3xf32> to vector<512x3xf32>
    %get3A_4 = arith.constant 0 : index
    %get3A_5 = arith.constant 0 : index
    %get3A_6 = arith.constant 0 : index
    %get3A_7 = vector.load %arg2[%get3A_4, %get3A_5, %get3A_6] : memref<1x3x2048xf32, #tpu.memory_space<vmem>>, vector<1x3x2048xf32>
    %get3A_8 = vector.shape_cast %get3A_7 : vector<1x3x2048xf32> to vector<3x2048xf32>
    %convert_element_type3A = arith.truncf %get3A_3 : vector<512x3xf32> to vector<512x3xbf16>
    %convert_element_type3A_9 = arith.truncf %get3A_8 : vector<3x2048xf32> to vector<3x2048xbf16>
    %dot_general3A = arith.constant dense<0.000000e+00> : vector<512x2048xf32>
    %dot_general3A_10 = tpu.matmul %convert_element_type3A, %convert_element_type3A_9, %dot_general3A {dimension_numbers = #tpu.dot_dimension_numbers<[1], [0], [0], [1], [0, 0, 1, 1], [], []>, transpose_lhs_hint = false} : vector<512x3xbf16>, vector<3x2048xbf16>, vector<512x2048xf32> -> vector<512x2048xf32>
    %mul3A = arith.mulf %get3A_3, %get3A_3 : vector<512x3xf32>
    %reduce_sum3A = arith.constant dense<0.000000e+00> : vector<512xf32>
    %reduce_sum3A_11 = vector.multi_reduction <add>, %mul3A, %reduce_sum3A [1] : vector<512x3xf32> to vector<512xf32>
    %broadcast_in_dim3A = vector.shape_cast %reduce_sum3A_11 : vector<512xf32> to vector<512x1xf32>
    %mul3A_12 = arith.mulf %get3A_8, %get3A_8 : vector<3x2048xf32>
    %reduce_sum3A_13 = arith.constant dense<0.000000e+00> : vector<2048xf32>
    %reduce_sum3A_14 = vector.multi_reduction <add>, %mul3A_12, %reduce_sum3A_13 [0] : vector<3x2048xf32> to vector<2048xf32>
    %broadcast_in_dim3A_15 = vector.shape_cast %reduce_sum3A_14 : vector<2048xf32> to vector<1x2048xf32>
    %add3A = vector.broadcast %broadcast_in_dim3A : vector<512x1xf32> to vector<512x2048xf32>
    %add3A_16 = vector.broadcast %broadcast_in_dim3A_15 : vector<1x2048xf32> to vector<512x2048xf32>
    %add3A_17 = arith.addf %add3A, %add3A_16 : vector<512x2048xf32>
    %mul3A_18 = arith.constant 2.000000e+00 : f32
    %mul3A_19 = vector.broadcast %mul3A_18 : f32 to vector<512x2048xf32>
    %mul3A_20 = arith.mulf %mul3A_19, %dot_general3A_10 : vector<512x2048xf32>
    %sub3A = arith.subf %add3A_17, %mul3A_20 : vector<512x2048xf32>
    %le3A = arith.constant 4.000000e-02 : f32
    %le3A_21 = vector.broadcast %le3A : f32 to vector<512x2048xf32>
    %le3A_22 = arith.cmpf ole, %sub3A, %le3A_21 : vector<512x2048xf32>
    %convert_element_type3A_23 = arith.extui %le3A_22 : vector<512x2048xi1> to vector<512x2048xi32>
    %convert_element_type3A_24 = arith.sitofp %convert_element_type3A_23 : vector<512x2048xi32> to vector<512x2048xf32>
    %iota3A = tpu.iota {dimensions = array<i32: 0>} : vector<128x128xi32>
    %iota3A_25 = tpu.iota {dimensions = array<i32: 1>} : vector<128x128xi32>
    %le3A_26 = arith.cmpi sle, %iota3A, %iota3A_25 : vector<128x128xi32>
    %convert_element_type3A_27 = arith.extui %le3A_26 : vector<128x128xi1> to vector<128x128xi32>
    %convert_element_type3A_28 = arith.sitofp %convert_element_type3A_27 : vector<128x128xi32> to vector<128x128xf32>
    %broadcast_in_dim3A_29 = arith.constant 0.000000e+00 : f32
    %broadcast_in_dim3A_30 = vector.broadcast %broadcast_in_dim3A_29 : f32 to vector<512x1xf32>
    %slice3A = vector.extract_strided_slice %convert_element_type3A_24 {offsets = [0, 0], sizes = [512, 128], strides = [1, 1]} : vector<512x2048xf32> to vector<512x128xf32>
    %dot_general3A_31 = arith.constant dense<0.000000e+00> : vector<512x128xf32>
    %dot_general3A_32 = tpu.matmul %slice3A, %convert_element_type3A_28, %dot_general3A_31 {dimension_numbers = #tpu.dot_dimension_numbers<[1], [0], [0], [1], [0, 0, 1, 1], [], []>, transpose_lhs_hint = false} : vector<512x128xf32>, vector<128x128xf32>, vector<512x128xf32> -> vector<512x128xf32>
    %add3A_33 = vector.broadcast %broadcast_in_dim3A_30 : vector<512x1xf32> to vector<512x128xf32>
    %add3A_34 = arith.addf %dot_general3A_32, %add3A_33 : vector<512x128xf32>
    %slice3A_35 = vector.extract_strided_slice %add3A_34 {offsets = [0, 127], sizes = [512, 1], strides = [1, 1]} : vector<512x128xf32> to vector<512x1xf32>
    %slice3A_36 = vector.extract_strided_slice %convert_element_type3A_24 {offsets = [0, 128], sizes = [512, 128], strides = [1, 1]} : vector<512x2048xf32> to vector<512x128xf32>
    %dot_general3A_37 = arith.constant dense<0.000000e+00> : vector<512x128xf32>
    %dot_general3A_38 = tpu.matmul %slice3A_36, %convert_element_type3A_28, %dot_general3A_37 {dimension_numbers = #tpu.dot_dimension_numbers<[1], [0], [0], [1], [0, 0, 1, 1], [], []>, transpose_lhs_hint = false} : vector<512x128xf32>, vector<128x128xf32>, vector<512x128xf32> -> vector<512x128xf32>
    %add3A_39 = vector.broadcast %slice3A_35 : vector<512x1xf32> to vector<512x128xf32>
    %add3A_40 = arith.addf %dot_general3A_38, %add3A_39 : vector<512x128xf32>
    %slice3A_41 = vector.extract_strided_slice %add3A_40 {offsets = [0, 127], sizes = [512, 1], strides = [1, 1]} : vector<512x128xf32> to vector<512x1xf32>
    %slice3A_42 = vector.extract_strided_slice %convert_element_type3A_24 {offsets = [0, 256], sizes = [512, 128], strides = [1, 1]} : vector<512x2048xf32> to vector<512x128xf32>
    %dot_general3A_43 = arith.constant dense<0.000000e+00> : vector<512x128xf32>
    %dot_general3A_44 = tpu.matmul %slice3A_42, %convert_element_type3A_28, %dot_general3A_43 {dimension_numbers = #tpu.dot_dimension_numbers<[1], [0], [0], [1], [0, 0, 1, 1], [], []>, transpose_lhs_hint = false} : vector<512x128xf32>, vector<128x128xf32>, vector<512x128xf32> -> vector<512x128xf32>
    %add3A_45 = vector.broadcast %slice3A_41 : vector<512x1xf32> to vector<512x128xf32>
    %add3A_46 = arith.addf %dot_general3A_44, %add3A_45 : vector<512x128xf32>
    %slice3A_47 = vector.extract_strided_slice %add3A_46 {offsets = [0, 127], sizes = [512, 1], strides = [1, 1]} : vector<512x128xf32> to vector<512x1xf32>
    %slice3A_48 = vector.extract_strided_slice %convert_element_type3A_24 {offsets = [0, 384], sizes = [512, 128], strides = [1, 1]} : vector<512x2048xf32> to vector<512x128xf32>
    %dot_general3A_49 = arith.constant dense<0.000000e+00> : vector<512x128xf32>
    %dot_general3A_50 = tpu.matmul %slice3A_48, %convert_element_type3A_28, %dot_general3A_49 {dimension_numbers = #tpu.dot_dimension_numbers<[1], [0], [0], [1], [0, 0, 1, 1], [], []>, transpose_lhs_hint = false} : vector<512x128xf32>, vector<128x128xf32>, vector<512x128xf32> -> vector<512x128xf32>
    %add3A_51 = vector.broadcast %slice3A_47 : vector<512x1xf32> to vector<512x128xf32>
    %add3A_52 = arith.addf %dot_general3A_50, %add3A_51 : vector<512x128xf32>
    %slice3A_53 = vector.extract_strided_slice %add3A_52 {offsets = [0, 127], sizes = [512, 1], strides = [1, 1]} : vector<512x128xf32> to vector<512x1xf32>
    %slice3A_54 = vector.extract_strided_slice %convert_element_type3A_24 {offsets = [0, 512], sizes = [512, 128], strides = [1, 1]} : vector<512x2048xf32> to vector<512x128xf32>
    %dot_general3A_55 = arith.constant dense<0.000000e+00> : vector<512x128xf32>
    %dot_general3A_56 = tpu.matmul %slice3A_54, %convert_element_type3A_28, %dot_general3A_55 {dimension_numbers = #tpu.dot_dimension_numbers<[1], [0], [0], [1], [0, 0, 1, 1], [], []>, transpose_lhs_hint = false} : vector<512x128xf32>, vector<128x128xf32>, vector<512x128xf32> -> vector<512x128xf32>
    %add3A_57 = vector.broadcast %slice3A_53 : vector<512x1xf32> to vector<512x128xf32>
    %add3A_58 = arith.addf %dot_general3A_56, %add3A_57 : vector<512x128xf32>
    %slice3A_59 = vector.extract_strided_slice %add3A_58 {offsets = [0, 127], sizes = [512, 1], strides = [1, 1]} : vector<512x128xf32> to vector<512x1xf32>
    %slice3A_60 = vector.extract_strided_slice %convert_element_type3A_24 {offsets = [0, 640], sizes = [512, 128], strides = [1, 1]} : vector<512x2048xf32> to vector<512x128xf32>
    %dot_general3A_61 = arith.constant dense<0.000000e+00> : vector<512x128xf32>
    %dot_general3A_62 = tpu.matmul %slice3A_60, %convert_element_type3A_28, %dot_general3A_61 {dimension_numbers = #tpu.dot_dimension_numbers<[1], [0], [0], [1], [0, 0, 1, 1], [], []>, transpose_lhs_hint = false} : vector<512x128xf32>, vector<128x128xf32>, vector<512x128xf32> -> vector<512x128xf32>
    %add3A_63 = vector.broadcast %slice3A_59 : vector<512x1xf32> to vector<512x128xf32>
    %add3A_64 = arith.addf %dot_general3A_62, %add3A_63 : vector<512x128xf32>
    %slice3A_65 = vector.extract_strided_slice %add3A_64 {offsets = [0, 127], sizes = [512, 1], strides = [1, 1]} : vector<512x128xf32> to vector<512x1xf32>
    %slice3A_66 = vector.extract_strided_slice %convert_element_type3A_24 {offsets = [0, 768], sizes = [512, 128], strides = [1, 1]} : vector<512x2048xf32> to vector<512x128xf32>
    %dot_general3A_67 = arith.constant dense<0.000000e+00> : vector<512x128xf32>
    %dot_general3A_68 = tpu.matmul %slice3A_66, %convert_element_type3A_28, %dot_general3A_67 {dimension_numbers = #tpu.dot_dimension_numbers<[1], [0], [0], [1], [0, 0, 1, 1], [], []>, transpose_lhs_hint = false} : vector<512x128xf32>, vector<128x128xf32>, vector<512x128xf32> -> vector<512x128xf32>
    %add3A_69 = vector.broadcast %slice3A_65 : vector<512x1xf32> to vector<512x128xf32>
    %add3A_70 = arith.addf %dot_general3A_68, %add3A_69 : vector<512x128xf32>
    %slice3A_71 = vector.extract_strided_slice %add3A_70 {offsets = [0, 127], sizes = [512, 1], strides = [1, 1]} : vector<512x128xf32> to vector<512x1xf32>
    %slice3A_72 = vector.extract_strided_slice %convert_element_type3A_24 {offsets = [0, 896], sizes = [512, 128], strides = [1, 1]} : vector<512x2048xf32> to vector<512x128xf32>
    %dot_general3A_73 = arith.constant dense<0.000000e+00> : vector<512x128xf32>
    %dot_general3A_74 = tpu.matmul %slice3A_72, %convert_element_type3A_28, %dot_general3A_73 {dimension_numbers = #tpu.dot_dimension_numbers<[1], [0], [0], [1], [0, 0, 1, 1], [], []>, transpose_lhs_hint = false} : vector<512x128xf32>, vector<128x128xf32>, vector<512x128xf32> -> vector<512x128xf32>
    %add3A_75 = vector.broadcast %slice3A_71 : vector<512x1xf32> to vector<512x128xf32>
    %add3A_76 = arith.addf %dot_general3A_74, %add3A_75 : vector<512x128xf32>
    %slice3A_77 = vector.extract_strided_slice %add3A_76 {offsets = [0, 127], sizes = [512, 1], strides = [1, 1]} : vector<512x128xf32> to vector<512x1xf32>
    %slice3A_78 = vector.extract_strided_slice %convert_element_type3A_24 {offsets = [0, 1024], sizes = [512, 128], strides = [1, 1]} : vector<512x2048xf32> to vector<512x128xf32>
    %dot_general3A_79 = arith.constant dense<0.000000e+00> : vector<512x128xf32>
    %dot_general3A_80 = tpu.matmul %slice3A_78, %convert_element_type3A_28, %dot_general3A_79 {dimension_numbers = #tpu.dot_dimension_numbers<[1], [0], [0], [1], [0, 0, 1, 1], [], []>, transpose_lhs_hint = false} : vector<512x128xf32>, vector<128x128xf32>, vector<512x128xf32> -> vector<512x128xf32>
    %add3A_81 = vector.broadcast %slice3A_77 : vector<512x1xf32> to vector<512x128xf32>
    %add3A_82 = arith.addf %dot_general3A_80, %add3A_81 : vector<512x128xf32>
    %slice3A_83 = vector.extract_strided_slice %add3A_82 {offsets = [0, 127], sizes = [512, 1], strides = [1, 1]} : vector<512x128xf32> to vector<512x1xf32>
    %slice3A_84 = vector.extract_strided_slice %convert_element_type3A_24 {offsets = [0, 1152], sizes = [512, 128], strides = [1, 1]} : vector<512x2048xf32> to vector<512x128xf32>
    %dot_general3A_85 = arith.constant dense<0.000000e+00> : vector<512x128xf32>
    %dot_general3A_86 = tpu.matmul %slice3A_84, %convert_element_type3A_28, %dot_general3A_85 {dimension_numbers = #tpu.dot_dimension_numbers<[1], [0], [0], [1], [0, 0, 1, 1], [], []>, transpose_lhs_hint = false} : vector<512x128xf32>, vector<128x128xf32>, vector<512x128xf32> -> vector<512x128xf32>
    %add3A_87 = vector.broadcast %slice3A_83 : vector<512x1xf32> to vector<512x128xf32>
    %add3A_88 = arith.addf %dot_general3A_86, %add3A_87 : vector<512x128xf32>
    %slice3A_89 = vector.extract_strided_slice %add3A_88 {offsets = [0, 127], sizes = [512, 1], strides = [1, 1]} : vector<512x128xf32> to vector<512x1xf32>
    %slice3A_90 = vector.extract_strided_slice %convert_element_type3A_24 {offsets = [0, 1280], sizes = [512, 128], strides = [1, 1]} : vector<512x2048xf32> to vector<512x128xf32>
    %dot_general3A_91 = arith.constant dense<0.000000e+00> : vector<512x128xf32>
    %dot_general3A_92 = tpu.matmul %slice3A_90, %convert_element_type3A_28, %dot_general3A_91 {dimension_numbers = #tpu.dot_dimension_numbers<[1], [0], [0], [1], [0, 0, 1, 1], [], []>, transpose_lhs_hint = false} : vector<512x128xf32>, vector<128x128xf32>, vector<512x128xf32> -> vector<512x128xf32>
    %add3A_93 = vector.broadcast %slice3A_89 : vector<512x1xf32> to vector<512x128xf32>
    %add3A_94 = arith.addf %dot_general3A_92, %add3A_93 : vector<512x128xf32>
    %slice3A_95 = vector.extract_strided_slice %add3A_94 {offsets = [0, 127], sizes = [512, 1], strides = [1, 1]} : vector<512x128xf32> to vector<512x1xf32>
    %slice3A_96 = vector.extract_strided_slice %convert_element_type3A_24 {offsets = [0, 1408], sizes = [512, 128], strides = [1, 1]} : vector<512x2048xf32> to vector<512x128xf32>
    %dot_general3A_97 = arith.constant dense<0.000000e+00> : vector<512x128xf32>
    %dot_general3A_98 = tpu.matmul %slice3A_96, %convert_element_type3A_28, %dot_general3A_97 {dimension_numbers = #tpu.dot_dimension_numbers<[1], [0], [0], [1], [0, 0, 1, 1], [], []>, transpose_lhs_hint = false} : vector<512x128xf32>, vector<128x128xf32>, vector<512x128xf32> -> vector<512x128xf32>
    %add3A_99 = vector.broadcast %slice3A_95 : vector<512x1xf32> to vector<512x128xf32>
    %add3A_100 = arith.addf %dot_general3A_98, %add3A_99 : vector<512x128xf32>
    %slice3A_101 = vector.extract_strided_slice %add3A_100 {offsets = [0, 127], sizes = [512, 1], strides = [1, 1]} : vector<512x128xf32> to vector<512x1xf32>
    %slice3A_102 = vector.extract_strided_slice %convert_element_type3A_24 {offsets = [0, 1536], sizes = [512, 128], strides = [1, 1]} : vector<512x2048xf32> to vector<512x128xf32>
    %dot_general3A_103 = arith.constant dense<0.000000e+00> : vector<512x128xf32>
    %dot_general3A_104 = tpu.matmul %slice3A_102, %convert_element_type3A_28, %dot_general3A_103 {dimension_numbers = #tpu.dot_dimension_numbers<[1], [0], [0], [1], [0, 0, 1, 1], [], []>, transpose_lhs_hint = false} : vector<512x128xf32>, vector<128x128xf32>, vector<512x128xf32> -> vector<512x128xf32>
    %add3A_105 = vector.broadcast %slice3A_101 : vector<512x1xf32> to vector<512x128xf32>
    %add3A_106 = arith.addf %dot_general3A_104, %add3A_105 : vector<512x128xf32>
    %slice3A_107 = vector.extract_strided_slice %add3A_106 {offsets = [0, 127], sizes = [512, 1], strides = [1, 1]} : vector<512x128xf32> to vector<512x1xf32>
    %slice3A_108 = vector.extract_strided_slice %convert_element_type3A_24 {offsets = [0, 1664], sizes = [512, 128], strides = [1, 1]} : vector<512x2048xf32> to vector<512x128xf32>
    %dot_general3A_109 = arith.constant dense<0.000000e+00> : vector<512x128xf32>
    %dot_general3A_110 = tpu.matmul %slice3A_108, %convert_element_type3A_28, %dot_general3A_109 {dimension_numbers = #tpu.dot_dimension_numbers<[1], [0], [0], [1], [0, 0, 1, 1], [], []>, transpose_lhs_hint = false} : vector<512x128xf32>, vector<128x128xf32>, vector<512x128xf32> -> vector<512x128xf32>
    %add3A_111 = vector.broadcast %slice3A_107 : vector<512x1xf32> to vector<512x128xf32>
    %add3A_112 = arith.addf %dot_general3A_110, %add3A_111 : vector<512x128xf32>
    %slice3A_113 = vector.extract_strided_slice %add3A_112 {offsets = [0, 127], sizes = [512, 1], strides = [1, 1]} : vector<512x128xf32> to vector<512x1xf32>
    %slice3A_114 = vector.extract_strided_slice %convert_element_type3A_24 {offsets = [0, 1792], sizes = [512, 128], strides = [1, 1]} : vector<512x2048xf32> to vector<512x128xf32>
    %dot_general3A_115 = arith.constant dense<0.000000e+00> : vector<512x128xf32>
    %dot_general3A_116 = tpu.matmul %slice3A_114, %convert_element_type3A_28, %dot_general3A_115 {dimension_numbers = #tpu.dot_dimension_numbers<[1], [0], [0], [1], [0, 0, 1, 1], [], []>, transpose_lhs_hint = false} : vector<512x128xf32>, vector<128x128xf32>, vector<512x128xf32> -> vector<512x128xf32>
    %add3A_117 = vector.broadcast %slice3A_113 : vector<512x1xf32> to vector<512x128xf32>
    %add3A_118 = arith.addf %dot_general3A_116, %add3A_117 : vector<512x128xf32>
    %slice3A_119 = vector.extract_strided_slice %add3A_118 {offsets = [0, 127], sizes = [512, 1], strides = [1, 1]} : vector<512x128xf32> to vector<512x1xf32>
    %slice3A_120 = vector.extract_strided_slice %convert_element_type3A_24 {offsets = [0, 1920], sizes = [512, 128], strides = [1, 1]} : vector<512x2048xf32> to vector<512x128xf32>
    %dot_general3A_121 = arith.constant dense<0.000000e+00> : vector<512x128xf32>
    %dot_general3A_122 = tpu.matmul %slice3A_120, %convert_element_type3A_28, %dot_general3A_121 {dimension_numbers = #tpu.dot_dimension_numbers<[1], [0], [0], [1], [0, 0, 1, 1], [], []>, transpose_lhs_hint = false} : vector<512x128xf32>, vector<128x128xf32>, vector<512x128xf32> -> vector<512x128xf32>
    %add3A_123 = vector.broadcast %slice3A_119 : vector<512x1xf32> to vector<512x128xf32>
    %add3A_124 = arith.addf %dot_general3A_122, %add3A_123 : vector<512x128xf32>
    %slice3A_125 = vector.extract_strided_slice %add3A_124 {offsets = [0, 127], sizes = [512, 1], strides = [1, 1]} : vector<512x128xf32> to vector<512x1xf32>
    %concatenate3A = tpu.concatenate %add3A_34, %add3A_40, %add3A_46, %add3A_52, %add3A_58, %add3A_64, %add3A_70, %add3A_76, %add3A_82, %add3A_88, %add3A_94, %add3A_100, %add3A_106, %add3A_112, %add3A_118, %add3A_124 in 1 : vector<512x128xf32>, vector<512x128xf32>, vector<512x128xf32>, vector<512x128xf32>, vector<512x128xf32>, vector<512x128xf32>, vector<512x128xf32>, vector<512x128xf32>, vector<512x128xf32>, vector<512x128xf32>, vector<512x128xf32>, vector<512x128xf32>, vector<512x128xf32>, vector<512x128xf32>, vector<512x128xf32>, vector<512x128xf32> -> vector<512x2048xf32>
    %le3A_126 = arith.constant 0.000000e+00 : f32
    %le3A_127 = vector.broadcast %le3A_126 : f32 to vector<512x2048xf32>
    %le3A_128 = arith.cmpf ole, %concatenate3A, %le3A_127 : vector<512x2048xf32>
    %convert_element_type3A_129 = arith.extui %le3A_128 : vector<512x2048xi1> to vector<512x2048xi32>
    %convert_element_type3A_130 = arith.sitofp %convert_element_type3A_129 : vector<512x2048xi32> to vector<512x2048xf32>
    %reduce_sum3A_131 = arith.constant dense<0.000000e+00> : vector<512xf32>
    %reduce_sum3A_132 = vector.multi_reduction <add>, %convert_element_type3A_130, %reduce_sum3A_131 [1] : vector<512x2048xf32> to vector<512xf32>
    %broadcast_in_dim3A_133 = vector.shape_cast %reduce_sum3A_132 : vector<512xf32> to vector<512x1xf32>
    %le3A_134 = arith.constant 1.000000e+00 : f32
    %le3A_135 = vector.broadcast %le3A_134 : f32 to vector<512x2048xf32>
    %le3A_136 = arith.cmpf ole, %concatenate3A, %le3A_135 : vector<512x2048xf32>
    %convert_element_type3A_137 = arith.extui %le3A_136 : vector<512x2048xi1> to vector<512x2048xi32>
    %convert_element_type3A_138 = arith.sitofp %convert_element_type3A_137 : vector<512x2048xi32> to vector<512x2048xf32>
    %reduce_sum3A_139 = arith.constant dense<0.000000e+00> : vector<512xf32>
    %reduce_sum3A_140 = vector.multi_reduction <add>, %convert_element_type3A_138, %reduce_sum3A_139 [1] : vector<512x2048xf32> to vector<512xf32>
    %broadcast_in_dim3A_141 = vector.shape_cast %reduce_sum3A_140 : vector<512xf32> to vector<512x1xf32>
    %le3A_142 = arith.constant 2.000000e+00 : f32
    %le3A_143 = vector.broadcast %le3A_142 : f32 to vector<512x2048xf32>
    %le3A_144 = arith.cmpf ole, %concatenate3A, %le3A_143 : vector<512x2048xf32>
    %convert_element_type3A_145 = arith.extui %le3A_144 : vector<512x2048xi1> to vector<512x2048xi32>
    %convert_element_type3A_146 = arith.sitofp %convert_element_type3A_145 : vector<512x2048xi32> to vector<512x2048xf32>
    %reduce_sum3A_147 = arith.constant dense<0.000000e+00> : vector<512xf32>
    %reduce_sum3A_148 = vector.multi_reduction <add>, %convert_element_type3A_146, %reduce_sum3A_147 [1] : vector<512x2048xf32> to vector<512xf32>
    %broadcast_in_dim3A_149 = vector.shape_cast %reduce_sum3A_148 : vector<512xf32> to vector<512x1xf32>
    %le3A_150 = arith.constant 3.000000e+00 : f32
    %le3A_151 = vector.broadcast %le3A_150 : f32 to vector<512x2048xf32>
    %le3A_152 = arith.cmpf ole, %concatenate3A, %le3A_151 : vector<512x2048xf32>
    %convert_element_type3A_153 = arith.extui %le3A_152 : vector<512x2048xi1> to vector<512x2048xi32>
    %convert_element_type3A_154 = arith.sitofp %convert_element_type3A_153 : vector<512x2048xi32> to vector<512x2048xf32>
    %reduce_sum3A_155 = arith.constant dense<0.000000e+00> : vector<512xf32>
    %reduce_sum3A_156 = vector.multi_reduction <add>, %convert_element_type3A_154, %reduce_sum3A_155 [1] : vector<512x2048xf32> to vector<512xf32>
    %broadcast_in_dim3A_157 = vector.shape_cast %reduce_sum3A_156 : vector<512xf32> to vector<512x1xf32>
    %le3A_158 = arith.constant 4.000000e+00 : f32
    %le3A_159 = vector.broadcast %le3A_158 : f32 to vector<512x2048xf32>
    %le3A_160 = arith.cmpf ole, %concatenate3A, %le3A_159 : vector<512x2048xf32>
    %convert_element_type3A_161 = arith.extui %le3A_160 : vector<512x2048xi1> to vector<512x2048xi32>
    %convert_element_type3A_162 = arith.sitofp %convert_element_type3A_161 : vector<512x2048xi32> to vector<512x2048xf32>
    %reduce_sum3A_163 = arith.constant dense<0.000000e+00> : vector<512xf32>
    %reduce_sum3A_164 = vector.multi_reduction <add>, %convert_element_type3A_162, %reduce_sum3A_163 [1] : vector<512x2048xf32> to vector<512xf32>
    %broadcast_in_dim3A_165 = vector.shape_cast %reduce_sum3A_164 : vector<512xf32> to vector<512x1xf32>
    %le3A_166 = arith.constant 5.000000e+00 : f32
    %le3A_167 = vector.broadcast %le3A_166 : f32 to vector<512x2048xf32>
    %le3A_168 = arith.cmpf ole, %concatenate3A, %le3A_167 : vector<512x2048xf32>
    %convert_element_type3A_169 = arith.extui %le3A_168 : vector<512x2048xi1> to vector<512x2048xi32>
    %convert_element_type3A_170 = arith.sitofp %convert_element_type3A_169 : vector<512x2048xi32> to vector<512x2048xf32>
    %reduce_sum3A_171 = arith.constant dense<0.000000e+00> : vector<512xf32>
    %reduce_sum3A_172 = vector.multi_reduction <add>, %convert_element_type3A_170, %reduce_sum3A_171 [1] : vector<512x2048xf32> to vector<512xf32>
    %broadcast_in_dim3A_173 = vector.shape_cast %reduce_sum3A_172 : vector<512xf32> to vector<512x1xf32>
    %le3A_174 = arith.constant 6.000000e+00 : f32
    %le3A_175 = vector.broadcast %le3A_174 : f32 to vector<512x2048xf32>
    %le3A_176 = arith.cmpf ole, %concatenate3A, %le3A_175 : vector<512x2048xf32>
    %convert_element_type3A_177 = arith.extui %le3A_176 : vector<512x2048xi1> to vector<512x2048xi32>
    %convert_element_type3A_178 = arith.sitofp %convert_element_type3A_177 : vector<512x2048xi32> to vector<512x2048xf32>
    %reduce_sum3A_179 = arith.constant dense<0.000000e+00> : vector<512xf32>
    %reduce_sum3A_180 = vector.multi_reduction <add>, %convert_element_type3A_178, %reduce_sum3A_179 [1] : vector<512x2048xf32> to vector<512xf32>
    %broadcast_in_dim3A_181 = vector.shape_cast %reduce_sum3A_180 : vector<512xf32> to vector<512x1xf32>
    %le3A_182 = arith.constant 7.000000e+00 : f32
    %le3A_183 = vector.broadcast %le3A_182 : f32 to vector<512x2048xf32>
    %le3A_184 = arith.cmpf ole, %concatenate3A, %le3A_183 : vector<512x2048xf32>
    %convert_element_type3A_185 = arith.extui %le3A_184 : vector<512x2048xi1> to vector<512x2048xi32>
    %convert_element_type3A_186 = arith.sitofp %convert_element_type3A_185 : vector<512x2048xi32> to vector<512x2048xf32>
    %reduce_sum3A_187 = arith.constant dense<0.000000e+00> : vector<512xf32>
    %reduce_sum3A_188 = vector.multi_reduction <add>, %convert_element_type3A_186, %reduce_sum3A_187 [1] : vector<512x2048xf32> to vector<512xf32>
    %broadcast_in_dim3A_189 = vector.shape_cast %reduce_sum3A_188 : vector<512xf32> to vector<512x1xf32>
    %le3A_190 = arith.constant 8.000000e+00 : f32
    %le3A_191 = vector.broadcast %le3A_190 : f32 to vector<512x2048xf32>
    %le3A_192 = arith.cmpf ole, %concatenate3A, %le3A_191 : vector<512x2048xf32>
    %convert_element_type3A_193 = arith.extui %le3A_192 : vector<512x2048xi1> to vector<512x2048xi32>
    %convert_element_type3A_194 = arith.sitofp %convert_element_type3A_193 : vector<512x2048xi32> to vector<512x2048xf32>
    %reduce_sum3A_195 = arith.constant dense<0.000000e+00> : vector<512xf32>
    %reduce_sum3A_196 = vector.multi_reduction <add>, %convert_element_type3A_194, %reduce_sum3A_195 [1] : vector<512x2048xf32> to vector<512xf32>
    %broadcast_in_dim3A_197 = vector.shape_cast %reduce_sum3A_196 : vector<512xf32> to vector<512x1xf32>
    %le3A_198 = arith.constant 9.000000e+00 : f32
    %le3A_199 = vector.broadcast %le3A_198 : f32 to vector<512x2048xf32>
    %le3A_200 = arith.cmpf ole, %concatenate3A, %le3A_199 : vector<512x2048xf32>
    %convert_element_type3A_201 = arith.extui %le3A_200 : vector<512x2048xi1> to vector<512x2048xi32>
    %convert_element_type3A_202 = arith.sitofp %convert_element_type3A_201 : vector<512x2048xi32> to vector<512x2048xf32>
    %reduce_sum3A_203 = arith.constant dense<0.000000e+00> : vector<512xf32>
    %reduce_sum3A_204 = vector.multi_reduction <add>, %convert_element_type3A_202, %reduce_sum3A_203 [1] : vector<512x2048xf32> to vector<512xf32>
    %broadcast_in_dim3A_205 = vector.shape_cast %reduce_sum3A_204 : vector<512xf32> to vector<512x1xf32>
    %le3A_206 = arith.constant 1.000000e+01 : f32
    %le3A_207 = vector.broadcast %le3A_206 : f32 to vector<512x2048xf32>
    %le3A_208 = arith.cmpf ole, %concatenate3A, %le3A_207 : vector<512x2048xf32>
    %convert_element_type3A_209 = arith.extui %le3A_208 : vector<512x2048xi1> to vector<512x2048xi32>
    %convert_element_type3A_210 = arith.sitofp %convert_element_type3A_209 : vector<512x2048xi32> to vector<512x2048xf32>
    %reduce_sum3A_211 = arith.constant dense<0.000000e+00> : vector<512xf32>
    %reduce_sum3A_212 = vector.multi_reduction <add>, %convert_element_type3A_210, %reduce_sum3A_211 [1] : vector<512x2048xf32> to vector<512xf32>
    %broadcast_in_dim3A_213 = vector.shape_cast %reduce_sum3A_212 : vector<512xf32> to vector<512x1xf32>
    %le3A_214 = arith.constant 1.100000e+01 : f32
    %le3A_215 = vector.broadcast %le3A_214 : f32 to vector<512x2048xf32>
    %le3A_216 = arith.cmpf ole, %concatenate3A, %le3A_215 : vector<512x2048xf32>
    %convert_element_type3A_217 = arith.extui %le3A_216 : vector<512x2048xi1> to vector<512x2048xi32>
    %convert_element_type3A_218 = arith.sitofp %convert_element_type3A_217 : vector<512x2048xi32> to vector<512x2048xf32>
    %reduce_sum3A_219 = arith.constant dense<0.000000e+00> : vector<512xf32>
    %reduce_sum3A_220 = vector.multi_reduction <add>, %convert_element_type3A_218, %reduce_sum3A_219 [1] : vector<512x2048xf32> to vector<512xf32>
    %broadcast_in_dim3A_221 = vector.shape_cast %reduce_sum3A_220 : vector<512xf32> to vector<512x1xf32>
    %le3A_222 = arith.constant 1.200000e+01 : f32
    %le3A_223 = vector.broadcast %le3A_222 : f32 to vector<512x2048xf32>
    %le3A_224 = arith.cmpf ole, %concatenate3A, %le3A_223 : vector<512x2048xf32>
    %convert_element_type3A_225 = arith.extui %le3A_224 : vector<512x2048xi1> to vector<512x2048xi32>
    %convert_element_type3A_226 = arith.sitofp %convert_element_type3A_225 : vector<512x2048xi32> to vector<512x2048xf32>
    %reduce_sum3A_227 = arith.constant dense<0.000000e+00> : vector<512xf32>
    %reduce_sum3A_228 = vector.multi_reduction <add>, %convert_element_type3A_226, %reduce_sum3A_227 [1] : vector<512x2048xf32> to vector<512xf32>
    %broadcast_in_dim3A_229 = vector.shape_cast %reduce_sum3A_228 : vector<512xf32> to vector<512x1xf32>
    %le3A_230 = arith.constant 1.300000e+01 : f32
    %le3A_231 = vector.broadcast %le3A_230 : f32 to vector<512x2048xf32>
    %le3A_232 = arith.cmpf ole, %concatenate3A, %le3A_231 : vector<512x2048xf32>
    %convert_element_type3A_233 = arith.extui %le3A_232 : vector<512x2048xi1> to vector<512x2048xi32>
    %convert_element_type3A_234 = arith.sitofp %convert_element_type3A_233 : vector<512x2048xi32> to vector<512x2048xf32>
    %reduce_sum3A_235 = arith.constant dense<0.000000e+00> : vector<512xf32>
    %reduce_sum3A_236 = vector.multi_reduction <add>, %convert_element_type3A_234, %reduce_sum3A_235 [1] : vector<512x2048xf32> to vector<512xf32>
    %broadcast_in_dim3A_237 = vector.shape_cast %reduce_sum3A_236 : vector<512xf32> to vector<512x1xf32>
    %le3A_238 = arith.constant 1.400000e+01 : f32
    %le3A_239 = vector.broadcast %le3A_238 : f32 to vector<512x2048xf32>
    %le3A_240 = arith.cmpf ole, %concatenate3A, %le3A_239 : vector<512x2048xf32>
    %convert_element_type3A_241 = arith.extui %le3A_240 : vector<512x2048xi1> to vector<512x2048xi32>
    %convert_element_type3A_242 = arith.sitofp %convert_element_type3A_241 : vector<512x2048xi32> to vector<512x2048xf32>
    %reduce_sum3A_243 = arith.constant dense<0.000000e+00> : vector<512xf32>
    %reduce_sum3A_244 = vector.multi_reduction <add>, %convert_element_type3A_242, %reduce_sum3A_243 [1] : vector<512x2048xf32> to vector<512xf32>
    %broadcast_in_dim3A_245 = vector.shape_cast %reduce_sum3A_244 : vector<512xf32> to vector<512x1xf32>
    %le3A_246 = arith.constant 1.500000e+01 : f32
    %le3A_247 = vector.broadcast %le3A_246 : f32 to vector<512x2048xf32>
    %le3A_248 = arith.cmpf ole, %concatenate3A, %le3A_247 : vector<512x2048xf32>
    %convert_element_type3A_249 = arith.extui %le3A_248 : vector<512x2048xi1> to vector<512x2048xi32>
    %convert_element_type3A_250 = arith.sitofp %convert_element_type3A_249 : vector<512x2048xi32> to vector<512x2048xf32>
    %reduce_sum3A_251 = arith.constant dense<0.000000e+00> : vector<512xf32>
    %reduce_sum3A_252 = vector.multi_reduction <add>, %convert_element_type3A_250, %reduce_sum3A_251 [1] : vector<512x2048xf32> to vector<512xf32>
    %broadcast_in_dim3A_253 = vector.shape_cast %reduce_sum3A_252 : vector<512xf32> to vector<512x1xf32>
    %le3A_254 = arith.constant 1.600000e+01 : f32
    %le3A_255 = vector.broadcast %le3A_254 : f32 to vector<512x2048xf32>
    %le3A_256 = arith.cmpf ole, %concatenate3A, %le3A_255 : vector<512x2048xf32>
    %convert_element_type3A_257 = arith.extui %le3A_256 : vector<512x2048xi1> to vector<512x2048xi32>
    %convert_element_type3A_258 = arith.sitofp %convert_element_type3A_257 : vector<512x2048xi32> to vector<512x2048xf32>
    %reduce_sum3A_259 = arith.constant dense<0.000000e+00> : vector<512xf32>
    %reduce_sum3A_260 = vector.multi_reduction <add>, %convert_element_type3A_258, %reduce_sum3A_259 [1] : vector<512x2048xf32> to vector<512xf32>
    %broadcast_in_dim3A_261 = vector.shape_cast %reduce_sum3A_260 : vector<512xf32> to vector<512x1xf32>
    %le3A_262 = arith.constant 1.700000e+01 : f32
    %le3A_263 = vector.broadcast %le3A_262 : f32 to vector<512x2048xf32>
    %le3A_264 = arith.cmpf ole, %concatenate3A, %le3A_263 : vector<512x2048xf32>
    %convert_element_type3A_265 = arith.extui %le3A_264 : vector<512x2048xi1> to vector<512x2048xi32>
    %convert_element_type3A_266 = arith.sitofp %convert_element_type3A_265 : vector<512x2048xi32> to vector<512x2048xf32>
    %reduce_sum3A_267 = arith.constant dense<0.000000e+00> : vector<512xf32>
    %reduce_sum3A_268 = vector.multi_reduction <add>, %convert_element_type3A_266, %reduce_sum3A_267 [1] : vector<512x2048xf32> to vector<512xf32>
    %broadcast_in_dim3A_269 = vector.shape_cast %reduce_sum3A_268 : vector<512xf32> to vector<512x1xf32>
    %le3A_270 = arith.constant 1.800000e+01 : f32
    %le3A_271 = vector.broadcast %le3A_270 : f32 to vector<512x2048xf32>
    %le3A_272 = arith.cmpf ole, %concatenate3A, %le3A_271 : vector<512x2048xf32>
    %convert_element_type3A_273 = arith.extui %le3A_272 : vector<512x2048xi1> to vector<512x2048xi32>
    %convert_element_type3A_274 = arith.sitofp %convert_element_type3A_273 : vector<512x2048xi32> to vector<512x2048xf32>
    %reduce_sum3A_275 = arith.constant dense<0.000000e+00> : vector<512xf32>
    %reduce_sum3A_276 = vector.multi_reduction <add>, %convert_element_type3A_274, %reduce_sum3A_275 [1] : vector<512x2048xf32> to vector<512xf32>
    %broadcast_in_dim3A_277 = vector.shape_cast %reduce_sum3A_276 : vector<512xf32> to vector<512x1xf32>
    %le3A_278 = arith.constant 1.900000e+01 : f32
    %le3A_279 = vector.broadcast %le3A_278 : f32 to vector<512x2048xf32>
    %le3A_280 = arith.cmpf ole, %concatenate3A, %le3A_279 : vector<512x2048xf32>
    %convert_element_type3A_281 = arith.extui %le3A_280 : vector<512x2048xi1> to vector<512x2048xi32>
    %convert_element_type3A_282 = arith.sitofp %convert_element_type3A_281 : vector<512x2048xi32> to vector<512x2048xf32>
    %reduce_sum3A_283 = arith.constant dense<0.000000e+00> : vector<512xf32>
    %reduce_sum3A_284 = vector.multi_reduction <add>, %convert_element_type3A_282, %reduce_sum3A_283 [1] : vector<512x2048xf32> to vector<512xf32>
    %broadcast_in_dim3A_285 = vector.shape_cast %reduce_sum3A_284 : vector<512xf32> to vector<512x1xf32>
    %le3A_286 = arith.constant 2.000000e+01 : f32
    %le3A_287 = vector.broadcast %le3A_286 : f32 to vector<512x2048xf32>
    %le3A_288 = arith.cmpf ole, %concatenate3A, %le3A_287 : vector<512x2048xf32>
    %convert_element_type3A_289 = arith.extui %le3A_288 : vector<512x2048xi1> to vector<512x2048xi32>
    %convert_element_type3A_290 = arith.sitofp %convert_element_type3A_289 : vector<512x2048xi32> to vector<512x2048xf32>
    %reduce_sum3A_291 = arith.constant dense<0.000000e+00> : vector<512xf32>
    %reduce_sum3A_292 = vector.multi_reduction <add>, %convert_element_type3A_290, %reduce_sum3A_291 [1] : vector<512x2048xf32> to vector<512xf32>
    %broadcast_in_dim3A_293 = vector.shape_cast %reduce_sum3A_292 : vector<512xf32> to vector<512x1xf32>
    %le3A_294 = arith.constant 2.100000e+01 : f32
    %le3A_295 = vector.broadcast %le3A_294 : f32 to vector<512x2048xf32>
    %le3A_296 = arith.cmpf ole, %concatenate3A, %le3A_295 : vector<512x2048xf32>
    %convert_element_type3A_297 = arith.extui %le3A_296 : vector<512x2048xi1> to vector<512x2048xi32>
    %convert_element_type3A_298 = arith.sitofp %convert_element_type3A_297 : vector<512x2048xi32> to vector<512x2048xf32>
    %reduce_sum3A_299 = arith.constant dense<0.000000e+00> : vector<512xf32>
    %reduce_sum3A_300 = vector.multi_reduction <add>, %convert_element_type3A_298, %reduce_sum3A_299 [1] : vector<512x2048xf32> to vector<512xf32>
    %broadcast_in_dim3A_301 = vector.shape_cast %reduce_sum3A_300 : vector<512xf32> to vector<512x1xf32>
    %le3A_302 = arith.constant 2.200000e+01 : f32
    %le3A_303 = vector.broadcast %le3A_302 : f32 to vector<512x2048xf32>
    %le3A_304 = arith.cmpf ole, %concatenate3A, %le3A_303 : vector<512x2048xf32>
    %convert_element_type3A_305 = arith.extui %le3A_304 : vector<512x2048xi1> to vector<512x2048xi32>
    %convert_element_type3A_306 = arith.sitofp %convert_element_type3A_305 : vector<512x2048xi32> to vector<512x2048xf32>
    %reduce_sum3A_307 = arith.constant dense<0.000000e+00> : vector<512xf32>
    %reduce_sum3A_308 = vector.multi_reduction <add>, %convert_element_type3A_306, %reduce_sum3A_307 [1] : vector<512x2048xf32> to vector<512xf32>
    %broadcast_in_dim3A_309 = vector.shape_cast %reduce_sum3A_308 : vector<512xf32> to vector<512x1xf32>
    %le3A_310 = arith.constant 2.300000e+01 : f32
    %le3A_311 = vector.broadcast %le3A_310 : f32 to vector<512x2048xf32>
    %le3A_312 = arith.cmpf ole, %concatenate3A, %le3A_311 : vector<512x2048xf32>
    %convert_element_type3A_313 = arith.extui %le3A_312 : vector<512x2048xi1> to vector<512x2048xi32>
    %convert_element_type3A_314 = arith.sitofp %convert_element_type3A_313 : vector<512x2048xi32> to vector<512x2048xf32>
    %reduce_sum3A_315 = arith.constant dense<0.000000e+00> : vector<512xf32>
    %reduce_sum3A_316 = vector.multi_reduction <add>, %convert_element_type3A_314, %reduce_sum3A_315 [1] : vector<512x2048xf32> to vector<512xf32>
    %broadcast_in_dim3A_317 = vector.shape_cast %reduce_sum3A_316 : vector<512xf32> to vector<512x1xf32>
    %le3A_318 = arith.constant 2.400000e+01 : f32
    %le3A_319 = vector.broadcast %le3A_318 : f32 to vector<512x2048xf32>
    %le3A_320 = arith.cmpf ole, %concatenate3A, %le3A_319 : vector<512x2048xf32>
    %convert_element_type3A_321 = arith.extui %le3A_320 : vector<512x2048xi1> to vector<512x2048xi32>
    %convert_element_type3A_322 = arith.sitofp %convert_element_type3A_321 : vector<512x2048xi32> to vector<512x2048xf32>
    %reduce_sum3A_323 = arith.constant dense<0.000000e+00> : vector<512xf32>
    %reduce_sum3A_324 = vector.multi_reduction <add>, %convert_element_type3A_322, %reduce_sum3A_323 [1] : vector<512x2048xf32> to vector<512xf32>
    %broadcast_in_dim3A_325 = vector.shape_cast %reduce_sum3A_324 : vector<512xf32> to vector<512x1xf32>
    %le3A_326 = arith.constant 2.500000e+01 : f32
    %le3A_327 = vector.broadcast %le3A_326 : f32 to vector<512x2048xf32>
    %le3A_328 = arith.cmpf ole, %concatenate3A, %le3A_327 : vector<512x2048xf32>
    %convert_element_type3A_329 = arith.extui %le3A_328 : vector<512x2048xi1> to vector<512x2048xi32>
    %convert_element_type3A_330 = arith.sitofp %convert_element_type3A_329 : vector<512x2048xi32> to vector<512x2048xf32>
    %reduce_sum3A_331 = arith.constant dense<0.000000e+00> : vector<512xf32>
    %reduce_sum3A_332 = vector.multi_reduction <add>, %convert_element_type3A_330, %reduce_sum3A_331 [1] : vector<512x2048xf32> to vector<512xf32>
    %broadcast_in_dim3A_333 = vector.shape_cast %reduce_sum3A_332 : vector<512xf32> to vector<512x1xf32>
    %le3A_334 = arith.constant 2.600000e+01 : f32
    %le3A_335 = vector.broadcast %le3A_334 : f32 to vector<512x2048xf32>
    %le3A_336 = arith.cmpf ole, %concatenate3A, %le3A_335 : vector<512x2048xf32>
    %convert_element_type3A_337 = arith.extui %le3A_336 : vector<512x2048xi1> to vector<512x2048xi32>
    %convert_element_type3A_338 = arith.sitofp %convert_element_type3A_337 : vector<512x2048xi32> to vector<512x2048xf32>
    %reduce_sum3A_339 = arith.constant dense<0.000000e+00> : vector<512xf32>
    %reduce_sum3A_340 = vector.multi_reduction <add>, %convert_element_type3A_338, %reduce_sum3A_339 [1] : vector<512x2048xf32> to vector<512xf32>
    %broadcast_in_dim3A_341 = vector.shape_cast %reduce_sum3A_340 : vector<512xf32> to vector<512x1xf32>
    %le3A_342 = arith.constant 2.700000e+01 : f32
    %le3A_343 = vector.broadcast %le3A_342 : f32 to vector<512x2048xf32>
    %le3A_344 = arith.cmpf ole, %concatenate3A, %le3A_343 : vector<512x2048xf32>
    %convert_element_type3A_345 = arith.extui %le3A_344 : vector<512x2048xi1> to vector<512x2048xi32>
    %convert_element_type3A_346 = arith.sitofp %convert_element_type3A_345 : vector<512x2048xi32> to vector<512x2048xf32>
    %reduce_sum3A_347 = arith.constant dense<0.000000e+00> : vector<512xf32>
    %reduce_sum3A_348 = vector.multi_reduction <add>, %convert_element_type3A_346, %reduce_sum3A_347 [1] : vector<512x2048xf32> to vector<512xf32>
    %broadcast_in_dim3A_349 = vector.shape_cast %reduce_sum3A_348 : vector<512xf32> to vector<512x1xf32>
    %le3A_350 = arith.constant 2.800000e+01 : f32
    %le3A_351 = vector.broadcast %le3A_350 : f32 to vector<512x2048xf32>
    %le3A_352 = arith.cmpf ole, %concatenate3A, %le3A_351 : vector<512x2048xf32>
    %convert_element_type3A_353 = arith.extui %le3A_352 : vector<512x2048xi1> to vector<512x2048xi32>
    %convert_element_type3A_354 = arith.sitofp %convert_element_type3A_353 : vector<512x2048xi32> to vector<512x2048xf32>
    %reduce_sum3A_355 = arith.constant dense<0.000000e+00> : vector<512xf32>
    %reduce_sum3A_356 = vector.multi_reduction <add>, %convert_element_type3A_354, %reduce_sum3A_355 [1] : vector<512x2048xf32> to vector<512xf32>
    %broadcast_in_dim3A_357 = vector.shape_cast %reduce_sum3A_356 : vector<512xf32> to vector<512x1xf32>
    %le3A_358 = arith.constant 2.900000e+01 : f32
    %le3A_359 = vector.broadcast %le3A_358 : f32 to vector<512x2048xf32>
    %le3A_360 = arith.cmpf ole, %concatenate3A, %le3A_359 : vector<512x2048xf32>
    %convert_element_type3A_361 = arith.extui %le3A_360 : vector<512x2048xi1> to vector<512x2048xi32>
    %convert_element_type3A_362 = arith.sitofp %convert_element_type3A_361 : vector<512x2048xi32> to vector<512x2048xf32>
    %reduce_sum3A_363 = arith.constant dense<0.000000e+00> : vector<512xf32>
    %reduce_sum3A_364 = vector.multi_reduction <add>, %convert_element_type3A_362, %reduce_sum3A_363 [1] : vector<512x2048xf32> to vector<512xf32>
    %broadcast_in_dim3A_365 = vector.shape_cast %reduce_sum3A_364 : vector<512xf32> to vector<512x1xf32>
    %le3A_366 = arith.constant 3.000000e+01 : f32
    %le3A_367 = vector.broadcast %le3A_366 : f32 to vector<512x2048xf32>
    %le3A_368 = arith.cmpf ole, %concatenate3A, %le3A_367 : vector<512x2048xf32>
    %convert_element_type3A_369 = arith.extui %le3A_368 : vector<512x2048xi1> to vector<512x2048xi32>
    %convert_element_type3A_370 = arith.sitofp %convert_element_type3A_369 : vector<512x2048xi32> to vector<512x2048xf32>
    %reduce_sum3A_371 = arith.constant dense<0.000000e+00> : vector<512xf32>
    %reduce_sum3A_372 = vector.multi_reduction <add>, %convert_element_type3A_370, %reduce_sum3A_371 [1] : vector<512x2048xf32> to vector<512xf32>
    %broadcast_in_dim3A_373 = vector.shape_cast %reduce_sum3A_372 : vector<512xf32> to vector<512x1xf32>
    %le3A_374 = arith.constant 3.100000e+01 : f32
    %le3A_375 = vector.broadcast %le3A_374 : f32 to vector<512x2048xf32>
    %le3A_376 = arith.cmpf ole, %concatenate3A, %le3A_375 : vector<512x2048xf32>
    %convert_element_type3A_377 = arith.extui %le3A_376 : vector<512x2048xi1> to vector<512x2048xi32>
    %convert_element_type3A_378 = arith.sitofp %convert_element_type3A_377 : vector<512x2048xi32> to vector<512x2048xf32>
    %reduce_sum3A_379 = arith.constant dense<0.000000e+00> : vector<512xf32>
    %reduce_sum3A_380 = vector.multi_reduction <add>, %convert_element_type3A_378, %reduce_sum3A_379 [1] : vector<512x2048xf32> to vector<512xf32>
    %broadcast_in_dim3A_381 = vector.shape_cast %reduce_sum3A_380 : vector<512xf32> to vector<512x1xf32>
    %concatenate3A_382 = tpu.concatenate %broadcast_in_dim3A_133, %broadcast_in_dim3A_141, %broadcast_in_dim3A_149, %broadcast_in_dim3A_157, %broadcast_in_dim3A_165, %broadcast_in_dim3A_173, %broadcast_in_dim3A_181, %broadcast_in_dim3A_189, %broadcast_in_dim3A_197, %broadcast_in_dim3A_205, %broadcast_in_dim3A_213, %broadcast_in_dim3A_221, %broadcast_in_dim3A_229, %broadcast_in_dim3A_237, %broadcast_in_dim3A_245, %broadcast_in_dim3A_253, %broadcast_in_dim3A_261, %broadcast_in_dim3A_269, %broadcast_in_dim3A_277, %broadcast_in_dim3A_285, %broadcast_in_dim3A_293, %broadcast_in_dim3A_301, %broadcast_in_dim3A_309, %broadcast_in_dim3A_317, %broadcast_in_dim3A_325, %broadcast_in_dim3A_333, %broadcast_in_dim3A_341, %broadcast_in_dim3A_349, %broadcast_in_dim3A_357, %broadcast_in_dim3A_365, %broadcast_in_dim3A_373, %broadcast_in_dim3A_381 in 1 : vector<512x1xf32>, vector<512x1xf32>, vector<512x1xf32>, vector<512x1xf32>, vector<512x1xf32>, vector<512x1xf32>, vector<512x1xf32>, vector<512x1xf32>, vector<512x1xf32>, vector<512x1xf32>, vector<512x1xf32>, vector<512x1xf32>, vector<512x1xf32>, vector<512x1xf32>, vector<512x1xf32>, vector<512x1xf32>, vector<512x1xf32>, vector<512x1xf32>, vector<512x1xf32>, vector<512x1xf32>, vector<512x1xf32>, vector<512x1xf32>, vector<512x1xf32>, vector<512x1xf32>, vector<512x1xf32>, vector<512x1xf32>, vector<512x1xf32>, vector<512x1xf32>, vector<512x1xf32>, vector<512x1xf32>, vector<512x1xf32>, vector<512x1xf32> -> vector<512x32xf32>
    %iota3A_383 = tpu.iota {dimensions = array<i32: 1>} : vector<512x32xi32>
    %convert_element_type3A_384 = arith.sitofp %iota3A_383 : vector<512x32xi32> to vector<512x32xf32>
    %lt3A = vector.broadcast %slice3A_125 : vector<512x1xf32> to vector<512x32xf32>
    %lt3A_385 = arith.cmpf olt, %convert_element_type3A_384, %lt3A : vector<512x32xf32>
    %slice3A_386 = vector.extract_strided_slice %concatenate3A_382 {offsets = [0, 0], sizes = [512, 1], strides = [1, 1]} : vector<512x32xf32> to vector<512x1xf32>
    %broadcast_in_dim3A_387 = vector.shape_cast %slice3A_386 : vector<512x1xf32> to vector<512x1xf32>
    %broadcast_in_dim3A_388 = vector.broadcast %broadcast_in_dim3A_387 : vector<512x1xf32> to vector<512x32xf32>
    %select_n3A = arith.select %lt3A_385, %concatenate3A_382, %broadcast_in_dim3A_388 : vector<512x32xi1>, vector<512x32xf32>
    %min3A = arith.constant 2.047000e+03 : f32
    %min3A_389 = vector.broadcast %min3A : f32 to vector<512x32xf32>
    %min3A_390 = arith.minimumf %select_n3A, %min3A_389 : vector<512x32xf32>
    %convert_element_type3A_391 = arith.fptosi %min3A_390 : vector<512x32xf32> to vector<512x32xi32>
    %mul3A_392 = arith.constant 2048 : i32
    %mul3A_393 = arith.muli %arg0, %mul3A_392 : i32
    %add3A_394 = vector.broadcast %mul3A_393 : i32 to vector<512x32xi32>
    %add3A_395 = arith.addi %convert_element_type3A_391, %add3A_394 : vector<512x32xi32>
    %swap3A = arith.constant 0 : index
    %swap3A_396 = arith.constant 0 : index
    %swap3A_397 = arith.constant 0 : index
    %swap3A_398 = vector.load %arg3[%swap3A, %swap3A_396, %swap3A_397] : memref<1x512x32xi32, #tpu.memory_space<vmem>>, vector<1x512x32xi32>
    %swap3A_399 = vector.shape_cast %swap3A_398 : vector<1x512x32xi32> to vector<512x32xi32>
    %swap3A_400 = vector.shape_cast %add3A_395 : vector<512x32xi32> to vector<1x512x32xi32>
    tpu.vector_store %arg3[%swap3A, %swap3A_396, %swap3A_397], %swap3A_400 {strides = array<i32>} : memref<1x512x32xi32, #tpu.memory_space<vmem>>, vector<1x512x32xi32>,
    return
  }
  func.func @transform_0(%arg0: i32) -> (i32, i32, i32) {
    %c0_i32 = arith.constant 0 : i32
    %c0_i32_0 = arith.constant 0 : i32
    %c0_i32_1 = arith.constant 0 : i32
    return %arg0, %c0_i32, %c0_i32_0 : i32, i32, i32
  }
  func.func @transform_1(%arg0: i32) -> (i32, i32, i32) {
    %c0_i32 = arith.constant 0 : i32
    %c0_i32_0 = arith.constant 0 : i32
    %c0_i32_1 = arith.constant 0 : i32
    return %arg0, %c0_i32, %c0_i32_0 : i32, i32, i32
  }
  func.func @transform_2(%arg0: i32) -> (i32, i32, i32) {
    %c0_i32 = arith.constant 0 : i32
    %c0_i32_0 = arith.constant 0 : i32
    %c0_i32_1 = arith.constant 0 : i32
    return %arg0, %c0_i32, %c0_i32_0 : i32, i32, i32
  }
}

module attributes {stable_mosaic.version = 14 : i64} {
  func.func @body(%arg0: memref<16x512xf32, #tpu.memory_space<vmem>>, %arg1: memref<16x512xf32, #tpu.memory_space<vmem>>, %arg2: memref<16x512xf32, #tpu.memory_space<vmem>>, %arg3: memref<16x128xf32, #tpu.memory_space<vmem>>, %arg4: memref<16x128xf32, #tpu.memory_space<vmem>>, %arg5: memref<16x128xf32, #tpu.memory_space<vmem>>, %arg6: memref<16x512xf32, #tpu.memory_space<vmem>>) attributes {dimension_semantics = [], scalar_prefetch = 0 : i64, scratch_operands = 1 : i64, tpu.core_type = #tpu.core_type<tc>} {
    %get3A = arith.constant 0 : index
    %get3A_0 = arith.constant 0 : index
    %get3A_1 = vector.load %arg0[%get3A, %get3A_0] : memref<16x512xf32, #tpu.memory_space<vmem>>, vector<16x512xf32>
    %get3A_2 = arith.constant 0 : index
    %get3A_3 = arith.constant 0 : index
    %get3A_4 = vector.load %arg1[%get3A_2, %get3A_3] : memref<16x512xf32, #tpu.memory_space<vmem>>, vector<16x512xf32>
    %get3A_5 = arith.constant 0 : index
    %get3A_6 = arith.constant 0 : index
    %get3A_7 = vector.load %arg2[%get3A_5, %get3A_6] : memref<16x512xf32, #tpu.memory_space<vmem>>, vector<16x512xf32>
    %iota3A = tpu.iota {dimensions = array<i32: 1>} : vector<16x512xi32>
    %iota3A_8 = tpu.iota {dimensions = array<i32: 1>} : vector<16x128xi32>
    %broadcast_in_dim3A = arith.constant 1.000000e+10 : f32
    %broadcast_in_dim3A_9 = vector.broadcast %broadcast_in_dim3A : f32 to vector<16x512xf32>
    %swap3A = arith.constant 0 : index
    %swap3A_10 = arith.constant 0 : index
    %swap3A_11 = vector.load %arg6[%swap3A, %swap3A_10] : memref<16x512xf32, #tpu.memory_space<vmem>>, vector<16x512xf32>
    tpu.vector_store %arg6[%swap3A, %swap3A_10], %broadcast_in_dim3A_9 {strides = array<i32>} : memref<16x512xf32, #tpu.memory_space<vmem>>, vector<16x512xf32>,
    %broadcast_in_dim3A_12 = arith.constant 0 : i32
    %broadcast_in_dim3A_13 = vector.broadcast %broadcast_in_dim3A_12 : i32 to vector<16x1xi32>
    %broadcast_in_dim3A_14 = arith.constant 0.000000e+00 : f32
    %broadcast_in_dim3A_15 = vector.broadcast %broadcast_in_dim3A_14 : f32 to vector<16x128xf32>
    %scan3A = arith.constant 0 : i32
    %scan3A_16 = arith.constant 128 : i32
    %scan3A_17 = arith.addi %scan3A, %scan3A_16 : i32
    %scan3A_18 = arith.constant 1 : i32
    %scan3A_19:4 = scf.for %scan3A_30 = %scan3A to %scan3A_17 step %scan3A_18 iter_args(%scan3A_31 = %broadcast_in_dim3A_13, %scan3A_32 = %broadcast_in_dim3A_15, %scan3A_33 = %broadcast_in_dim3A_15, %scan3A_34 = %broadcast_in_dim3A_15) -> (vector<16x1xi32>, vector<16x128xf32>, vector<16x128xf32>, vector<16x128xf32>)  : i32 {
      %eq3A = vector.broadcast %scan3A_31 : vector<16x1xi32> to vector<16x512xi32>
      %eq3A_35 = arith.cmpi eq, %iota3A, %eq3A : vector<16x512xi32>
      %jit3A = arith.constant 0.000000e+00 : f32
      %broadcast_in_dim3A_36 = vector.broadcast %jit3A : f32 to vector<16x512xf32>
      %select_n3A = arith.select %eq3A_35, %get3A_1, %broadcast_in_dim3A_36 : vector<16x512xi1>, vector<16x512xf32>
      %reduce_sum3A = arith.constant dense<0.000000e+00> : vector<16xf32>
      %reduce_sum3A_37 = vector.multi_reduction <add>, %select_n3A, %reduce_sum3A [1] : vector<16x512xf32> to vector<16xf32>
      %broadcast_in_dim3A_38 = vector.shape_cast %reduce_sum3A_37 : vector<16xf32> to vector<16x1xf32>
      %jit3A_39 = arith.constant 0.000000e+00 : f32
      %broadcast_in_dim3A_40 = vector.broadcast %jit3A_39 : f32 to vector<16x512xf32>
      %select_n3A_41 = arith.select %eq3A_35, %get3A_4, %broadcast_in_dim3A_40 : vector<16x512xi1>, vector<16x512xf32>
      %reduce_sum3A_42 = arith.constant dense<0.000000e+00> : vector<16xf32>
      %reduce_sum3A_43 = vector.multi_reduction <add>, %select_n3A_41, %reduce_sum3A_42 [1] : vector<16x512xf32> to vector<16xf32>
      %broadcast_in_dim3A_44 = vector.shape_cast %reduce_sum3A_43 : vector<16xf32> to vector<16x1xf32>
      %jit3A_45 = arith.constant 0.000000e+00 : f32
      %broadcast_in_dim3A_46 = vector.broadcast %jit3A_45 : f32 to vector<16x512xf32>
      %select_n3A_47 = arith.select %eq3A_35, %get3A_7, %broadcast_in_dim3A_46 : vector<16x512xi1>, vector<16x512xf32>
      %reduce_sum3A_48 = arith.constant dense<0.000000e+00> : vector<16xf32>
      %reduce_sum3A_49 = vector.multi_reduction <add>, %select_n3A_47, %reduce_sum3A_48 [1] : vector<16x512xf32> to vector<16xf32>
      %broadcast_in_dim3A_50 = vector.shape_cast %reduce_sum3A_49 : vector<16xf32> to vector<16x1xf32>
      %eq3A_51 = vector.broadcast %scan3A_30 : i32 to vector<16x128xi32>
      %eq3A_52 = arith.cmpi eq, %iota3A_8, %eq3A_51 : vector<16x128xi32>
      %broadcast_in_dim3A_53 = vector.shape_cast %broadcast_in_dim3A_38 : vector<16x1xf32> to vector<16x1xf32>
      %broadcast_in_dim3A_54 = vector.broadcast %broadcast_in_dim3A_53 : vector<16x1xf32> to vector<16x128xf32>
      %select_n3A_55 = arith.select %eq3A_52, %broadcast_in_dim3A_54, %scan3A_32 : vector<16x128xi1>, vector<16x128xf32>
      %broadcast_in_dim3A_56 = vector.shape_cast %broadcast_in_dim3A_44 : vector<16x1xf32> to vector<16x1xf32>
      %broadcast_in_dim3A_57 = vector.broadcast %broadcast_in_dim3A_56 : vector<16x1xf32> to vector<16x128xf32>
      %select_n3A_58 = arith.select %eq3A_52, %broadcast_in_dim3A_57, %scan3A_33 : vector<16x128xi1>, vector<16x128xf32>
      %broadcast_in_dim3A_59 = vector.shape_cast %broadcast_in_dim3A_50 : vector<16x1xf32> to vector<16x1xf32>
      %broadcast_in_dim3A_60 = vector.broadcast %broadcast_in_dim3A_59 : vector<16x1xf32> to vector<16x128xf32>
      %select_n3A_61 = arith.select %eq3A_52, %broadcast_in_dim3A_60, %scan3A_34 : vector<16x128xi1>, vector<16x128xf32>
      %sub3A = vector.broadcast %broadcast_in_dim3A_38 : vector<16x1xf32> to vector<16x512xf32>
      %sub3A_62 = arith.subf %get3A_1, %sub3A : vector<16x512xf32>
      %sub3A_63 = vector.broadcast %broadcast_in_dim3A_44 : vector<16x1xf32> to vector<16x512xf32>
      %sub3A_64 = arith.subf %get3A_4, %sub3A_63 : vector<16x512xf32>
      %sub3A_65 = vector.broadcast %broadcast_in_dim3A_50 : vector<16x1xf32> to vector<16x512xf32>
      %sub3A_66 = arith.subf %get3A_7, %sub3A_65 : vector<16x512xf32>
      %mul3A = arith.mulf %sub3A_62, %sub3A_62 : vector<16x512xf32>
      %mul3A_67 = arith.mulf %sub3A_64, %sub3A_64 : vector<16x512xf32>
      %add3A = arith.addf %mul3A, %mul3A_67 : vector<16x512xf32>
      %mul3A_68 = arith.mulf %sub3A_66, %sub3A_66 : vector<16x512xf32>
      %add3A_69 = arith.addf %add3A, %mul3A_68 : vector<16x512xf32>
      %get3A_70 = arith.constant 0 : index
      %get3A_71 = arith.constant 0 : index
      %get3A_72 = vector.load %arg6[%get3A_70, %get3A_71] : memref<16x512xf32, #tpu.memory_space<vmem>>, vector<16x512xf32>
      %min3A = arith.minimumf %get3A_72, %add3A_69 : vector<16x512xf32>
      %swap3A_73 = arith.constant 0 : index
      %swap3A_74 = arith.constant 0 : index
      %swap3A_75 = vector.load %arg6[%swap3A_73, %swap3A_74] : memref<16x512xf32, #tpu.memory_space<vmem>>, vector<16x512xf32>
      tpu.vector_store %arg6[%swap3A_73, %swap3A_74], %min3A {strides = array<i32>} : memref<16x512xf32, #tpu.memory_space<vmem>>, vector<16x512xf32>,
      %reduce_max3A = arith.constant dense<0xFF800000> : vector<16xf32>
      %reduce_max3A_76 = vector.multi_reduction <maximumf>, %min3A, %reduce_max3A [1] : vector<16x512xf32> to vector<16xf32>
      %broadcast_in_dim3A_77 = vector.shape_cast %reduce_max3A_76 : vector<16xf32> to vector<16x1xf32>
      %eq3A_78 = vector.broadcast %broadcast_in_dim3A_77 : vector<16x1xf32> to vector<16x512xf32>
      %eq3A_79 = arith.cmpf oeq, %min3A, %eq3A_78 : vector<16x512xf32>
      %jit3A_80 = arith.constant 512 : i32
      %broadcast_in_dim3A_81 = vector.broadcast %jit3A_80 : i32 to vector<16x512xi32>
      %select_n3A_82 = arith.select %eq3A_79, %iota3A, %broadcast_in_dim3A_81 : vector<16x512xi1>, vector<16x512xi32>
      %reduce_min3A = arith.constant dense<2147483647> : vector<16xi32>
      %reduce_min3A_83 = vector.multi_reduction <minsi>, %select_n3A_82, %reduce_min3A [1] : vector<16x512xi32> to vector<16xi32>
      %broadcast_in_dim3A_84 = vector.shape_cast %reduce_min3A_83 : vector<16xi32> to vector<16x1xi32>
      scf.yield %broadcast_in_dim3A_84, %select_n3A_55, %select_n3A_58, %select_n3A_61 : vector<16x1xi32>, vector<16x128xf32>, vector<16x128xf32>, vector<16x128xf32>
    }
    %scan3A_20 = arith.constant 128 : i32
    %swap3A_21 = arith.constant 0 : index
    %swap3A_22 = arith.constant 0 : index
    %swap3A_23 = vector.load %arg3[%swap3A_21, %swap3A_22] : memref<16x128xf32, #tpu.memory_space<vmem>>, vector<16x128xf32>
    tpu.vector_store %arg3[%swap3A_21, %swap3A_22], %scan3A_19#1 {strides = array<i32>} : memref<16x128xf32, #tpu.memory_space<vmem>>, vector<16x128xf32>,
    %swap3A_24 = arith.constant 0 : index
    %swap3A_25 = arith.constant 0 : index
    %swap3A_26 = vector.load %arg4[%swap3A_24, %swap3A_25] : memref<16x128xf32, #tpu.memory_space<vmem>>, vector<16x128xf32>
    tpu.vector_store %arg4[%swap3A_24, %swap3A_25], %scan3A_19#2 {strides = array<i32>} : memref<16x128xf32, #tpu.memory_space<vmem>>, vector<16x128xf32>,
    %swap3A_27 = arith.constant 0 : index
    %swap3A_28 = arith.constant 0 : index
    %swap3A_29 = vector.load %arg5[%swap3A_27, %swap3A_28] : memref<16x128xf32, #tpu.memory_space<vmem>>, vector<16x128xf32>
    tpu.vector_store %arg5[%swap3A_27, %swap3A_28], %scan3A_19#3 {strides = array<i32>} : memref<16x128xf32, #tpu.memory_space<vmem>>, vector<16x128xf32>,
    return
  }
}

module attributes {stable_mosaic.version = 14 : i64} {
  func.func @body(%arg0: i32, %arg1: memref<1x128x3xf32, #tpu.memory_space<vmem>>, %arg2: memref<1x3x512xf32, #tpu.memory_space<vmem>>, %arg3: memref<1x128x64xi32, #tpu.memory_space<vmem>>) attributes {dimension_semantics = [#tpu.dimension_semantics<arbitrary>], iteration_bounds = array<i64: 16>, scalar_prefetch = 0 : i64, scratch_operands = 0 : i64, tpu.core_type = #tpu.core_type<tc>, window_params = [{transform_indices = @transform_0, window_bounds = array<i64: 1, 128, 3>}, {transform_indices = @transform_1, window_bounds = array<i64: 1, 3, 512>}, {transform_indices = @transform_2, window_bounds = array<i64: 1, 128, 64>}]} {
    %get3A = arith.constant 0 : index
    %get3A_0 = arith.constant 0 : index
    %get3A_1 = arith.constant 0 : index
    %get3A_2 = vector.load %arg1[%get3A, %get3A_0, %get3A_1] : memref<1x128x3xf32, #tpu.memory_space<vmem>>, vector<1x128x3xf32>
    %get3A_3 = vector.shape_cast %get3A_2 : vector<1x128x3xf32> to vector<128x3xf32>
    %get3A_4 = arith.constant 0 : index
    %get3A_5 = arith.constant 0 : index
    %get3A_6 = arith.constant 0 : index
    %get3A_7 = vector.load %arg2[%get3A_4, %get3A_5, %get3A_6] : memref<1x3x512xf32, #tpu.memory_space<vmem>>, vector<1x3x512xf32>
    %get3A_8 = vector.shape_cast %get3A_7 : vector<1x3x512xf32> to vector<3x512xf32>
    %convert_element_type3A = arith.truncf %get3A_3 : vector<128x3xf32> to vector<128x3xbf16>
    %convert_element_type3A_9 = arith.truncf %get3A_8 : vector<3x512xf32> to vector<3x512xbf16>
    %dot_general3A = arith.constant dense<0.000000e+00> : vector<128x512xf32>
    %dot_general3A_10 = tpu.matmul %convert_element_type3A, %convert_element_type3A_9, %dot_general3A {dimension_numbers = #tpu.dot_dimension_numbers<[1], [0], [0], [1], [0, 0, 1, 1], [], []>, transpose_lhs_hint = false} : vector<128x3xbf16>, vector<3x512xbf16>, vector<128x512xf32> -> vector<128x512xf32>
    %mul3A = arith.mulf %get3A_3, %get3A_3 : vector<128x3xf32>
    %reduce_sum3A = arith.constant dense<0.000000e+00> : vector<128xf32>
    %reduce_sum3A_11 = vector.multi_reduction <add>, %mul3A, %reduce_sum3A [1] : vector<128x3xf32> to vector<128xf32>
    %broadcast_in_dim3A = vector.shape_cast %reduce_sum3A_11 : vector<128xf32> to vector<128x1xf32>
    %mul3A_12 = arith.mulf %get3A_8, %get3A_8 : vector<3x512xf32>
    %reduce_sum3A_13 = arith.constant dense<0.000000e+00> : vector<512xf32>
    %reduce_sum3A_14 = vector.multi_reduction <add>, %mul3A_12, %reduce_sum3A_13 [0] : vector<3x512xf32> to vector<512xf32>
    %broadcast_in_dim3A_15 = vector.shape_cast %reduce_sum3A_14 : vector<512xf32> to vector<1x512xf32>
    %add3A = vector.broadcast %broadcast_in_dim3A : vector<128x1xf32> to vector<128x512xf32>
    %add3A_16 = vector.broadcast %broadcast_in_dim3A_15 : vector<1x512xf32> to vector<128x512xf32>
    %add3A_17 = arith.addf %add3A, %add3A_16 : vector<128x512xf32>
    %mul3A_18 = arith.constant 2.000000e+00 : f32
    %mul3A_19 = vector.broadcast %mul3A_18 : f32 to vector<128x512xf32>
    %mul3A_20 = arith.mulf %mul3A_19, %dot_general3A_10 : vector<128x512xf32>
    %sub3A = arith.subf %add3A_17, %mul3A_20 : vector<128x512xf32>
    %le3A = arith.constant 1.600000e-01 : f32
    %le3A_21 = vector.broadcast %le3A : f32 to vector<128x512xf32>
    %le3A_22 = arith.cmpf ole, %sub3A, %le3A_21 : vector<128x512xf32>
    %convert_element_type3A_23 = arith.extui %le3A_22 : vector<128x512xi1> to vector<128x512xi32>
    %convert_element_type3A_24 = arith.sitofp %convert_element_type3A_23 : vector<128x512xi32> to vector<128x512xf32>
    %iota3A = tpu.iota {dimensions = array<i32: 0>} : vector<128x128xi32>
    %iota3A_25 = tpu.iota {dimensions = array<i32: 1>} : vector<128x128xi32>
    %le3A_26 = arith.cmpi sle, %iota3A, %iota3A_25 : vector<128x128xi32>
    %convert_element_type3A_27 = arith.extui %le3A_26 : vector<128x128xi1> to vector<128x128xi32>
    %convert_element_type3A_28 = arith.sitofp %convert_element_type3A_27 : vector<128x128xi32> to vector<128x128xf32>
    %broadcast_in_dim3A_29 = arith.constant 0.000000e+00 : f32
    %broadcast_in_dim3A_30 = vector.broadcast %broadcast_in_dim3A_29 : f32 to vector<128x1xf32>
    %slice3A = vector.extract_strided_slice %convert_element_type3A_24 {offsets = [0, 0], sizes = [128, 128], strides = [1, 1]} : vector<128x512xf32> to vector<128x128xf32>
    %dot_general3A_31 = arith.constant dense<0.000000e+00> : vector<128x128xf32>
    %dot_general3A_32 = tpu.matmul %slice3A, %convert_element_type3A_28, %dot_general3A_31 {dimension_numbers = #tpu.dot_dimension_numbers<[1], [0], [0], [1], [0, 0, 1, 1], [], []>, transpose_lhs_hint = false} : vector<128x128xf32>, vector<128x128xf32>, vector<128x128xf32> -> vector<128x128xf32>
    %add3A_33 = vector.broadcast %broadcast_in_dim3A_30 : vector<128x1xf32> to vector<128x128xf32>
    %add3A_34 = arith.addf %dot_general3A_32, %add3A_33 : vector<128x128xf32>
    %slice3A_35 = vector.extract_strided_slice %add3A_34 {offsets = [0, 127], sizes = [128, 1], strides = [1, 1]} : vector<128x128xf32> to vector<128x1xf32>
    %slice3A_36 = vector.extract_strided_slice %convert_element_type3A_24 {offsets = [0, 128], sizes = [128, 128], strides = [1, 1]} : vector<128x512xf32> to vector<128x128xf32>
    %dot_general3A_37 = arith.constant dense<0.000000e+00> : vector<128x128xf32>
    %dot_general3A_38 = tpu.matmul %slice3A_36, %convert_element_type3A_28, %dot_general3A_37 {dimension_numbers = #tpu.dot_dimension_numbers<[1], [0], [0], [1], [0, 0, 1, 1], [], []>, transpose_lhs_hint = false} : vector<128x128xf32>, vector<128x128xf32>, vector<128x128xf32> -> vector<128x128xf32>
    %add3A_39 = vector.broadcast %slice3A_35 : vector<128x1xf32> to vector<128x128xf32>
    %add3A_40 = arith.addf %dot_general3A_38, %add3A_39 : vector<128x128xf32>
    %slice3A_41 = vector.extract_strided_slice %add3A_40 {offsets = [0, 127], sizes = [128, 1], strides = [1, 1]} : vector<128x128xf32> to vector<128x1xf32>
    %slice3A_42 = vector.extract_strided_slice %convert_element_type3A_24 {offsets = [0, 256], sizes = [128, 128], strides = [1, 1]} : vector<128x512xf32> to vector<128x128xf32>
    %dot_general3A_43 = arith.constant dense<0.000000e+00> : vector<128x128xf32>
    %dot_general3A_44 = tpu.matmul %slice3A_42, %convert_element_type3A_28, %dot_general3A_43 {dimension_numbers = #tpu.dot_dimension_numbers<[1], [0], [0], [1], [0, 0, 1, 1], [], []>, transpose_lhs_hint = false} : vector<128x128xf32>, vector<128x128xf32>, vector<128x128xf32> -> vector<128x128xf32>
    %add3A_45 = vector.broadcast %slice3A_41 : vector<128x1xf32> to vector<128x128xf32>
    %add3A_46 = arith.addf %dot_general3A_44, %add3A_45 : vector<128x128xf32>
    %slice3A_47 = vector.extract_strided_slice %add3A_46 {offsets = [0, 127], sizes = [128, 1], strides = [1, 1]} : vector<128x128xf32> to vector<128x1xf32>
    %slice3A_48 = vector.extract_strided_slice %convert_element_type3A_24 {offsets = [0, 384], sizes = [128, 128], strides = [1, 1]} : vector<128x512xf32> to vector<128x128xf32>
    %dot_general3A_49 = arith.constant dense<0.000000e+00> : vector<128x128xf32>
    %dot_general3A_50 = tpu.matmul %slice3A_48, %convert_element_type3A_28, %dot_general3A_49 {dimension_numbers = #tpu.dot_dimension_numbers<[1], [0], [0], [1], [0, 0, 1, 1], [], []>, transpose_lhs_hint = false} : vector<128x128xf32>, vector<128x128xf32>, vector<128x128xf32> -> vector<128x128xf32>
    %add3A_51 = vector.broadcast %slice3A_47 : vector<128x1xf32> to vector<128x128xf32>
    %add3A_52 = arith.addf %dot_general3A_50, %add3A_51 : vector<128x128xf32>
    %slice3A_53 = vector.extract_strided_slice %add3A_52 {offsets = [0, 127], sizes = [128, 1], strides = [1, 1]} : vector<128x128xf32> to vector<128x1xf32>
    %concatenate3A = tpu.concatenate %add3A_34, %add3A_40, %add3A_46, %add3A_52 in 1 : vector<128x128xf32>, vector<128x128xf32>, vector<128x128xf32>, vector<128x128xf32> -> vector<128x512xf32>
    %le3A_54 = arith.constant 0.000000e+00 : f32
    %le3A_55 = vector.broadcast %le3A_54 : f32 to vector<128x512xf32>
    %le3A_56 = arith.cmpf ole, %concatenate3A, %le3A_55 : vector<128x512xf32>
    %convert_element_type3A_57 = arith.extui %le3A_56 : vector<128x512xi1> to vector<128x512xi32>
    %convert_element_type3A_58 = arith.sitofp %convert_element_type3A_57 : vector<128x512xi32> to vector<128x512xf32>
    %reduce_sum3A_59 = arith.constant dense<0.000000e+00> : vector<128xf32>
    %reduce_sum3A_60 = vector.multi_reduction <add>, %convert_element_type3A_58, %reduce_sum3A_59 [1] : vector<128x512xf32> to vector<128xf32>
    %broadcast_in_dim3A_61 = vector.shape_cast %reduce_sum3A_60 : vector<128xf32> to vector<128x1xf32>
    %le3A_62 = arith.constant 1.000000e+00 : f32
    %le3A_63 = vector.broadcast %le3A_62 : f32 to vector<128x512xf32>
    %le3A_64 = arith.cmpf ole, %concatenate3A, %le3A_63 : vector<128x512xf32>
    %convert_element_type3A_65 = arith.extui %le3A_64 : vector<128x512xi1> to vector<128x512xi32>
    %convert_element_type3A_66 = arith.sitofp %convert_element_type3A_65 : vector<128x512xi32> to vector<128x512xf32>
    %reduce_sum3A_67 = arith.constant dense<0.000000e+00> : vector<128xf32>
    %reduce_sum3A_68 = vector.multi_reduction <add>, %convert_element_type3A_66, %reduce_sum3A_67 [1] : vector<128x512xf32> to vector<128xf32>
    %broadcast_in_dim3A_69 = vector.shape_cast %reduce_sum3A_68 : vector<128xf32> to vector<128x1xf32>
    %le3A_70 = arith.constant 2.000000e+00 : f32
    %le3A_71 = vector.broadcast %le3A_70 : f32 to vector<128x512xf32>
    %le3A_72 = arith.cmpf ole, %concatenate3A, %le3A_71 : vector<128x512xf32>
    %convert_element_type3A_73 = arith.extui %le3A_72 : vector<128x512xi1> to vector<128x512xi32>
    %convert_element_type3A_74 = arith.sitofp %convert_element_type3A_73 : vector<128x512xi32> to vector<128x512xf32>
    %reduce_sum3A_75 = arith.constant dense<0.000000e+00> : vector<128xf32>
    %reduce_sum3A_76 = vector.multi_reduction <add>, %convert_element_type3A_74, %reduce_sum3A_75 [1] : vector<128x512xf32> to vector<128xf32>
    %broadcast_in_dim3A_77 = vector.shape_cast %reduce_sum3A_76 : vector<128xf32> to vector<128x1xf32>
    %le3A_78 = arith.constant 3.000000e+00 : f32
    %le3A_79 = vector.broadcast %le3A_78 : f32 to vector<128x512xf32>
    %le3A_80 = arith.cmpf ole, %concatenate3A, %le3A_79 : vector<128x512xf32>
    %convert_element_type3A_81 = arith.extui %le3A_80 : vector<128x512xi1> to vector<128x512xi32>
    %convert_element_type3A_82 = arith.sitofp %convert_element_type3A_81 : vector<128x512xi32> to vector<128x512xf32>
    %reduce_sum3A_83 = arith.constant dense<0.000000e+00> : vector<128xf32>
    %reduce_sum3A_84 = vector.multi_reduction <add>, %convert_element_type3A_82, %reduce_sum3A_83 [1] : vector<128x512xf32> to vector<128xf32>
    %broadcast_in_dim3A_85 = vector.shape_cast %reduce_sum3A_84 : vector<128xf32> to vector<128x1xf32>
    %le3A_86 = arith.constant 4.000000e+00 : f32
    %le3A_87 = vector.broadcast %le3A_86 : f32 to vector<128x512xf32>
    %le3A_88 = arith.cmpf ole, %concatenate3A, %le3A_87 : vector<128x512xf32>
    %convert_element_type3A_89 = arith.extui %le3A_88 : vector<128x512xi1> to vector<128x512xi32>
    %convert_element_type3A_90 = arith.sitofp %convert_element_type3A_89 : vector<128x512xi32> to vector<128x512xf32>
    %reduce_sum3A_91 = arith.constant dense<0.000000e+00> : vector<128xf32>
    %reduce_sum3A_92 = vector.multi_reduction <add>, %convert_element_type3A_90, %reduce_sum3A_91 [1] : vector<128x512xf32> to vector<128xf32>
    %broadcast_in_dim3A_93 = vector.shape_cast %reduce_sum3A_92 : vector<128xf32> to vector<128x1xf32>
    %le3A_94 = arith.constant 5.000000e+00 : f32
    %le3A_95 = vector.broadcast %le3A_94 : f32 to vector<128x512xf32>
    %le3A_96 = arith.cmpf ole, %concatenate3A, %le3A_95 : vector<128x512xf32>
    %convert_element_type3A_97 = arith.extui %le3A_96 : vector<128x512xi1> to vector<128x512xi32>
    %convert_element_type3A_98 = arith.sitofp %convert_element_type3A_97 : vector<128x512xi32> to vector<128x512xf32>
    %reduce_sum3A_99 = arith.constant dense<0.000000e+00> : vector<128xf32>
    %reduce_sum3A_100 = vector.multi_reduction <add>, %convert_element_type3A_98, %reduce_sum3A_99 [1] : vector<128x512xf32> to vector<128xf32>
    %broadcast_in_dim3A_101 = vector.shape_cast %reduce_sum3A_100 : vector<128xf32> to vector<128x1xf32>
    %le3A_102 = arith.constant 6.000000e+00 : f32
    %le3A_103 = vector.broadcast %le3A_102 : f32 to vector<128x512xf32>
    %le3A_104 = arith.cmpf ole, %concatenate3A, %le3A_103 : vector<128x512xf32>
    %convert_element_type3A_105 = arith.extui %le3A_104 : vector<128x512xi1> to vector<128x512xi32>
    %convert_element_type3A_106 = arith.sitofp %convert_element_type3A_105 : vector<128x512xi32> to vector<128x512xf32>
    %reduce_sum3A_107 = arith.constant dense<0.000000e+00> : vector<128xf32>
    %reduce_sum3A_108 = vector.multi_reduction <add>, %convert_element_type3A_106, %reduce_sum3A_107 [1] : vector<128x512xf32> to vector<128xf32>
    %broadcast_in_dim3A_109 = vector.shape_cast %reduce_sum3A_108 : vector<128xf32> to vector<128x1xf32>
    %le3A_110 = arith.constant 7.000000e+00 : f32
    %le3A_111 = vector.broadcast %le3A_110 : f32 to vector<128x512xf32>
    %le3A_112 = arith.cmpf ole, %concatenate3A, %le3A_111 : vector<128x512xf32>
    %convert_element_type3A_113 = arith.extui %le3A_112 : vector<128x512xi1> to vector<128x512xi32>
    %convert_element_type3A_114 = arith.sitofp %convert_element_type3A_113 : vector<128x512xi32> to vector<128x512xf32>
    %reduce_sum3A_115 = arith.constant dense<0.000000e+00> : vector<128xf32>
    %reduce_sum3A_116 = vector.multi_reduction <add>, %convert_element_type3A_114, %reduce_sum3A_115 [1] : vector<128x512xf32> to vector<128xf32>
    %broadcast_in_dim3A_117 = vector.shape_cast %reduce_sum3A_116 : vector<128xf32> to vector<128x1xf32>
    %le3A_118 = arith.constant 8.000000e+00 : f32
    %le3A_119 = vector.broadcast %le3A_118 : f32 to vector<128x512xf32>
    %le3A_120 = arith.cmpf ole, %concatenate3A, %le3A_119 : vector<128x512xf32>
    %convert_element_type3A_121 = arith.extui %le3A_120 : vector<128x512xi1> to vector<128x512xi32>
    %convert_element_type3A_122 = arith.sitofp %convert_element_type3A_121 : vector<128x512xi32> to vector<128x512xf32>
    %reduce_sum3A_123 = arith.constant dense<0.000000e+00> : vector<128xf32>
    %reduce_sum3A_124 = vector.multi_reduction <add>, %convert_element_type3A_122, %reduce_sum3A_123 [1] : vector<128x512xf32> to vector<128xf32>
    %broadcast_in_dim3A_125 = vector.shape_cast %reduce_sum3A_124 : vector<128xf32> to vector<128x1xf32>
    %le3A_126 = arith.constant 9.000000e+00 : f32
    %le3A_127 = vector.broadcast %le3A_126 : f32 to vector<128x512xf32>
    %le3A_128 = arith.cmpf ole, %concatenate3A, %le3A_127 : vector<128x512xf32>
    %convert_element_type3A_129 = arith.extui %le3A_128 : vector<128x512xi1> to vector<128x512xi32>
    %convert_element_type3A_130 = arith.sitofp %convert_element_type3A_129 : vector<128x512xi32> to vector<128x512xf32>
    %reduce_sum3A_131 = arith.constant dense<0.000000e+00> : vector<128xf32>
    %reduce_sum3A_132 = vector.multi_reduction <add>, %convert_element_type3A_130, %reduce_sum3A_131 [1] : vector<128x512xf32> to vector<128xf32>
    %broadcast_in_dim3A_133 = vector.shape_cast %reduce_sum3A_132 : vector<128xf32> to vector<128x1xf32>
    %le3A_134 = arith.constant 1.000000e+01 : f32
    %le3A_135 = vector.broadcast %le3A_134 : f32 to vector<128x512xf32>
    %le3A_136 = arith.cmpf ole, %concatenate3A, %le3A_135 : vector<128x512xf32>
    %convert_element_type3A_137 = arith.extui %le3A_136 : vector<128x512xi1> to vector<128x512xi32>
    %convert_element_type3A_138 = arith.sitofp %convert_element_type3A_137 : vector<128x512xi32> to vector<128x512xf32>
    %reduce_sum3A_139 = arith.constant dense<0.000000e+00> : vector<128xf32>
    %reduce_sum3A_140 = vector.multi_reduction <add>, %convert_element_type3A_138, %reduce_sum3A_139 [1] : vector<128x512xf32> to vector<128xf32>
    %broadcast_in_dim3A_141 = vector.shape_cast %reduce_sum3A_140 : vector<128xf32> to vector<128x1xf32>
    %le3A_142 = arith.constant 1.100000e+01 : f32
    %le3A_143 = vector.broadcast %le3A_142 : f32 to vector<128x512xf32>
    %le3A_144 = arith.cmpf ole, %concatenate3A, %le3A_143 : vector<128x512xf32>
    %convert_element_type3A_145 = arith.extui %le3A_144 : vector<128x512xi1> to vector<128x512xi32>
    %convert_element_type3A_146 = arith.sitofp %convert_element_type3A_145 : vector<128x512xi32> to vector<128x512xf32>
    %reduce_sum3A_147 = arith.constant dense<0.000000e+00> : vector<128xf32>
    %reduce_sum3A_148 = vector.multi_reduction <add>, %convert_element_type3A_146, %reduce_sum3A_147 [1] : vector<128x512xf32> to vector<128xf32>
    %broadcast_in_dim3A_149 = vector.shape_cast %reduce_sum3A_148 : vector<128xf32> to vector<128x1xf32>
    %le3A_150 = arith.constant 1.200000e+01 : f32
    %le3A_151 = vector.broadcast %le3A_150 : f32 to vector<128x512xf32>
    %le3A_152 = arith.cmpf ole, %concatenate3A, %le3A_151 : vector<128x512xf32>
    %convert_element_type3A_153 = arith.extui %le3A_152 : vector<128x512xi1> to vector<128x512xi32>
    %convert_element_type3A_154 = arith.sitofp %convert_element_type3A_153 : vector<128x512xi32> to vector<128x512xf32>
    %reduce_sum3A_155 = arith.constant dense<0.000000e+00> : vector<128xf32>
    %reduce_sum3A_156 = vector.multi_reduction <add>, %convert_element_type3A_154, %reduce_sum3A_155 [1] : vector<128x512xf32> to vector<128xf32>
    %broadcast_in_dim3A_157 = vector.shape_cast %reduce_sum3A_156 : vector<128xf32> to vector<128x1xf32>
    %le3A_158 = arith.constant 1.300000e+01 : f32
    %le3A_159 = vector.broadcast %le3A_158 : f32 to vector<128x512xf32>
    %le3A_160 = arith.cmpf ole, %concatenate3A, %le3A_159 : vector<128x512xf32>
    %convert_element_type3A_161 = arith.extui %le3A_160 : vector<128x512xi1> to vector<128x512xi32>
    %convert_element_type3A_162 = arith.sitofp %convert_element_type3A_161 : vector<128x512xi32> to vector<128x512xf32>
    %reduce_sum3A_163 = arith.constant dense<0.000000e+00> : vector<128xf32>
    %reduce_sum3A_164 = vector.multi_reduction <add>, %convert_element_type3A_162, %reduce_sum3A_163 [1] : vector<128x512xf32> to vector<128xf32>
    %broadcast_in_dim3A_165 = vector.shape_cast %reduce_sum3A_164 : vector<128xf32> to vector<128x1xf32>
    %le3A_166 = arith.constant 1.400000e+01 : f32
    %le3A_167 = vector.broadcast %le3A_166 : f32 to vector<128x512xf32>
    %le3A_168 = arith.cmpf ole, %concatenate3A, %le3A_167 : vector<128x512xf32>
    %convert_element_type3A_169 = arith.extui %le3A_168 : vector<128x512xi1> to vector<128x512xi32>
    %convert_element_type3A_170 = arith.sitofp %convert_element_type3A_169 : vector<128x512xi32> to vector<128x512xf32>
    %reduce_sum3A_171 = arith.constant dense<0.000000e+00> : vector<128xf32>
    %reduce_sum3A_172 = vector.multi_reduction <add>, %convert_element_type3A_170, %reduce_sum3A_171 [1] : vector<128x512xf32> to vector<128xf32>
    %broadcast_in_dim3A_173 = vector.shape_cast %reduce_sum3A_172 : vector<128xf32> to vector<128x1xf32>
    %le3A_174 = arith.constant 1.500000e+01 : f32
    %le3A_175 = vector.broadcast %le3A_174 : f32 to vector<128x512xf32>
    %le3A_176 = arith.cmpf ole, %concatenate3A, %le3A_175 : vector<128x512xf32>
    %convert_element_type3A_177 = arith.extui %le3A_176 : vector<128x512xi1> to vector<128x512xi32>
    %convert_element_type3A_178 = arith.sitofp %convert_element_type3A_177 : vector<128x512xi32> to vector<128x512xf32>
    %reduce_sum3A_179 = arith.constant dense<0.000000e+00> : vector<128xf32>
    %reduce_sum3A_180 = vector.multi_reduction <add>, %convert_element_type3A_178, %reduce_sum3A_179 [1] : vector<128x512xf32> to vector<128xf32>
    %broadcast_in_dim3A_181 = vector.shape_cast %reduce_sum3A_180 : vector<128xf32> to vector<128x1xf32>
    %le3A_182 = arith.constant 1.600000e+01 : f32
    %le3A_183 = vector.broadcast %le3A_182 : f32 to vector<128x512xf32>
    %le3A_184 = arith.cmpf ole, %concatenate3A, %le3A_183 : vector<128x512xf32>
    %convert_element_type3A_185 = arith.extui %le3A_184 : vector<128x512xi1> to vector<128x512xi32>
    %convert_element_type3A_186 = arith.sitofp %convert_element_type3A_185 : vector<128x512xi32> to vector<128x512xf32>
    %reduce_sum3A_187 = arith.constant dense<0.000000e+00> : vector<128xf32>
    %reduce_sum3A_188 = vector.multi_reduction <add>, %convert_element_type3A_186, %reduce_sum3A_187 [1] : vector<128x512xf32> to vector<128xf32>
    %broadcast_in_dim3A_189 = vector.shape_cast %reduce_sum3A_188 : vector<128xf32> to vector<128x1xf32>
    %le3A_190 = arith.constant 1.700000e+01 : f32
    %le3A_191 = vector.broadcast %le3A_190 : f32 to vector<128x512xf32>
    %le3A_192 = arith.cmpf ole, %concatenate3A, %le3A_191 : vector<128x512xf32>
    %convert_element_type3A_193 = arith.extui %le3A_192 : vector<128x512xi1> to vector<128x512xi32>
    %convert_element_type3A_194 = arith.sitofp %convert_element_type3A_193 : vector<128x512xi32> to vector<128x512xf32>
    %reduce_sum3A_195 = arith.constant dense<0.000000e+00> : vector<128xf32>
    %reduce_sum3A_196 = vector.multi_reduction <add>, %convert_element_type3A_194, %reduce_sum3A_195 [1] : vector<128x512xf32> to vector<128xf32>
    %broadcast_in_dim3A_197 = vector.shape_cast %reduce_sum3A_196 : vector<128xf32> to vector<128x1xf32>
    %le3A_198 = arith.constant 1.800000e+01 : f32
    %le3A_199 = vector.broadcast %le3A_198 : f32 to vector<128x512xf32>
    %le3A_200 = arith.cmpf ole, %concatenate3A, %le3A_199 : vector<128x512xf32>
    %convert_element_type3A_201 = arith.extui %le3A_200 : vector<128x512xi1> to vector<128x512xi32>
    %convert_element_type3A_202 = arith.sitofp %convert_element_type3A_201 : vector<128x512xi32> to vector<128x512xf32>
    %reduce_sum3A_203 = arith.constant dense<0.000000e+00> : vector<128xf32>
    %reduce_sum3A_204 = vector.multi_reduction <add>, %convert_element_type3A_202, %reduce_sum3A_203 [1] : vector<128x512xf32> to vector<128xf32>
    %broadcast_in_dim3A_205 = vector.shape_cast %reduce_sum3A_204 : vector<128xf32> to vector<128x1xf32>
    %le3A_206 = arith.constant 1.900000e+01 : f32
    %le3A_207 = vector.broadcast %le3A_206 : f32 to vector<128x512xf32>
    %le3A_208 = arith.cmpf ole, %concatenate3A, %le3A_207 : vector<128x512xf32>
    %convert_element_type3A_209 = arith.extui %le3A_208 : vector<128x512xi1> to vector<128x512xi32>
    %convert_element_type3A_210 = arith.sitofp %convert_element_type3A_209 : vector<128x512xi32> to vector<128x512xf32>
    %reduce_sum3A_211 = arith.constant dense<0.000000e+00> : vector<128xf32>
    %reduce_sum3A_212 = vector.multi_reduction <add>, %convert_element_type3A_210, %reduce_sum3A_211 [1] : vector<128x512xf32> to vector<128xf32>
    %broadcast_in_dim3A_213 = vector.shape_cast %reduce_sum3A_212 : vector<128xf32> to vector<128x1xf32>
    %le3A_214 = arith.constant 2.000000e+01 : f32
    %le3A_215 = vector.broadcast %le3A_214 : f32 to vector<128x512xf32>
    %le3A_216 = arith.cmpf ole, %concatenate3A, %le3A_215 : vector<128x512xf32>
    %convert_element_type3A_217 = arith.extui %le3A_216 : vector<128x512xi1> to vector<128x512xi32>
    %convert_element_type3A_218 = arith.sitofp %convert_element_type3A_217 : vector<128x512xi32> to vector<128x512xf32>
    %reduce_sum3A_219 = arith.constant dense<0.000000e+00> : vector<128xf32>
    %reduce_sum3A_220 = vector.multi_reduction <add>, %convert_element_type3A_218, %reduce_sum3A_219 [1] : vector<128x512xf32> to vector<128xf32>
    %broadcast_in_dim3A_221 = vector.shape_cast %reduce_sum3A_220 : vector<128xf32> to vector<128x1xf32>
    %le3A_222 = arith.constant 2.100000e+01 : f32
    %le3A_223 = vector.broadcast %le3A_222 : f32 to vector<128x512xf32>
    %le3A_224 = arith.cmpf ole, %concatenate3A, %le3A_223 : vector<128x512xf32>
    %convert_element_type3A_225 = arith.extui %le3A_224 : vector<128x512xi1> to vector<128x512xi32>
    %convert_element_type3A_226 = arith.sitofp %convert_element_type3A_225 : vector<128x512xi32> to vector<128x512xf32>
    %reduce_sum3A_227 = arith.constant dense<0.000000e+00> : vector<128xf32>
    %reduce_sum3A_228 = vector.multi_reduction <add>, %convert_element_type3A_226, %reduce_sum3A_227 [1] : vector<128x512xf32> to vector<128xf32>
    %broadcast_in_dim3A_229 = vector.shape_cast %reduce_sum3A_228 : vector<128xf32> to vector<128x1xf32>
    %le3A_230 = arith.constant 2.200000e+01 : f32
    %le3A_231 = vector.broadcast %le3A_230 : f32 to vector<128x512xf32>
    %le3A_232 = arith.cmpf ole, %concatenate3A, %le3A_231 : vector<128x512xf32>
    %convert_element_type3A_233 = arith.extui %le3A_232 : vector<128x512xi1> to vector<128x512xi32>
    %convert_element_type3A_234 = arith.sitofp %convert_element_type3A_233 : vector<128x512xi32> to vector<128x512xf32>
    %reduce_sum3A_235 = arith.constant dense<0.000000e+00> : vector<128xf32>
    %reduce_sum3A_236 = vector.multi_reduction <add>, %convert_element_type3A_234, %reduce_sum3A_235 [1] : vector<128x512xf32> to vector<128xf32>
    %broadcast_in_dim3A_237 = vector.shape_cast %reduce_sum3A_236 : vector<128xf32> to vector<128x1xf32>
    %le3A_238 = arith.constant 2.300000e+01 : f32
    %le3A_239 = vector.broadcast %le3A_238 : f32 to vector<128x512xf32>
    %le3A_240 = arith.cmpf ole, %concatenate3A, %le3A_239 : vector<128x512xf32>
    %convert_element_type3A_241 = arith.extui %le3A_240 : vector<128x512xi1> to vector<128x512xi32>
    %convert_element_type3A_242 = arith.sitofp %convert_element_type3A_241 : vector<128x512xi32> to vector<128x512xf32>
    %reduce_sum3A_243 = arith.constant dense<0.000000e+00> : vector<128xf32>
    %reduce_sum3A_244 = vector.multi_reduction <add>, %convert_element_type3A_242, %reduce_sum3A_243 [1] : vector<128x512xf32> to vector<128xf32>
    %broadcast_in_dim3A_245 = vector.shape_cast %reduce_sum3A_244 : vector<128xf32> to vector<128x1xf32>
    %le3A_246 = arith.constant 2.400000e+01 : f32
    %le3A_247 = vector.broadcast %le3A_246 : f32 to vector<128x512xf32>
    %le3A_248 = arith.cmpf ole, %concatenate3A, %le3A_247 : vector<128x512xf32>
    %convert_element_type3A_249 = arith.extui %le3A_248 : vector<128x512xi1> to vector<128x512xi32>
    %convert_element_type3A_250 = arith.sitofp %convert_element_type3A_249 : vector<128x512xi32> to vector<128x512xf32>
    %reduce_sum3A_251 = arith.constant dense<0.000000e+00> : vector<128xf32>
    %reduce_sum3A_252 = vector.multi_reduction <add>, %convert_element_type3A_250, %reduce_sum3A_251 [1] : vector<128x512xf32> to vector<128xf32>
    %broadcast_in_dim3A_253 = vector.shape_cast %reduce_sum3A_252 : vector<128xf32> to vector<128x1xf32>
    %le3A_254 = arith.constant 2.500000e+01 : f32
    %le3A_255 = vector.broadcast %le3A_254 : f32 to vector<128x512xf32>
    %le3A_256 = arith.cmpf ole, %concatenate3A, %le3A_255 : vector<128x512xf32>
    %convert_element_type3A_257 = arith.extui %le3A_256 : vector<128x512xi1> to vector<128x512xi32>
    %convert_element_type3A_258 = arith.sitofp %convert_element_type3A_257 : vector<128x512xi32> to vector<128x512xf32>
    %reduce_sum3A_259 = arith.constant dense<0.000000e+00> : vector<128xf32>
    %reduce_sum3A_260 = vector.multi_reduction <add>, %convert_element_type3A_258, %reduce_sum3A_259 [1] : vector<128x512xf32> to vector<128xf32>
    %broadcast_in_dim3A_261 = vector.shape_cast %reduce_sum3A_260 : vector<128xf32> to vector<128x1xf32>
    %le3A_262 = arith.constant 2.600000e+01 : f32
    %le3A_263 = vector.broadcast %le3A_262 : f32 to vector<128x512xf32>
    %le3A_264 = arith.cmpf ole, %concatenate3A, %le3A_263 : vector<128x512xf32>
    %convert_element_type3A_265 = arith.extui %le3A_264 : vector<128x512xi1> to vector<128x512xi32>
    %convert_element_type3A_266 = arith.sitofp %convert_element_type3A_265 : vector<128x512xi32> to vector<128x512xf32>
    %reduce_sum3A_267 = arith.constant dense<0.000000e+00> : vector<128xf32>
    %reduce_sum3A_268 = vector.multi_reduction <add>, %convert_element_type3A_266, %reduce_sum3A_267 [1] : vector<128x512xf32> to vector<128xf32>
    %broadcast_in_dim3A_269 = vector.shape_cast %reduce_sum3A_268 : vector<128xf32> to vector<128x1xf32>
    %le3A_270 = arith.constant 2.700000e+01 : f32
    %le3A_271 = vector.broadcast %le3A_270 : f32 to vector<128x512xf32>
    %le3A_272 = arith.cmpf ole, %concatenate3A, %le3A_271 : vector<128x512xf32>
    %convert_element_type3A_273 = arith.extui %le3A_272 : vector<128x512xi1> to vector<128x512xi32>
    %convert_element_type3A_274 = arith.sitofp %convert_element_type3A_273 : vector<128x512xi32> to vector<128x512xf32>
    %reduce_sum3A_275 = arith.constant dense<0.000000e+00> : vector<128xf32>
    %reduce_sum3A_276 = vector.multi_reduction <add>, %convert_element_type3A_274, %reduce_sum3A_275 [1] : vector<128x512xf32> to vector<128xf32>
    %broadcast_in_dim3A_277 = vector.shape_cast %reduce_sum3A_276 : vector<128xf32> to vector<128x1xf32>
    %le3A_278 = arith.constant 2.800000e+01 : f32
    %le3A_279 = vector.broadcast %le3A_278 : f32 to vector<128x512xf32>
    %le3A_280 = arith.cmpf ole, %concatenate3A, %le3A_279 : vector<128x512xf32>
    %convert_element_type3A_281 = arith.extui %le3A_280 : vector<128x512xi1> to vector<128x512xi32>
    %convert_element_type3A_282 = arith.sitofp %convert_element_type3A_281 : vector<128x512xi32> to vector<128x512xf32>
    %reduce_sum3A_283 = arith.constant dense<0.000000e+00> : vector<128xf32>
    %reduce_sum3A_284 = vector.multi_reduction <add>, %convert_element_type3A_282, %reduce_sum3A_283 [1] : vector<128x512xf32> to vector<128xf32>
    %broadcast_in_dim3A_285 = vector.shape_cast %reduce_sum3A_284 : vector<128xf32> to vector<128x1xf32>
    %le3A_286 = arith.constant 2.900000e+01 : f32
    %le3A_287 = vector.broadcast %le3A_286 : f32 to vector<128x512xf32>
    %le3A_288 = arith.cmpf ole, %concatenate3A, %le3A_287 : vector<128x512xf32>
    %convert_element_type3A_289 = arith.extui %le3A_288 : vector<128x512xi1> to vector<128x512xi32>
    %convert_element_type3A_290 = arith.sitofp %convert_element_type3A_289 : vector<128x512xi32> to vector<128x512xf32>
    %reduce_sum3A_291 = arith.constant dense<0.000000e+00> : vector<128xf32>
    %reduce_sum3A_292 = vector.multi_reduction <add>, %convert_element_type3A_290, %reduce_sum3A_291 [1] : vector<128x512xf32> to vector<128xf32>
    %broadcast_in_dim3A_293 = vector.shape_cast %reduce_sum3A_292 : vector<128xf32> to vector<128x1xf32>
    %le3A_294 = arith.constant 3.000000e+01 : f32
    %le3A_295 = vector.broadcast %le3A_294 : f32 to vector<128x512xf32>
    %le3A_296 = arith.cmpf ole, %concatenate3A, %le3A_295 : vector<128x512xf32>
    %convert_element_type3A_297 = arith.extui %le3A_296 : vector<128x512xi1> to vector<128x512xi32>
    %convert_element_type3A_298 = arith.sitofp %convert_element_type3A_297 : vector<128x512xi32> to vector<128x512xf32>
    %reduce_sum3A_299 = arith.constant dense<0.000000e+00> : vector<128xf32>
    %reduce_sum3A_300 = vector.multi_reduction <add>, %convert_element_type3A_298, %reduce_sum3A_299 [1] : vector<128x512xf32> to vector<128xf32>
    %broadcast_in_dim3A_301 = vector.shape_cast %reduce_sum3A_300 : vector<128xf32> to vector<128x1xf32>
    %le3A_302 = arith.constant 3.100000e+01 : f32
    %le3A_303 = vector.broadcast %le3A_302 : f32 to vector<128x512xf32>
    %le3A_304 = arith.cmpf ole, %concatenate3A, %le3A_303 : vector<128x512xf32>
    %convert_element_type3A_305 = arith.extui %le3A_304 : vector<128x512xi1> to vector<128x512xi32>
    %convert_element_type3A_306 = arith.sitofp %convert_element_type3A_305 : vector<128x512xi32> to vector<128x512xf32>
    %reduce_sum3A_307 = arith.constant dense<0.000000e+00> : vector<128xf32>
    %reduce_sum3A_308 = vector.multi_reduction <add>, %convert_element_type3A_306, %reduce_sum3A_307 [1] : vector<128x512xf32> to vector<128xf32>
    %broadcast_in_dim3A_309 = vector.shape_cast %reduce_sum3A_308 : vector<128xf32> to vector<128x1xf32>
    %le3A_310 = arith.constant 3.200000e+01 : f32
    %le3A_311 = vector.broadcast %le3A_310 : f32 to vector<128x512xf32>
    %le3A_312 = arith.cmpf ole, %concatenate3A, %le3A_311 : vector<128x512xf32>
    %convert_element_type3A_313 = arith.extui %le3A_312 : vector<128x512xi1> to vector<128x512xi32>
    %convert_element_type3A_314 = arith.sitofp %convert_element_type3A_313 : vector<128x512xi32> to vector<128x512xf32>
    %reduce_sum3A_315 = arith.constant dense<0.000000e+00> : vector<128xf32>
    %reduce_sum3A_316 = vector.multi_reduction <add>, %convert_element_type3A_314, %reduce_sum3A_315 [1] : vector<128x512xf32> to vector<128xf32>
    %broadcast_in_dim3A_317 = vector.shape_cast %reduce_sum3A_316 : vector<128xf32> to vector<128x1xf32>
    %le3A_318 = arith.constant 3.300000e+01 : f32
    %le3A_319 = vector.broadcast %le3A_318 : f32 to vector<128x512xf32>
    %le3A_320 = arith.cmpf ole, %concatenate3A, %le3A_319 : vector<128x512xf32>
    %convert_element_type3A_321 = arith.extui %le3A_320 : vector<128x512xi1> to vector<128x512xi32>
    %convert_element_type3A_322 = arith.sitofp %convert_element_type3A_321 : vector<128x512xi32> to vector<128x512xf32>
    %reduce_sum3A_323 = arith.constant dense<0.000000e+00> : vector<128xf32>
    %reduce_sum3A_324 = vector.multi_reduction <add>, %convert_element_type3A_322, %reduce_sum3A_323 [1] : vector<128x512xf32> to vector<128xf32>
    %broadcast_in_dim3A_325 = vector.shape_cast %reduce_sum3A_324 : vector<128xf32> to vector<128x1xf32>
    %le3A_326 = arith.constant 3.400000e+01 : f32
    %le3A_327 = vector.broadcast %le3A_326 : f32 to vector<128x512xf32>
    %le3A_328 = arith.cmpf ole, %concatenate3A, %le3A_327 : vector<128x512xf32>
    %convert_element_type3A_329 = arith.extui %le3A_328 : vector<128x512xi1> to vector<128x512xi32>
    %convert_element_type3A_330 = arith.sitofp %convert_element_type3A_329 : vector<128x512xi32> to vector<128x512xf32>
    %reduce_sum3A_331 = arith.constant dense<0.000000e+00> : vector<128xf32>
    %reduce_sum3A_332 = vector.multi_reduction <add>, %convert_element_type3A_330, %reduce_sum3A_331 [1] : vector<128x512xf32> to vector<128xf32>
    %broadcast_in_dim3A_333 = vector.shape_cast %reduce_sum3A_332 : vector<128xf32> to vector<128x1xf32>
    %le3A_334 = arith.constant 3.500000e+01 : f32
    %le3A_335 = vector.broadcast %le3A_334 : f32 to vector<128x512xf32>
    %le3A_336 = arith.cmpf ole, %concatenate3A, %le3A_335 : vector<128x512xf32>
    %convert_element_type3A_337 = arith.extui %le3A_336 : vector<128x512xi1> to vector<128x512xi32>
    %convert_element_type3A_338 = arith.sitofp %convert_element_type3A_337 : vector<128x512xi32> to vector<128x512xf32>
    %reduce_sum3A_339 = arith.constant dense<0.000000e+00> : vector<128xf32>
    %reduce_sum3A_340 = vector.multi_reduction <add>, %convert_element_type3A_338, %reduce_sum3A_339 [1] : vector<128x512xf32> to vector<128xf32>
    %broadcast_in_dim3A_341 = vector.shape_cast %reduce_sum3A_340 : vector<128xf32> to vector<128x1xf32>
    %le3A_342 = arith.constant 3.600000e+01 : f32
    %le3A_343 = vector.broadcast %le3A_342 : f32 to vector<128x512xf32>
    %le3A_344 = arith.cmpf ole, %concatenate3A, %le3A_343 : vector<128x512xf32>
    %convert_element_type3A_345 = arith.extui %le3A_344 : vector<128x512xi1> to vector<128x512xi32>
    %convert_element_type3A_346 = arith.sitofp %convert_element_type3A_345 : vector<128x512xi32> to vector<128x512xf32>
    %reduce_sum3A_347 = arith.constant dense<0.000000e+00> : vector<128xf32>
    %reduce_sum3A_348 = vector.multi_reduction <add>, %convert_element_type3A_346, %reduce_sum3A_347 [1] : vector<128x512xf32> to vector<128xf32>
    %broadcast_in_dim3A_349 = vector.shape_cast %reduce_sum3A_348 : vector<128xf32> to vector<128x1xf32>
    %le3A_350 = arith.constant 3.700000e+01 : f32
    %le3A_351 = vector.broadcast %le3A_350 : f32 to vector<128x512xf32>
    %le3A_352 = arith.cmpf ole, %concatenate3A, %le3A_351 : vector<128x512xf32>
    %convert_element_type3A_353 = arith.extui %le3A_352 : vector<128x512xi1> to vector<128x512xi32>
    %convert_element_type3A_354 = arith.sitofp %convert_element_type3A_353 : vector<128x512xi32> to vector<128x512xf32>
    %reduce_sum3A_355 = arith.constant dense<0.000000e+00> : vector<128xf32>
    %reduce_sum3A_356 = vector.multi_reduction <add>, %convert_element_type3A_354, %reduce_sum3A_355 [1] : vector<128x512xf32> to vector<128xf32>
    %broadcast_in_dim3A_357 = vector.shape_cast %reduce_sum3A_356 : vector<128xf32> to vector<128x1xf32>
    %le3A_358 = arith.constant 3.800000e+01 : f32
    %le3A_359 = vector.broadcast %le3A_358 : f32 to vector<128x512xf32>
    %le3A_360 = arith.cmpf ole, %concatenate3A, %le3A_359 : vector<128x512xf32>
    %convert_element_type3A_361 = arith.extui %le3A_360 : vector<128x512xi1> to vector<128x512xi32>
    %convert_element_type3A_362 = arith.sitofp %convert_element_type3A_361 : vector<128x512xi32> to vector<128x512xf32>
    %reduce_sum3A_363 = arith.constant dense<0.000000e+00> : vector<128xf32>
    %reduce_sum3A_364 = vector.multi_reduction <add>, %convert_element_type3A_362, %reduce_sum3A_363 [1] : vector<128x512xf32> to vector<128xf32>
    %broadcast_in_dim3A_365 = vector.shape_cast %reduce_sum3A_364 : vector<128xf32> to vector<128x1xf32>
    %le3A_366 = arith.constant 3.900000e+01 : f32
    %le3A_367 = vector.broadcast %le3A_366 : f32 to vector<128x512xf32>
    %le3A_368 = arith.cmpf ole, %concatenate3A, %le3A_367 : vector<128x512xf32>
    %convert_element_type3A_369 = arith.extui %le3A_368 : vector<128x512xi1> to vector<128x512xi32>
    %convert_element_type3A_370 = arith.sitofp %convert_element_type3A_369 : vector<128x512xi32> to vector<128x512xf32>
    %reduce_sum3A_371 = arith.constant dense<0.000000e+00> : vector<128xf32>
    %reduce_sum3A_372 = vector.multi_reduction <add>, %convert_element_type3A_370, %reduce_sum3A_371 [1] : vector<128x512xf32> to vector<128xf32>
    %broadcast_in_dim3A_373 = vector.shape_cast %reduce_sum3A_372 : vector<128xf32> to vector<128x1xf32>
    %le3A_374 = arith.constant 4.000000e+01 : f32
    %le3A_375 = vector.broadcast %le3A_374 : f32 to vector<128x512xf32>
    %le3A_376 = arith.cmpf ole, %concatenate3A, %le3A_375 : vector<128x512xf32>
    %convert_element_type3A_377 = arith.extui %le3A_376 : vector<128x512xi1> to vector<128x512xi32>
    %convert_element_type3A_378 = arith.sitofp %convert_element_type3A_377 : vector<128x512xi32> to vector<128x512xf32>
    %reduce_sum3A_379 = arith.constant dense<0.000000e+00> : vector<128xf32>
    %reduce_sum3A_380 = vector.multi_reduction <add>, %convert_element_type3A_378, %reduce_sum3A_379 [1] : vector<128x512xf32> to vector<128xf32>
    %broadcast_in_dim3A_381 = vector.shape_cast %reduce_sum3A_380 : vector<128xf32> to vector<128x1xf32>
    %le3A_382 = arith.constant 4.100000e+01 : f32
    %le3A_383 = vector.broadcast %le3A_382 : f32 to vector<128x512xf32>
    %le3A_384 = arith.cmpf ole, %concatenate3A, %le3A_383 : vector<128x512xf32>
    %convert_element_type3A_385 = arith.extui %le3A_384 : vector<128x512xi1> to vector<128x512xi32>
    %convert_element_type3A_386 = arith.sitofp %convert_element_type3A_385 : vector<128x512xi32> to vector<128x512xf32>
    %reduce_sum3A_387 = arith.constant dense<0.000000e+00> : vector<128xf32>
    %reduce_sum3A_388 = vector.multi_reduction <add>, %convert_element_type3A_386, %reduce_sum3A_387 [1] : vector<128x512xf32> to vector<128xf32>
    %broadcast_in_dim3A_389 = vector.shape_cast %reduce_sum3A_388 : vector<128xf32> to vector<128x1xf32>
    %le3A_390 = arith.constant 4.200000e+01 : f32
    %le3A_391 = vector.broadcast %le3A_390 : f32 to vector<128x512xf32>
    %le3A_392 = arith.cmpf ole, %concatenate3A, %le3A_391 : vector<128x512xf32>
    %convert_element_type3A_393 = arith.extui %le3A_392 : vector<128x512xi1> to vector<128x512xi32>
    %convert_element_type3A_394 = arith.sitofp %convert_element_type3A_393 : vector<128x512xi32> to vector<128x512xf32>
    %reduce_sum3A_395 = arith.constant dense<0.000000e+00> : vector<128xf32>
    %reduce_sum3A_396 = vector.multi_reduction <add>, %convert_element_type3A_394, %reduce_sum3A_395 [1] : vector<128x512xf32> to vector<128xf32>
    %broadcast_in_dim3A_397 = vector.shape_cast %reduce_sum3A_396 : vector<128xf32> to vector<128x1xf32>
    %le3A_398 = arith.constant 4.300000e+01 : f32
    %le3A_399 = vector.broadcast %le3A_398 : f32 to vector<128x512xf32>
    %le3A_400 = arith.cmpf ole, %concatenate3A, %le3A_399 : vector<128x512xf32>
    %convert_element_type3A_401 = arith.extui %le3A_400 : vector<128x512xi1> to vector<128x512xi32>
    %convert_element_type3A_402 = arith.sitofp %convert_element_type3A_401 : vector<128x512xi32> to vector<128x512xf32>
    %reduce_sum3A_403 = arith.constant dense<0.000000e+00> : vector<128xf32>
    %reduce_sum3A_404 = vector.multi_reduction <add>, %convert_element_type3A_402, %reduce_sum3A_403 [1] : vector<128x512xf32> to vector<128xf32>
    %broadcast_in_dim3A_405 = vector.shape_cast %reduce_sum3A_404 : vector<128xf32> to vector<128x1xf32>
    %le3A_406 = arith.constant 4.400000e+01 : f32
    %le3A_407 = vector.broadcast %le3A_406 : f32 to vector<128x512xf32>
    %le3A_408 = arith.cmpf ole, %concatenate3A, %le3A_407 : vector<128x512xf32>
    %convert_element_type3A_409 = arith.extui %le3A_408 : vector<128x512xi1> to vector<128x512xi32>
    %convert_element_type3A_410 = arith.sitofp %convert_element_type3A_409 : vector<128x512xi32> to vector<128x512xf32>
    %reduce_sum3A_411 = arith.constant dense<0.000000e+00> : vector<128xf32>
    %reduce_sum3A_412 = vector.multi_reduction <add>, %convert_element_type3A_410, %reduce_sum3A_411 [1] : vector<128x512xf32> to vector<128xf32>
    %broadcast_in_dim3A_413 = vector.shape_cast %reduce_sum3A_412 : vector<128xf32> to vector<128x1xf32>
    %le3A_414 = arith.constant 4.500000e+01 : f32
    %le3A_415 = vector.broadcast %le3A_414 : f32 to vector<128x512xf32>
    %le3A_416 = arith.cmpf ole, %concatenate3A, %le3A_415 : vector<128x512xf32>
    %convert_element_type3A_417 = arith.extui %le3A_416 : vector<128x512xi1> to vector<128x512xi32>
    %convert_element_type3A_418 = arith.sitofp %convert_element_type3A_417 : vector<128x512xi32> to vector<128x512xf32>
    %reduce_sum3A_419 = arith.constant dense<0.000000e+00> : vector<128xf32>
    %reduce_sum3A_420 = vector.multi_reduction <add>, %convert_element_type3A_418, %reduce_sum3A_419 [1] : vector<128x512xf32> to vector<128xf32>
    %broadcast_in_dim3A_421 = vector.shape_cast %reduce_sum3A_420 : vector<128xf32> to vector<128x1xf32>
    %le3A_422 = arith.constant 4.600000e+01 : f32
    %le3A_423 = vector.broadcast %le3A_422 : f32 to vector<128x512xf32>
    %le3A_424 = arith.cmpf ole, %concatenate3A, %le3A_423 : vector<128x512xf32>
    %convert_element_type3A_425 = arith.extui %le3A_424 : vector<128x512xi1> to vector<128x512xi32>
    %convert_element_type3A_426 = arith.sitofp %convert_element_type3A_425 : vector<128x512xi32> to vector<128x512xf32>
    %reduce_sum3A_427 = arith.constant dense<0.000000e+00> : vector<128xf32>
    %reduce_sum3A_428 = vector.multi_reduction <add>, %convert_element_type3A_426, %reduce_sum3A_427 [1] : vector<128x512xf32> to vector<128xf32>
    %broadcast_in_dim3A_429 = vector.shape_cast %reduce_sum3A_428 : vector<128xf32> to vector<128x1xf32>
    %le3A_430 = arith.constant 4.700000e+01 : f32
    %le3A_431 = vector.broadcast %le3A_430 : f32 to vector<128x512xf32>
    %le3A_432 = arith.cmpf ole, %concatenate3A, %le3A_431 : vector<128x512xf32>
    %convert_element_type3A_433 = arith.extui %le3A_432 : vector<128x512xi1> to vector<128x512xi32>
    %convert_element_type3A_434 = arith.sitofp %convert_element_type3A_433 : vector<128x512xi32> to vector<128x512xf32>
    %reduce_sum3A_435 = arith.constant dense<0.000000e+00> : vector<128xf32>
    %reduce_sum3A_436 = vector.multi_reduction <add>, %convert_element_type3A_434, %reduce_sum3A_435 [1] : vector<128x512xf32> to vector<128xf32>
    %broadcast_in_dim3A_437 = vector.shape_cast %reduce_sum3A_436 : vector<128xf32> to vector<128x1xf32>
    %le3A_438 = arith.constant 4.800000e+01 : f32
    %le3A_439 = vector.broadcast %le3A_438 : f32 to vector<128x512xf32>
    %le3A_440 = arith.cmpf ole, %concatenate3A, %le3A_439 : vector<128x512xf32>
    %convert_element_type3A_441 = arith.extui %le3A_440 : vector<128x512xi1> to vector<128x512xi32>
    %convert_element_type3A_442 = arith.sitofp %convert_element_type3A_441 : vector<128x512xi32> to vector<128x512xf32>
    %reduce_sum3A_443 = arith.constant dense<0.000000e+00> : vector<128xf32>
    %reduce_sum3A_444 = vector.multi_reduction <add>, %convert_element_type3A_442, %reduce_sum3A_443 [1] : vector<128x512xf32> to vector<128xf32>
    %broadcast_in_dim3A_445 = vector.shape_cast %reduce_sum3A_444 : vector<128xf32> to vector<128x1xf32>
    %le3A_446 = arith.constant 4.900000e+01 : f32
    %le3A_447 = vector.broadcast %le3A_446 : f32 to vector<128x512xf32>
    %le3A_448 = arith.cmpf ole, %concatenate3A, %le3A_447 : vector<128x512xf32>
    %convert_element_type3A_449 = arith.extui %le3A_448 : vector<128x512xi1> to vector<128x512xi32>
    %convert_element_type3A_450 = arith.sitofp %convert_element_type3A_449 : vector<128x512xi32> to vector<128x512xf32>
    %reduce_sum3A_451 = arith.constant dense<0.000000e+00> : vector<128xf32>
    %reduce_sum3A_452 = vector.multi_reduction <add>, %convert_element_type3A_450, %reduce_sum3A_451 [1] : vector<128x512xf32> to vector<128xf32>
    %broadcast_in_dim3A_453 = vector.shape_cast %reduce_sum3A_452 : vector<128xf32> to vector<128x1xf32>
    %le3A_454 = arith.constant 5.000000e+01 : f32
    %le3A_455 = vector.broadcast %le3A_454 : f32 to vector<128x512xf32>
    %le3A_456 = arith.cmpf ole, %concatenate3A, %le3A_455 : vector<128x512xf32>
    %convert_element_type3A_457 = arith.extui %le3A_456 : vector<128x512xi1> to vector<128x512xi32>
    %convert_element_type3A_458 = arith.sitofp %convert_element_type3A_457 : vector<128x512xi32> to vector<128x512xf32>
    %reduce_sum3A_459 = arith.constant dense<0.000000e+00> : vector<128xf32>
    %reduce_sum3A_460 = vector.multi_reduction <add>, %convert_element_type3A_458, %reduce_sum3A_459 [1] : vector<128x512xf32> to vector<128xf32>
    %broadcast_in_dim3A_461 = vector.shape_cast %reduce_sum3A_460 : vector<128xf32> to vector<128x1xf32>
    %le3A_462 = arith.constant 5.100000e+01 : f32
    %le3A_463 = vector.broadcast %le3A_462 : f32 to vector<128x512xf32>
    %le3A_464 = arith.cmpf ole, %concatenate3A, %le3A_463 : vector<128x512xf32>
    %convert_element_type3A_465 = arith.extui %le3A_464 : vector<128x512xi1> to vector<128x512xi32>
    %convert_element_type3A_466 = arith.sitofp %convert_element_type3A_465 : vector<128x512xi32> to vector<128x512xf32>
    %reduce_sum3A_467 = arith.constant dense<0.000000e+00> : vector<128xf32>
    %reduce_sum3A_468 = vector.multi_reduction <add>, %convert_element_type3A_466, %reduce_sum3A_467 [1] : vector<128x512xf32> to vector<128xf32>
    %broadcast_in_dim3A_469 = vector.shape_cast %reduce_sum3A_468 : vector<128xf32> to vector<128x1xf32>
    %le3A_470 = arith.constant 5.200000e+01 : f32
    %le3A_471 = vector.broadcast %le3A_470 : f32 to vector<128x512xf32>
    %le3A_472 = arith.cmpf ole, %concatenate3A, %le3A_471 : vector<128x512xf32>
    %convert_element_type3A_473 = arith.extui %le3A_472 : vector<128x512xi1> to vector<128x512xi32>
    %convert_element_type3A_474 = arith.sitofp %convert_element_type3A_473 : vector<128x512xi32> to vector<128x512xf32>
    %reduce_sum3A_475 = arith.constant dense<0.000000e+00> : vector<128xf32>
    %reduce_sum3A_476 = vector.multi_reduction <add>, %convert_element_type3A_474, %reduce_sum3A_475 [1] : vector<128x512xf32> to vector<128xf32>
    %broadcast_in_dim3A_477 = vector.shape_cast %reduce_sum3A_476 : vector<128xf32> to vector<128x1xf32>
    %le3A_478 = arith.constant 5.300000e+01 : f32
    %le3A_479 = vector.broadcast %le3A_478 : f32 to vector<128x512xf32>
    %le3A_480 = arith.cmpf ole, %concatenate3A, %le3A_479 : vector<128x512xf32>
    %convert_element_type3A_481 = arith.extui %le3A_480 : vector<128x512xi1> to vector<128x512xi32>
    %convert_element_type3A_482 = arith.sitofp %convert_element_type3A_481 : vector<128x512xi32> to vector<128x512xf32>
    %reduce_sum3A_483 = arith.constant dense<0.000000e+00> : vector<128xf32>
    %reduce_sum3A_484 = vector.multi_reduction <add>, %convert_element_type3A_482, %reduce_sum3A_483 [1] : vector<128x512xf32> to vector<128xf32>
    %broadcast_in_dim3A_485 = vector.shape_cast %reduce_sum3A_484 : vector<128xf32> to vector<128x1xf32>
    %le3A_486 = arith.constant 5.400000e+01 : f32
    %le3A_487 = vector.broadcast %le3A_486 : f32 to vector<128x512xf32>
    %le3A_488 = arith.cmpf ole, %concatenate3A, %le3A_487 : vector<128x512xf32>
    %convert_element_type3A_489 = arith.extui %le3A_488 : vector<128x512xi1> to vector<128x512xi32>
    %convert_element_type3A_490 = arith.sitofp %convert_element_type3A_489 : vector<128x512xi32> to vector<128x512xf32>
    %reduce_sum3A_491 = arith.constant dense<0.000000e+00> : vector<128xf32>
    %reduce_sum3A_492 = vector.multi_reduction <add>, %convert_element_type3A_490, %reduce_sum3A_491 [1] : vector<128x512xf32> to vector<128xf32>
    %broadcast_in_dim3A_493 = vector.shape_cast %reduce_sum3A_492 : vector<128xf32> to vector<128x1xf32>
    %le3A_494 = arith.constant 5.500000e+01 : f32
    %le3A_495 = vector.broadcast %le3A_494 : f32 to vector<128x512xf32>
    %le3A_496 = arith.cmpf ole, %concatenate3A, %le3A_495 : vector<128x512xf32>
    %convert_element_type3A_497 = arith.extui %le3A_496 : vector<128x512xi1> to vector<128x512xi32>
    %convert_element_type3A_498 = arith.sitofp %convert_element_type3A_497 : vector<128x512xi32> to vector<128x512xf32>
    %reduce_sum3A_499 = arith.constant dense<0.000000e+00> : vector<128xf32>
    %reduce_sum3A_500 = vector.multi_reduction <add>, %convert_element_type3A_498, %reduce_sum3A_499 [1] : vector<128x512xf32> to vector<128xf32>
    %broadcast_in_dim3A_501 = vector.shape_cast %reduce_sum3A_500 : vector<128xf32> to vector<128x1xf32>
    %le3A_502 = arith.constant 5.600000e+01 : f32
    %le3A_503 = vector.broadcast %le3A_502 : f32 to vector<128x512xf32>
    %le3A_504 = arith.cmpf ole, %concatenate3A, %le3A_503 : vector<128x512xf32>
    %convert_element_type3A_505 = arith.extui %le3A_504 : vector<128x512xi1> to vector<128x512xi32>
    %convert_element_type3A_506 = arith.sitofp %convert_element_type3A_505 : vector<128x512xi32> to vector<128x512xf32>
    %reduce_sum3A_507 = arith.constant dense<0.000000e+00> : vector<128xf32>
    %reduce_sum3A_508 = vector.multi_reduction <add>, %convert_element_type3A_506, %reduce_sum3A_507 [1] : vector<128x512xf32> to vector<128xf32>
    %broadcast_in_dim3A_509 = vector.shape_cast %reduce_sum3A_508 : vector<128xf32> to vector<128x1xf32>
    %le3A_510 = arith.constant 5.700000e+01 : f32
    %le3A_511 = vector.broadcast %le3A_510 : f32 to vector<128x512xf32>
    %le3A_512 = arith.cmpf ole, %concatenate3A, %le3A_511 : vector<128x512xf32>
    %convert_element_type3A_513 = arith.extui %le3A_512 : vector<128x512xi1> to vector<128x512xi32>
    %convert_element_type3A_514 = arith.sitofp %convert_element_type3A_513 : vector<128x512xi32> to vector<128x512xf32>
    %reduce_sum3A_515 = arith.constant dense<0.000000e+00> : vector<128xf32>
    %reduce_sum3A_516 = vector.multi_reduction <add>, %convert_element_type3A_514, %reduce_sum3A_515 [1] : vector<128x512xf32> to vector<128xf32>
    %broadcast_in_dim3A_517 = vector.shape_cast %reduce_sum3A_516 : vector<128xf32> to vector<128x1xf32>
    %le3A_518 = arith.constant 5.800000e+01 : f32
    %le3A_519 = vector.broadcast %le3A_518 : f32 to vector<128x512xf32>
    %le3A_520 = arith.cmpf ole, %concatenate3A, %le3A_519 : vector<128x512xf32>
    %convert_element_type3A_521 = arith.extui %le3A_520 : vector<128x512xi1> to vector<128x512xi32>
    %convert_element_type3A_522 = arith.sitofp %convert_element_type3A_521 : vector<128x512xi32> to vector<128x512xf32>
    %reduce_sum3A_523 = arith.constant dense<0.000000e+00> : vector<128xf32>
    %reduce_sum3A_524 = vector.multi_reduction <add>, %convert_element_type3A_522, %reduce_sum3A_523 [1] : vector<128x512xf32> to vector<128xf32>
    %broadcast_in_dim3A_525 = vector.shape_cast %reduce_sum3A_524 : vector<128xf32> to vector<128x1xf32>
    %le3A_526 = arith.constant 5.900000e+01 : f32
    %le3A_527 = vector.broadcast %le3A_526 : f32 to vector<128x512xf32>
    %le3A_528 = arith.cmpf ole, %concatenate3A, %le3A_527 : vector<128x512xf32>
    %convert_element_type3A_529 = arith.extui %le3A_528 : vector<128x512xi1> to vector<128x512xi32>
    %convert_element_type3A_530 = arith.sitofp %convert_element_type3A_529 : vector<128x512xi32> to vector<128x512xf32>
    %reduce_sum3A_531 = arith.constant dense<0.000000e+00> : vector<128xf32>
    %reduce_sum3A_532 = vector.multi_reduction <add>, %convert_element_type3A_530, %reduce_sum3A_531 [1] : vector<128x512xf32> to vector<128xf32>
    %broadcast_in_dim3A_533 = vector.shape_cast %reduce_sum3A_532 : vector<128xf32> to vector<128x1xf32>
    %le3A_534 = arith.constant 6.000000e+01 : f32
    %le3A_535 = vector.broadcast %le3A_534 : f32 to vector<128x512xf32>
    %le3A_536 = arith.cmpf ole, %concatenate3A, %le3A_535 : vector<128x512xf32>
    %convert_element_type3A_537 = arith.extui %le3A_536 : vector<128x512xi1> to vector<128x512xi32>
    %convert_element_type3A_538 = arith.sitofp %convert_element_type3A_537 : vector<128x512xi32> to vector<128x512xf32>
    %reduce_sum3A_539 = arith.constant dense<0.000000e+00> : vector<128xf32>
    %reduce_sum3A_540 = vector.multi_reduction <add>, %convert_element_type3A_538, %reduce_sum3A_539 [1] : vector<128x512xf32> to vector<128xf32>
    %broadcast_in_dim3A_541 = vector.shape_cast %reduce_sum3A_540 : vector<128xf32> to vector<128x1xf32>
    %le3A_542 = arith.constant 6.100000e+01 : f32
    %le3A_543 = vector.broadcast %le3A_542 : f32 to vector<128x512xf32>
    %le3A_544 = arith.cmpf ole, %concatenate3A, %le3A_543 : vector<128x512xf32>
    %convert_element_type3A_545 = arith.extui %le3A_544 : vector<128x512xi1> to vector<128x512xi32>
    %convert_element_type3A_546 = arith.sitofp %convert_element_type3A_545 : vector<128x512xi32> to vector<128x512xf32>
    %reduce_sum3A_547 = arith.constant dense<0.000000e+00> : vector<128xf32>
    %reduce_sum3A_548 = vector.multi_reduction <add>, %convert_element_type3A_546, %reduce_sum3A_547 [1] : vector<128x512xf32> to vector<128xf32>
    %broadcast_in_dim3A_549 = vector.shape_cast %reduce_sum3A_548 : vector<128xf32> to vector<128x1xf32>
    %le3A_550 = arith.constant 6.200000e+01 : f32
    %le3A_551 = vector.broadcast %le3A_550 : f32 to vector<128x512xf32>
    %le3A_552 = arith.cmpf ole, %concatenate3A, %le3A_551 : vector<128x512xf32>
    %convert_element_type3A_553 = arith.extui %le3A_552 : vector<128x512xi1> to vector<128x512xi32>
    %convert_element_type3A_554 = arith.sitofp %convert_element_type3A_553 : vector<128x512xi32> to vector<128x512xf32>
    %reduce_sum3A_555 = arith.constant dense<0.000000e+00> : vector<128xf32>
    %reduce_sum3A_556 = vector.multi_reduction <add>, %convert_element_type3A_554, %reduce_sum3A_555 [1] : vector<128x512xf32> to vector<128xf32>
    %broadcast_in_dim3A_557 = vector.shape_cast %reduce_sum3A_556 : vector<128xf32> to vector<128x1xf32>
    %le3A_558 = arith.constant 6.300000e+01 : f32
    %le3A_559 = vector.broadcast %le3A_558 : f32 to vector<128x512xf32>
    %le3A_560 = arith.cmpf ole, %concatenate3A, %le3A_559 : vector<128x512xf32>
    %convert_element_type3A_561 = arith.extui %le3A_560 : vector<128x512xi1> to vector<128x512xi32>
    %convert_element_type3A_562 = arith.sitofp %convert_element_type3A_561 : vector<128x512xi32> to vector<128x512xf32>
    %reduce_sum3A_563 = arith.constant dense<0.000000e+00> : vector<128xf32>
    %reduce_sum3A_564 = vector.multi_reduction <add>, %convert_element_type3A_562, %reduce_sum3A_563 [1] : vector<128x512xf32> to vector<128xf32>
    %broadcast_in_dim3A_565 = vector.shape_cast %reduce_sum3A_564 : vector<128xf32> to vector<128x1xf32>
    %concatenate3A_566 = tpu.concatenate %broadcast_in_dim3A_61, %broadcast_in_dim3A_69, %broadcast_in_dim3A_77, %broadcast_in_dim3A_85, %broadcast_in_dim3A_93, %broadcast_in_dim3A_101, %broadcast_in_dim3A_109, %broadcast_in_dim3A_117, %broadcast_in_dim3A_125, %broadcast_in_dim3A_133, %broadcast_in_dim3A_141, %broadcast_in_dim3A_149, %broadcast_in_dim3A_157, %broadcast_in_dim3A_165, %broadcast_in_dim3A_173, %broadcast_in_dim3A_181, %broadcast_in_dim3A_189, %broadcast_in_dim3A_197, %broadcast_in_dim3A_205, %broadcast_in_dim3A_213, %broadcast_in_dim3A_221, %broadcast_in_dim3A_229, %broadcast_in_dim3A_237, %broadcast_in_dim3A_245, %broadcast_in_dim3A_253, %broadcast_in_dim3A_261, %broadcast_in_dim3A_269, %broadcast_in_dim3A_277, %broadcast_in_dim3A_285, %broadcast_in_dim3A_293, %broadcast_in_dim3A_301, %broadcast_in_dim3A_309, %broadcast_in_dim3A_317, %broadcast_in_dim3A_325, %broadcast_in_dim3A_333, %broadcast_in_dim3A_341, %broadcast_in_dim3A_349, %broadcast_in_dim3A_357, %broadcast_in_dim3A_365, %broadcast_in_dim3A_373, %broadcast_in_dim3A_381, %broadcast_in_dim3A_389, %broadcast_in_dim3A_397, %broadcast_in_dim3A_405, %broadcast_in_dim3A_413, %broadcast_in_dim3A_421, %broadcast_in_dim3A_429, %broadcast_in_dim3A_437, %broadcast_in_dim3A_445, %broadcast_in_dim3A_453, %broadcast_in_dim3A_461, %broadcast_in_dim3A_469, %broadcast_in_dim3A_477, %broadcast_in_dim3A_485, %broadcast_in_dim3A_493, %broadcast_in_dim3A_501, %broadcast_in_dim3A_509, %broadcast_in_dim3A_517, %broadcast_in_dim3A_525, %broadcast_in_dim3A_533, %broadcast_in_dim3A_541, %broadcast_in_dim3A_549, %broadcast_in_dim3A_557, %broadcast_in_dim3A_565 in 1 : vector<128x1xf32>, vector<128x1xf32>, vector<128x1xf32>, vector<128x1xf32>, vector<128x1xf32>, vector<128x1xf32>, vector<128x1xf32>, vector<128x1xf32>, vector<128x1xf32>, vector<128x1xf32>, vector<128x1xf32>, vector<128x1xf32>, vector<128x1xf32>, vector<128x1xf32>, vector<128x1xf32>, vector<128x1xf32>, vector<128x1xf32>, vector<128x1xf32>, vector<128x1xf32>, vector<128x1xf32>, vector<128x1xf32>, vector<128x1xf32>, vector<128x1xf32>, vector<128x1xf32>, vector<128x1xf32>, vector<128x1xf32>, vector<128x1xf32>, vector<128x1xf32>, vector<128x1xf32>, vector<128x1xf32>, vector<128x1xf32>, vector<128x1xf32>, vector<128x1xf32>, vector<128x1xf32>, vector<128x1xf32>, vector<128x1xf32>, vector<128x1xf32>, vector<128x1xf32>, vector<128x1xf32>, vector<128x1xf32>, vector<128x1xf32>, vector<128x1xf32>, vector<128x1xf32>, vector<128x1xf32>, vector<128x1xf32>, vector<128x1xf32>, vector<128x1xf32>, vector<128x1xf32>, vector<128x1xf32>, vector<128x1xf32>, vector<128x1xf32>, vector<128x1xf32>, vector<128x1xf32>, vector<128x1xf32>, vector<128x1xf32>, vector<128x1xf32>, vector<128x1xf32>, vector<128x1xf32>, vector<128x1xf32>, vector<128x1xf32>, vector<128x1xf32>, vector<128x1xf32>, vector<128x1xf32>, vector<128x1xf32> -> vector<128x64xf32>
    %iota3A_567 = tpu.iota {dimensions = array<i32: 1>} : vector<128x64xi32>
    %convert_element_type3A_568 = arith.sitofp %iota3A_567 : vector<128x64xi32> to vector<128x64xf32>
    %lt3A = vector.broadcast %slice3A_53 : vector<128x1xf32> to vector<128x64xf32>
    %lt3A_569 = arith.cmpf olt, %convert_element_type3A_568, %lt3A : vector<128x64xf32>
    %slice3A_570 = vector.extract_strided_slice %concatenate3A_566 {offsets = [0, 0], sizes = [128, 1], strides = [1, 1]} : vector<128x64xf32> to vector<128x1xf32>
    %broadcast_in_dim3A_571 = vector.shape_cast %slice3A_570 : vector<128x1xf32> to vector<128x1xf32>
    %broadcast_in_dim3A_572 = vector.broadcast %broadcast_in_dim3A_571 : vector<128x1xf32> to vector<128x64xf32>
    %select_n3A = arith.select %lt3A_569, %concatenate3A_566, %broadcast_in_dim3A_572 : vector<128x64xi1>, vector<128x64xf32>
    %min3A = arith.constant 5.110000e+02 : f32
    %min3A_573 = vector.broadcast %min3A : f32 to vector<128x64xf32>
    %min3A_574 = arith.minimumf %select_n3A, %min3A_573 : vector<128x64xf32>
    %convert_element_type3A_575 = arith.fptosi %min3A_574 : vector<128x64xf32> to vector<128x64xi32>
    %mul3A_576 = arith.constant 512 : i32
    %mul3A_577 = arith.muli %arg0, %mul3A_576 : i32
    %add3A_578 = vector.broadcast %mul3A_577 : i32 to vector<128x64xi32>
    %add3A_579 = arith.addi %convert_element_type3A_575, %add3A_578 : vector<128x64xi32>
    %swap3A = arith.constant 0 : index
    %swap3A_580 = arith.constant 0 : index
    %swap3A_581 = arith.constant 0 : index
    %swap3A_582 = vector.load %arg3[%swap3A, %swap3A_580, %swap3A_581] : memref<1x128x64xi32, #tpu.memory_space<vmem>>, vector<1x128x64xi32>
    %swap3A_583 = vector.shape_cast %swap3A_582 : vector<1x128x64xi32> to vector<128x64xi32>
    %swap3A_584 = vector.shape_cast %add3A_579 : vector<128x64xi32> to vector<1x128x64xi32>
    tpu.vector_store %arg3[%swap3A, %swap3A_580, %swap3A_581], %swap3A_584 {strides = array<i32>} : memref<1x128x64xi32, #tpu.memory_space<vmem>>, vector<1x128x64xi32>,
    return
  }
  func.func @transform_0(%arg0: i32) -> (i32, i32, i32) {
    %c0_i32 = arith.constant 0 : i32
    %c0_i32_0 = arith.constant 0 : i32
    %c0_i32_1 = arith.constant 0 : i32
    return %arg0, %c0_i32, %c0_i32_0 : i32, i32, i32
  }
  func.func @transform_1(%arg0: i32) -> (i32, i32, i32) {
    %c0_i32 = arith.constant 0 : i32
    %c0_i32_0 = arith.constant 0 : i32
    %c0_i32_1 = arith.constant 0 : i32
    return %arg0, %c0_i32, %c0_i32_0 : i32, i32, i32
  }
  func.func @transform_2(%arg0: i32) -> (i32, i32, i32) {
    %c0_i32 = arith.constant 0 : i32
    %c0_i32_0 = arith.constant 0 : i32
    %c0_i32_1 = arith.constant 0 : i32
    return %arg0, %c0_i32, %c0_i32_0 : i32, i32, i32
  }
}

module attributes {stable_mosaic.version = 14 : i64} {
  func.func @body(%arg0: i32, %arg1: memref<2048x16xf32, #tpu.memory_space<vmem>>, %arg2: memref<64x16xf32, #tpu.memory_space<vmem>>, %arg3: memref<16x64xf32, #tpu.memory_space<vmem>>, %arg4: memref<1x64xf32, #tpu.memory_space<vmem>>, %arg5: memref<2048x64xf32, #tpu.memory_space<vmem>>, %arg6: memref<2x64xf32, #tpu.memory_space<vmem>>) attributes {dimension_semantics = [#tpu.dimension_semantics<arbitrary>], iteration_bounds = array<i64: 128>, scalar_prefetch = 0 : i64, scratch_operands = 0 : i64, tpu.core_type = #tpu.core_type<tc>, window_params = [{transform_indices = @transform_0, window_bounds = array<i64: 2048, 16>}, {transform_indices = @transform_1, window_bounds = array<i64: 64, 16>}, {pipeline_mode = #tpu.pipeline_mode<synchronous>, transform_indices = @transform_2, window_bounds = array<i64: 16, 64>}, {pipeline_mode = #tpu.pipeline_mode<synchronous>, transform_indices = @transform_3, window_bounds = array<i64: 1, 64>}, {transform_indices = @transform_4, window_bounds = array<i64: 2048, 64>}, {pipeline_mode = #tpu.pipeline_mode<synchronous>, transform_indices = @transform_5, window_bounds = array<i64: 2, 64>}]} {
    %get3A = arith.constant 0 : index
    %get3A_0 = arith.constant 0 : index
    %get3A_1 = vector.load %arg1[%get3A, %get3A_0] : memref<2048x16xf32, #tpu.memory_space<vmem>>, vector<2048x16xf32>
    %reshape3A = vector.shape_cast %get3A_1 : vector<2048x16xf32> to vector<64x32x16xf32>
    %get3A_2 = arith.constant 0 : index
    %get3A_3 = arith.constant 0 : index
    %get3A_4 = vector.load %arg2[%get3A_2, %get3A_3] : memref<64x16xf32, #tpu.memory_space<vmem>>, vector<64x16xf32>
    %broadcast_in_dim3A = vector.shape_cast %get3A_4 : vector<64x16xf32> to vector<64x1x16xf32>
    %sub3A = vector.broadcast %broadcast_in_dim3A : vector<64x1x16xf32> to vector<64x32x16xf32>
    %sub3A_5 = arith.subf %reshape3A, %sub3A : vector<64x32x16xf32>
    %reshape3A_6 = vector.shape_cast %sub3A_5 : vector<64x32x16xf32> to vector<2048x16xf32>
    %convert_element_type3A = arith.truncf %reshape3A_6 : vector<2048x16xf32> to vector<2048x16xbf16>
    %get3A_7 = arith.constant 0 : index
    %get3A_8 = arith.constant 0 : index
    %get3A_9 = vector.load %arg3[%get3A_7, %get3A_8] : memref<16x64xf32, #tpu.memory_space<vmem>>, vector<16x64xf32>
    %convert_element_type3A_10 = arith.truncf %get3A_9 : vector<16x64xf32> to vector<16x64xbf16>
    %dot_general3A = arith.constant dense<0.000000e+00> : vector<2048x64xf32>
    %dot_general3A_11 = tpu.matmul %convert_element_type3A, %convert_element_type3A_10, %dot_general3A {dimension_numbers = #tpu.dot_dimension_numbers<[1], [0], [0], [1], [0, 0, 1, 1], [], []>, transpose_lhs_hint = false} : vector<2048x16xbf16>, vector<16x64xbf16>, vector<2048x64xf32> -> vector<2048x64xf32>
    %get3A_12 = arith.constant 0 : index
    %get3A_13 = arith.constant 0 : index
    %get3A_14 = vector.load %arg4[%get3A_12, %get3A_13] : memref<1x64xf32, #tpu.memory_space<vmem>>, vector<1x64xf32>
    %add3A = vector.broadcast %get3A_14 : vector<1x64xf32> to vector<2048x64xf32>
    %add3A_15 = arith.addf %dot_general3A_11, %add3A : vector<2048x64xf32>
    %swap3A = arith.constant 0 : index
    %swap3A_16 = arith.constant 0 : index
    %swap3A_17 = vector.load %arg5[%swap3A, %swap3A_16] : memref<2048x64xf32, #tpu.memory_space<vmem>>, vector<2048x64xf32>
    tpu.vector_store %arg5[%swap3A, %swap3A_16], %add3A_15 {strides = array<i32>} : memref<2048x64xf32, #tpu.memory_space<vmem>>, vector<2048x64xf32>,
    %eq3A = arith.constant 0 : i32
    %eq3A_18 = arith.cmpi eq, %arg0, %eq3A : i32
    %convert_element_type3A_19 = arith.extui %eq3A_18 : i1 to i32
    %cond3A = arith.constant 0 : i32
    %cond3A_20 = arith.cmpi ne, %convert_element_type3A_19, %cond3A : i32
    scf.if %cond3A_20 {
      %broadcast_in_dim3A_33 = arith.constant 0.000000e+00 : f32
      %broadcast_in_dim3A_34 = vector.broadcast %broadcast_in_dim3A_33 : f32 to vector<2x64xf32>
      %swap3A_35 = arith.constant 0 : index
      %swap3A_36 = arith.constant 0 : index
      %swap3A_37 = vector.load %arg6[%swap3A_35, %swap3A_36] : memref<2x64xf32, #tpu.memory_space<vmem>>, vector<2x64xf32>
      tpu.vector_store %arg6[%swap3A_35, %swap3A_36], %broadcast_in_dim3A_34 {strides = array<i32>} : memref<2x64xf32, #tpu.memory_space<vmem>>, vector<2x64xf32>,
    } else {
    }
    %reduce_sum3A = arith.constant dense<0.000000e+00> : vector<64xf32>
    %reduce_sum3A_21 = vector.multi_reduction <add>, %add3A_15, %reduce_sum3A [0] : vector<2048x64xf32> to vector<64xf32>
    %broadcast_in_dim3A_22 = vector.shape_cast %reduce_sum3A_21 : vector<64xf32> to vector<1x64xf32>
    %mul3A = arith.mulf %add3A_15, %add3A_15 : vector<2048x64xf32>
    %reduce_sum3A_23 = arith.constant dense<0.000000e+00> : vector<64xf32>
    %reduce_sum3A_24 = vector.multi_reduction <add>, %mul3A, %reduce_sum3A_23 [0] : vector<2048x64xf32> to vector<64xf32>
    %broadcast_in_dim3A_25 = vector.shape_cast %reduce_sum3A_24 : vector<64xf32> to vector<1x64xf32>
    %get3A_26 = arith.constant 0 : index
    %get3A_27 = arith.constant 0 : index
    %get3A_28 = vector.load %arg6[%get3A_26, %get3A_27] : memref<2x64xf32, #tpu.memory_space<vmem>>, vector<2x64xf32>
    %concatenate3A = tpu.concatenate %broadcast_in_dim3A_22, %broadcast_in_dim3A_25 in 0 : vector<1x64xf32>, vector<1x64xf32> -> vector<2x64xf32>
    %add3A_29 = arith.addf %get3A_28, %concatenate3A : vector<2x64xf32>
    %swap3A_30 = arith.constant 0 : index
    %swap3A_31 = arith.constant 0 : index
    %swap3A_32 = vector.load %arg6[%swap3A_30, %swap3A_31] : memref<2x64xf32, #tpu.memory_space<vmem>>, vector<2x64xf32>
    tpu.vector_store %arg6[%swap3A_30, %swap3A_31], %add3A_29 {strides = array<i32>} : memref<2x64xf32, #tpu.memory_space<vmem>>, vector<2x64xf32>,
    return
  }
  func.func @transform_0(%arg0: i32) -> (i32, i32) {
    %c0_i32 = arith.constant 0 : i32
    %c0_i32_0 = arith.constant 0 : i32
    return %arg0, %c0_i32 : i32, i32
  }
  func.func @transform_1(%arg0: i32) -> (i32, i32) {
    %c0_i32 = arith.constant 0 : i32
    %c0_i32_0 = arith.constant 0 : i32
    return %arg0, %c0_i32 : i32, i32
  }
  func.func @transform_2(%arg0: i32) -> (i32, i32) {
    %c0_i32 = arith.constant 0 : i32
    %c0_i32_0 = arith.constant 0 : i32
    %c0_i32_1 = arith.constant 0 : i32
    return %c0_i32, %c0_i32_0 : i32, i32
  }
  func.func @transform_3(%arg0: i32) -> (i32, i32) {
    %c0_i32 = arith.constant 0 : i32
    %c0_i32_0 = arith.constant 0 : i32
    %c0_i32_1 = arith.constant 0 : i32
    return %c0_i32, %c0_i32_0 : i32, i32
  }
  func.func @transform_4(%arg0: i32) -> (i32, i32) {
    %c0_i32 = arith.constant 0 : i32
    %c0_i32_0 = arith.constant 0 : i32
    return %arg0, %c0_i32 : i32, i32
  }
  func.func @transform_5(%arg0: i32) -> (i32, i32) {
    %c0_i32 = arith.constant 0 : i32
    %c0_i32_0 = arith.constant 0 : i32
    %c0_i32_1 = arith.constant 0 : i32
    return %c0_i32, %c0_i32_0 : i32, i32
  }
}

module attributes {stable_mosaic.version = 14 : i64} {
  func.func @body(%arg0: i32, %arg1: memref<2048x64xf32, #tpu.memory_space<vmem>>, %arg2: memref<2x64xf32, #tpu.memory_space<vmem>>, %arg3: memref<1x64xf32, #tpu.memory_space<vmem>>, %arg4: memref<1x64xf32, #tpu.memory_space<vmem>>, %arg5: memref<64x64xf32, #tpu.memory_space<vmem>>, %arg6: memref<1x64xf32, #tpu.memory_space<vmem>>, %arg7: memref<2048x64xf32, #tpu.memory_space<vmem>>, %arg8: memref<2x64xf32, #tpu.memory_space<vmem>>) attributes {dimension_semantics = [#tpu.dimension_semantics<arbitrary>], iteration_bounds = array<i64: 128>, scalar_prefetch = 0 : i64, scratch_operands = 0 : i64, tpu.core_type = #tpu.core_type<tc>, window_params = [{transform_indices = @transform_0, window_bounds = array<i64: 2048, 64>}, {pipeline_mode = #tpu.pipeline_mode<synchronous>, transform_indices = @transform_1, window_bounds = array<i64: 2, 64>}, {pipeline_mode = #tpu.pipeline_mode<synchronous>, transform_indices = @transform_2, window_bounds = array<i64: 1, 64>}, {pipeline_mode = #tpu.pipeline_mode<synchronous>, transform_indices = @transform_3, window_bounds = array<i64: 1, 64>}, {pipeline_mode = #tpu.pipeline_mode<synchronous>, transform_indices = @transform_4, window_bounds = array<i64: 64, 64>}, {pipeline_mode = #tpu.pipeline_mode<synchronous>, transform_indices = @transform_5, window_bounds = array<i64: 1, 64>}, {transform_indices = @transform_6, window_bounds = array<i64: 2048, 64>}, {pipeline_mode = #tpu.pipeline_mode<synchronous>, transform_indices = @transform_7, window_bounds = array<i64: 2, 64>}]} {
    %get3A = arith.constant 0 : index
    %get3A_0 = arith.constant 0 : index
    %get3A_1 = vector.load %arg1[%get3A, %get3A_0] : memref<2048x64xf32, #tpu.memory_space<vmem>>, vector<2048x64xf32>
    %get3A_2 = arith.constant 0 : index
    %get3A_3 = arith.constant 0 : index
    %get3A_4 = vector.load %arg2[%get3A_2, %get3A_3] : memref<2x64xf32, #tpu.memory_space<vmem>>, vector<2x64xf32>
    %get3A_5 = arith.constant 0 : index
    %get3A_6 = arith.constant 0 : index
    %get3A_7 = vector.load %arg3[%get3A_5, %get3A_6] : memref<1x64xf32, #tpu.memory_space<vmem>>, vector<1x64xf32>
    %get3A_8 = arith.constant 0 : index
    %get3A_9 = arith.constant 0 : index
    %get3A_10 = vector.load %arg4[%get3A_8, %get3A_9] : memref<1x64xf32, #tpu.memory_space<vmem>>, vector<1x64xf32>
    %slice3A = vector.extract_strided_slice %get3A_4 {offsets = [0, 0], sizes = [1, 64], strides = [1, 1]} : vector<2x64xf32> to vector<1x64xf32>
    %div3A = arith.constant 2.621440e+05 : f32
    %div3A_11 = vector.broadcast %div3A : f32 to vector<1x64xf32>
    %div3A_12 = arith.divf %slice3A, %div3A_11 : vector<1x64xf32>
    %slice3A_13 = vector.extract_strided_slice %get3A_4 {offsets = [1, 0], sizes = [1, 64], strides = [1, 1]} : vector<2x64xf32> to vector<1x64xf32>
    %div3A_14 = arith.constant 2.621440e+05 : f32
    %div3A_15 = vector.broadcast %div3A_14 : f32 to vector<1x64xf32>
    %div3A_16 = arith.divf %slice3A_13, %div3A_15 : vector<1x64xf32>
    %mul3A = arith.mulf %div3A_12, %div3A_12 : vector<1x64xf32>
    %sub3A = arith.subf %div3A_16, %mul3A : vector<1x64xf32>
    %add3A = arith.constant 9.99999974E-6 : f32
    %add3A_17 = vector.broadcast %add3A : f32 to vector<1x64xf32>
    %add3A_18 = arith.addf %sub3A, %add3A_17 : vector<1x64xf32>
    %rsqrt3A = math.rsqrt %add3A_18 : vector<1x64xf32>
    %mul3A_19 = arith.mulf %get3A_7, %rsqrt3A : vector<1x64xf32>
    %sub3A_20 = vector.broadcast %div3A_12 : vector<1x64xf32> to vector<2048x64xf32>
    %sub3A_21 = arith.subf %get3A_1, %sub3A_20 : vector<2048x64xf32>
    %mul3A_22 = vector.broadcast %mul3A_19 : vector<1x64xf32> to vector<2048x64xf32>
    %mul3A_23 = arith.mulf %sub3A_21, %mul3A_22 : vector<2048x64xf32>
    %add3A_24 = vector.broadcast %get3A_10 : vector<1x64xf32> to vector<2048x64xf32>
    %add3A_25 = arith.addf %mul3A_23, %add3A_24 : vector<2048x64xf32>
    %max3A = arith.constant 0.000000e+00 : f32
    %max3A_26 = vector.broadcast %max3A : f32 to vector<2048x64xf32>
    %max3A_27 = arith.maximumf %add3A_25, %max3A_26 : vector<2048x64xf32>
    %convert_element_type3A = arith.truncf %max3A_27 : vector<2048x64xf32> to vector<2048x64xbf16>
    %get3A_28 = arith.constant 0 : index
    %get3A_29 = arith.constant 0 : index
    %get3A_30 = vector.load %arg5[%get3A_28, %get3A_29] : memref<64x64xf32, #tpu.memory_space<vmem>>, vector<64x64xf32>
    %convert_element_type3A_31 = arith.truncf %get3A_30 : vector<64x64xf32> to vector<64x64xbf16>
    %dot_general3A = arith.constant dense<0.000000e+00> : vector<2048x64xf32>
    %dot_general3A_32 = tpu.matmul %convert_element_type3A, %convert_element_type3A_31, %dot_general3A {dimension_numbers = #tpu.dot_dimension_numbers<[1], [0], [0], [1], [0, 0, 1, 1], [], []>, transpose_lhs_hint = false} : vector<2048x64xbf16>, vector<64x64xbf16>, vector<2048x64xf32> -> vector<2048x64xf32>
    %get3A_33 = arith.constant 0 : index
    %get3A_34 = arith.constant 0 : index
    %get3A_35 = vector.load %arg6[%get3A_33, %get3A_34] : memref<1x64xf32, #tpu.memory_space<vmem>>, vector<1x64xf32>
    %add3A_36 = vector.broadcast %get3A_35 : vector<1x64xf32> to vector<2048x64xf32>
    %add3A_37 = arith.addf %dot_general3A_32, %add3A_36 : vector<2048x64xf32>
    %swap3A = arith.constant 0 : index
    %swap3A_38 = arith.constant 0 : index
    %swap3A_39 = vector.load %arg7[%swap3A, %swap3A_38] : memref<2048x64xf32, #tpu.memory_space<vmem>>, vector<2048x64xf32>
    tpu.vector_store %arg7[%swap3A, %swap3A_38], %add3A_37 {strides = array<i32>} : memref<2048x64xf32, #tpu.memory_space<vmem>>, vector<2048x64xf32>,
    %eq3A = arith.constant 0 : i32
    %eq3A_40 = arith.cmpi eq, %arg0, %eq3A : i32
    %convert_element_type3A_41 = arith.extui %eq3A_40 : i1 to i32
    %cond3A = arith.constant 0 : i32
    %cond3A_42 = arith.cmpi ne, %convert_element_type3A_41, %cond3A : i32
    scf.if %cond3A_42 {
      %broadcast_in_dim3A_55 = arith.constant 0.000000e+00 : f32
      %broadcast_in_dim3A_56 = vector.broadcast %broadcast_in_dim3A_55 : f32 to vector<2x64xf32>
      %swap3A_57 = arith.constant 0 : index
      %swap3A_58 = arith.constant 0 : index
      %swap3A_59 = vector.load %arg8[%swap3A_57, %swap3A_58] : memref<2x64xf32, #tpu.memory_space<vmem>>, vector<2x64xf32>
      tpu.vector_store %arg8[%swap3A_57, %swap3A_58], %broadcast_in_dim3A_56 {strides = array<i32>} : memref<2x64xf32, #tpu.memory_space<vmem>>, vector<2x64xf32>,
    } else {
    }
    %reduce_sum3A = arith.constant dense<0.000000e+00> : vector<64xf32>
    %reduce_sum3A_43 = vector.multi_reduction <add>, %add3A_37, %reduce_sum3A [0] : vector<2048x64xf32> to vector<64xf32>
    %broadcast_in_dim3A = vector.shape_cast %reduce_sum3A_43 : vector<64xf32> to vector<1x64xf32>
    %mul3A_44 = arith.mulf %add3A_37, %add3A_37 : vector<2048x64xf32>
    %reduce_sum3A_45 = arith.constant dense<0.000000e+00> : vector<64xf32>
    %reduce_sum3A_46 = vector.multi_reduction <add>, %mul3A_44, %reduce_sum3A_45 [0] : vector<2048x64xf32> to vector<64xf32>
    %broadcast_in_dim3A_47 = vector.shape_cast %reduce_sum3A_46 : vector<64xf32> to vector<1x64xf32>
    %get3A_48 = arith.constant 0 : index
    %get3A_49 = arith.constant 0 : index
    %get3A_50 = vector.load %arg8[%get3A_48, %get3A_49] : memref<2x64xf32, #tpu.memory_space<vmem>>, vector<2x64xf32>
    %concatenate3A = tpu.concatenate %broadcast_in_dim3A, %broadcast_in_dim3A_47 in 0 : vector<1x64xf32>, vector<1x64xf32> -> vector<2x64xf32>
    %add3A_51 = arith.addf %get3A_50, %concatenate3A : vector<2x64xf32>
    %swap3A_52 = arith.constant 0 : index
    %swap3A_53 = arith.constant 0 : index
    %swap3A_54 = vector.load %arg8[%swap3A_52, %swap3A_53] : memref<2x64xf32, #tpu.memory_space<vmem>>, vector<2x64xf32>
    tpu.vector_store %arg8[%swap3A_52, %swap3A_53], %add3A_51 {strides = array<i32>} : memref<2x64xf32, #tpu.memory_space<vmem>>, vector<2x64xf32>,
    return
  }
  func.func @transform_0(%arg0: i32) -> (i32, i32) {
    %c0_i32 = arith.constant 0 : i32
    %c0_i32_0 = arith.constant 0 : i32
    return %arg0, %c0_i32 : i32, i32
  }
  func.func @transform_1(%arg0: i32) -> (i32, i32) {
    %c0_i32 = arith.constant 0 : i32
    %c0_i32_0 = arith.constant 0 : i32
    %c0_i32_1 = arith.constant 0 : i32
    return %c0_i32, %c0_i32_0 : i32, i32
  }
  func.func @transform_2(%arg0: i32) -> (i32, i32) {
    %c0_i32 = arith.constant 0 : i32
    %c0_i32_0 = arith.constant 0 : i32
    %c0_i32_1 = arith.constant 0 : i32
    return %c0_i32, %c0_i32_0 : i32, i32
  }
  func.func @transform_3(%arg0: i32) -> (i32, i32) {
    %c0_i32 = arith.constant 0 : i32
    %c0_i32_0 = arith.constant 0 : i32
    %c0_i32_1 = arith.constant 0 : i32
    return %c0_i32, %c0_i32_0 : i32, i32
  }
  func.func @transform_4(%arg0: i32) -> (i32, i32) {
    %c0_i32 = arith.constant 0 : i32
    %c0_i32_0 = arith.constant 0 : i32
    %c0_i32_1 = arith.constant 0 : i32
    return %c0_i32, %c0_i32_0 : i32, i32
  }
  func.func @transform_5(%arg0: i32) -> (i32, i32) {
    %c0_i32 = arith.constant 0 : i32
    %c0_i32_0 = arith.constant 0 : i32
    %c0_i32_1 = arith.constant 0 : i32
    return %c0_i32, %c0_i32_0 : i32, i32
  }
  func.func @transform_6(%arg0: i32) -> (i32, i32) {
    %c0_i32 = arith.constant 0 : i32
    %c0_i32_0 = arith.constant 0 : i32
    return %arg0, %c0_i32 : i32, i32
  }
  func.func @transform_7(%arg0: i32) -> (i32, i32) {
    %c0_i32 = arith.constant 0 : i32
    %c0_i32_0 = arith.constant 0 : i32
    %c0_i32_1 = arith.constant 0 : i32
    return %c0_i32, %c0_i32_0 : i32, i32
  }
}

module attributes {stable_mosaic.version = 14 : i64} {
  func.func @body(%arg0: i32, %arg1: memref<2048x64xf32, #tpu.memory_space<vmem>>, %arg2: memref<2x64xf32, #tpu.memory_space<vmem>>, %arg3: memref<1x64xf32, #tpu.memory_space<vmem>>, %arg4: memref<1x64xf32, #tpu.memory_space<vmem>>, %arg5: memref<64x128xf32, #tpu.memory_space<vmem>>, %arg6: memref<1x128xf32, #tpu.memory_space<vmem>>, %arg7: memref<2x128xf32, #tpu.memory_space<vmem>>) attributes {dimension_semantics = [#tpu.dimension_semantics<arbitrary>], iteration_bounds = array<i64: 128>, scalar_prefetch = 0 : i64, scratch_operands = 0 : i64, tpu.core_type = #tpu.core_type<tc>, window_params = [{transform_indices = @transform_0, window_bounds = array<i64: 2048, 64>}, {pipeline_mode = #tpu.pipeline_mode<synchronous>, transform_indices = @transform_1, window_bounds = array<i64: 2, 64>}, {pipeline_mode = #tpu.pipeline_mode<synchronous>, transform_indices = @transform_2, window_bounds = array<i64: 1, 64>}, {pipeline_mode = #tpu.pipeline_mode<synchronous>, transform_indices = @transform_3, window_bounds = array<i64: 1, 64>}, {pipeline_mode = #tpu.pipeline_mode<synchronous>, transform_indices = @transform_4, window_bounds = array<i64: 64, 128>}, {pipeline_mode = #tpu.pipeline_mode<synchronous>, transform_indices = @transform_5, window_bounds = array<i64: 1, 128>}, {pipeline_mode = #tpu.pipeline_mode<synchronous>, transform_indices = @transform_6, window_bounds = array<i64: 2, 128>}]} {
    %get3A = arith.constant 0 : index
    %get3A_0 = arith.constant 0 : index
    %get3A_1 = vector.load %arg1[%get3A, %get3A_0] : memref<2048x64xf32, #tpu.memory_space<vmem>>, vector<2048x64xf32>
    %get3A_2 = arith.constant 0 : index
    %get3A_3 = arith.constant 0 : index
    %get3A_4 = vector.load %arg2[%get3A_2, %get3A_3] : memref<2x64xf32, #tpu.memory_space<vmem>>, vector<2x64xf32>
    %get3A_5 = arith.constant 0 : index
    %get3A_6 = arith.constant 0 : index
    %get3A_7 = vector.load %arg3[%get3A_5, %get3A_6] : memref<1x64xf32, #tpu.memory_space<vmem>>, vector<1x64xf32>
    %get3A_8 = arith.constant 0 : index
    %get3A_9 = arith.constant 0 : index
    %get3A_10 = vector.load %arg4[%get3A_8, %get3A_9] : memref<1x64xf32, #tpu.memory_space<vmem>>, vector<1x64xf32>
    %slice3A = vector.extract_strided_slice %get3A_4 {offsets = [0, 0], sizes = [1, 64], strides = [1, 1]} : vector<2x64xf32> to vector<1x64xf32>
    %div3A = arith.constant 2.621440e+05 : f32
    %div3A_11 = vector.broadcast %div3A : f32 to vector<1x64xf32>
    %div3A_12 = arith.divf %slice3A, %div3A_11 : vector<1x64xf32>
    %slice3A_13 = vector.extract_strided_slice %get3A_4 {offsets = [1, 0], sizes = [1, 64], strides = [1, 1]} : vector<2x64xf32> to vector<1x64xf32>
    %div3A_14 = arith.constant 2.621440e+05 : f32
    %div3A_15 = vector.broadcast %div3A_14 : f32 to vector<1x64xf32>
    %div3A_16 = arith.divf %slice3A_13, %div3A_15 : vector<1x64xf32>
    %mul3A = arith.mulf %div3A_12, %div3A_12 : vector<1x64xf32>
    %sub3A = arith.subf %div3A_16, %mul3A : vector<1x64xf32>
    %add3A = arith.constant 9.99999974E-6 : f32
    %add3A_17 = vector.broadcast %add3A : f32 to vector<1x64xf32>
    %add3A_18 = arith.addf %sub3A, %add3A_17 : vector<1x64xf32>
    %rsqrt3A = math.rsqrt %add3A_18 : vector<1x64xf32>
    %mul3A_19 = arith.mulf %get3A_7, %rsqrt3A : vector<1x64xf32>
    %sub3A_20 = vector.broadcast %div3A_12 : vector<1x64xf32> to vector<2048x64xf32>
    %sub3A_21 = arith.subf %get3A_1, %sub3A_20 : vector<2048x64xf32>
    %mul3A_22 = vector.broadcast %mul3A_19 : vector<1x64xf32> to vector<2048x64xf32>
    %mul3A_23 = arith.mulf %sub3A_21, %mul3A_22 : vector<2048x64xf32>
    %add3A_24 = vector.broadcast %get3A_10 : vector<1x64xf32> to vector<2048x64xf32>
    %add3A_25 = arith.addf %mul3A_23, %add3A_24 : vector<2048x64xf32>
    %max3A = arith.constant 0.000000e+00 : f32
    %max3A_26 = vector.broadcast %max3A : f32 to vector<2048x64xf32>
    %max3A_27 = arith.maximumf %add3A_25, %max3A_26 : vector<2048x64xf32>
    %convert_element_type3A = arith.truncf %max3A_27 : vector<2048x64xf32> to vector<2048x64xbf16>
    %get3A_28 = arith.constant 0 : index
    %get3A_29 = arith.constant 0 : index
    %get3A_30 = vector.load %arg5[%get3A_28, %get3A_29] : memref<64x128xf32, #tpu.memory_space<vmem>>, vector<64x128xf32>
    %convert_element_type3A_31 = arith.truncf %get3A_30 : vector<64x128xf32> to vector<64x128xbf16>
    %dot_general3A = arith.constant dense<0.000000e+00> : vector<2048x128xf32>
    %dot_general3A_32 = tpu.matmul %convert_element_type3A, %convert_element_type3A_31, %dot_general3A {dimension_numbers = #tpu.dot_dimension_numbers<[1], [0], [0], [1], [0, 0, 1, 1], [], []>, transpose_lhs_hint = false} : vector<2048x64xbf16>, vector<64x128xbf16>, vector<2048x128xf32> -> vector<2048x128xf32>
    %get3A_33 = arith.constant 0 : index
    %get3A_34 = arith.constant 0 : index
    %get3A_35 = vector.load %arg6[%get3A_33, %get3A_34] : memref<1x128xf32, #tpu.memory_space<vmem>>, vector<1x128xf32>
    %add3A_36 = vector.broadcast %get3A_35 : vector<1x128xf32> to vector<2048x128xf32>
    %add3A_37 = arith.addf %dot_general3A_32, %add3A_36 : vector<2048x128xf32>
    %eq3A = arith.constant 0 : i32
    %eq3A_38 = arith.cmpi eq, %arg0, %eq3A : i32
    %convert_element_type3A_39 = arith.extui %eq3A_38 : i1 to i32
    %cond3A = arith.constant 0 : i32
    %cond3A_40 = arith.cmpi ne, %convert_element_type3A_39, %cond3A : i32
    scf.if %cond3A_40 {
      %broadcast_in_dim3A_52 = arith.constant 0.000000e+00 : f32
      %broadcast_in_dim3A_53 = vector.broadcast %broadcast_in_dim3A_52 : f32 to vector<2x128xf32>
      %swap3A_54 = arith.constant 0 : index
      %swap3A_55 = arith.constant 0 : index
      %swap3A_56 = vector.load %arg7[%swap3A_54, %swap3A_55] : memref<2x128xf32, #tpu.memory_space<vmem>>, vector<2x128xf32>
      tpu.vector_store %arg7[%swap3A_54, %swap3A_55], %broadcast_in_dim3A_53 {strides = array<i32>} : memref<2x128xf32, #tpu.memory_space<vmem>>, vector<2x128xf32>,
    } else {
    }
    %reduce_sum3A = arith.constant dense<0.000000e+00> : vector<128xf32>
    %reduce_sum3A_41 = vector.multi_reduction <add>, %add3A_37, %reduce_sum3A [0] : vector<2048x128xf32> to vector<128xf32>
    %broadcast_in_dim3A = vector.shape_cast %reduce_sum3A_41 : vector<128xf32> to vector<1x128xf32>
    %mul3A_42 = arith.mulf %add3A_37, %add3A_37 : vector<2048x128xf32>
    %reduce_sum3A_43 = arith.constant dense<0.000000e+00> : vector<128xf32>
    %reduce_sum3A_44 = vector.multi_reduction <add>, %mul3A_42, %reduce_sum3A_43 [0] : vector<2048x128xf32> to vector<128xf32>
    %broadcast_in_dim3A_45 = vector.shape_cast %reduce_sum3A_44 : vector<128xf32> to vector<1x128xf32>
    %get3A_46 = arith.constant 0 : index
    %get3A_47 = arith.constant 0 : index
    %get3A_48 = vector.load %arg7[%get3A_46, %get3A_47] : memref<2x128xf32, #tpu.memory_space<vmem>>, vector<2x128xf32>
    %concatenate3A = tpu.concatenate %broadcast_in_dim3A, %broadcast_in_dim3A_45 in 0 : vector<1x128xf32>, vector<1x128xf32> -> vector<2x128xf32>
    %add3A_49 = arith.addf %get3A_48, %concatenate3A : vector<2x128xf32>
    %swap3A = arith.constant 0 : index
    %swap3A_50 = arith.constant 0 : index
    %swap3A_51 = vector.load %arg7[%swap3A, %swap3A_50] : memref<2x128xf32, #tpu.memory_space<vmem>>, vector<2x128xf32>
    tpu.vector_store %arg7[%swap3A, %swap3A_50], %add3A_49 {strides = array<i32>} : memref<2x128xf32, #tpu.memory_space<vmem>>, vector<2x128xf32>,
    return
  }
  func.func @transform_0(%arg0: i32) -> (i32, i32) {
    %c0_i32 = arith.constant 0 : i32
    %c0_i32_0 = arith.constant 0 : i32
    return %arg0, %c0_i32 : i32, i32
  }
  func.func @transform_1(%arg0: i32) -> (i32, i32) {
    %c0_i32 = arith.constant 0 : i32
    %c0_i32_0 = arith.constant 0 : i32
    %c0_i32_1 = arith.constant 0 : i32
    return %c0_i32, %c0_i32_0 : i32, i32
  }
  func.func @transform_2(%arg0: i32) -> (i32, i32) {
    %c0_i32 = arith.constant 0 : i32
    %c0_i32_0 = arith.constant 0 : i32
    %c0_i32_1 = arith.constant 0 : i32
    return %c0_i32, %c0_i32_0 : i32, i32
  }
  func.func @transform_3(%arg0: i32) -> (i32, i32) {
    %c0_i32 = arith.constant 0 : i32
    %c0_i32_0 = arith.constant 0 : i32
    %c0_i32_1 = arith.constant 0 : i32
    return %c0_i32, %c0_i32_0 : i32, i32
  }
  func.func @transform_4(%arg0: i32) -> (i32, i32) {
    %c0_i32 = arith.constant 0 : i32
    %c0_i32_0 = arith.constant 0 : i32
    %c0_i32_1 = arith.constant 0 : i32
    return %c0_i32, %c0_i32_0 : i32, i32
  }
  func.func @transform_5(%arg0: i32) -> (i32, i32) {
    %c0_i32 = arith.constant 0 : i32
    %c0_i32_0 = arith.constant 0 : i32
    %c0_i32_1 = arith.constant 0 : i32
    return %c0_i32, %c0_i32_0 : i32, i32
  }
  func.func @transform_6(%arg0: i32) -> (i32, i32) {
    %c0_i32 = arith.constant 0 : i32
    %c0_i32_0 = arith.constant 0 : i32
    %c0_i32_1 = arith.constant 0 : i32
    return %c0_i32, %c0_i32_0 : i32, i32
  }
}

module attributes {stable_mosaic.version = 14 : i64} {
  func.func @body(%arg0: i32, %arg1: memref<2048x64xf32, #tpu.memory_space<vmem>>, %arg2: memref<2x64xf32, #tpu.memory_space<vmem>>, %arg3: memref<1x64xf32, #tpu.memory_space<vmem>>, %arg4: memref<1x64xf32, #tpu.memory_space<vmem>>, %arg5: memref<64x128xf32, #tpu.memory_space<vmem>>, %arg6: memref<1x128xf32, #tpu.memory_space<vmem>>, %arg7: memref<2x128xf32, #tpu.memory_space<vmem>>, %arg8: memref<1x128xf32, #tpu.memory_space<vmem>>, %arg9: memref<1x128xf32, #tpu.memory_space<vmem>>, %arg10: memref<64x128xf32, #tpu.memory_space<vmem>>) attributes {dimension_semantics = [#tpu.dimension_semantics<arbitrary>], iteration_bounds = array<i64: 128>, scalar_prefetch = 0 : i64, scratch_operands = 0 : i64, tpu.core_type = #tpu.core_type<tc>, window_params = [{transform_indices = @transform_0, window_bounds = array<i64: 2048, 64>}, {pipeline_mode = #tpu.pipeline_mode<synchronous>, transform_indices = @transform_1, window_bounds = array<i64: 2, 64>}, {pipeline_mode = #tpu.pipeline_mode<synchronous>, transform_indices = @transform_2, window_bounds = array<i64: 1, 64>}, {pipeline_mode = #tpu.pipeline_mode<synchronous>, transform_indices = @transform_3, window_bounds = array<i64: 1, 64>}, {pipeline_mode = #tpu.pipeline_mode<synchronous>, transform_indices = @transform_4, window_bounds = array<i64: 64, 128>}, {pipeline_mode = #tpu.pipeline_mode<synchronous>, transform_indices = @transform_5, window_bounds = array<i64: 1, 128>}, {pipeline_mode = #tpu.pipeline_mode<synchronous>, transform_indices = @transform_6, window_bounds = array<i64: 2, 128>}, {pipeline_mode = #tpu.pipeline_mode<synchronous>, transform_indices = @transform_7, window_bounds = array<i64: 1, 128>}, {pipeline_mode = #tpu.pipeline_mode<synchronous>, transform_indices = @transform_8, window_bounds = array<i64: 1, 128>}, {transform_indices = @transform_9, window_bounds = array<i64: 64, 128>}]} {
    %get3A = arith.constant 0 : index
    %get3A_0 = arith.constant 0 : index
    %get3A_1 = vector.load %arg1[%get3A, %get3A_0] : memref<2048x64xf32, #tpu.memory_space<vmem>>, vector<2048x64xf32>
    %get3A_2 = arith.constant 0 : index
    %get3A_3 = arith.constant 0 : index
    %get3A_4 = vector.load %arg2[%get3A_2, %get3A_3] : memref<2x64xf32, #tpu.memory_space<vmem>>, vector<2x64xf32>
    %get3A_5 = arith.constant 0 : index
    %get3A_6 = arith.constant 0 : index
    %get3A_7 = vector.load %arg3[%get3A_5, %get3A_6] : memref<1x64xf32, #tpu.memory_space<vmem>>, vector<1x64xf32>
    %get3A_8 = arith.constant 0 : index
    %get3A_9 = arith.constant 0 : index
    %get3A_10 = vector.load %arg4[%get3A_8, %get3A_9] : memref<1x64xf32, #tpu.memory_space<vmem>>, vector<1x64xf32>
    %slice3A = vector.extract_strided_slice %get3A_4 {offsets = [0, 0], sizes = [1, 64], strides = [1, 1]} : vector<2x64xf32> to vector<1x64xf32>
    %div3A = arith.constant 2.621440e+05 : f32
    %div3A_11 = vector.broadcast %div3A : f32 to vector<1x64xf32>
    %div3A_12 = arith.divf %slice3A, %div3A_11 : vector<1x64xf32>
    %slice3A_13 = vector.extract_strided_slice %get3A_4 {offsets = [1, 0], sizes = [1, 64], strides = [1, 1]} : vector<2x64xf32> to vector<1x64xf32>
    %div3A_14 = arith.constant 2.621440e+05 : f32
    %div3A_15 = vector.broadcast %div3A_14 : f32 to vector<1x64xf32>
    %div3A_16 = arith.divf %slice3A_13, %div3A_15 : vector<1x64xf32>
    %mul3A = arith.mulf %div3A_12, %div3A_12 : vector<1x64xf32>
    %sub3A = arith.subf %div3A_16, %mul3A : vector<1x64xf32>
    %add3A = arith.constant 9.99999974E-6 : f32
    %add3A_17 = vector.broadcast %add3A : f32 to vector<1x64xf32>
    %add3A_18 = arith.addf %sub3A, %add3A_17 : vector<1x64xf32>
    %rsqrt3A = math.rsqrt %add3A_18 : vector<1x64xf32>
    %mul3A_19 = arith.mulf %get3A_7, %rsqrt3A : vector<1x64xf32>
    %sub3A_20 = vector.broadcast %div3A_12 : vector<1x64xf32> to vector<2048x64xf32>
    %sub3A_21 = arith.subf %get3A_1, %sub3A_20 : vector<2048x64xf32>
    %mul3A_22 = vector.broadcast %mul3A_19 : vector<1x64xf32> to vector<2048x64xf32>
    %mul3A_23 = arith.mulf %sub3A_21, %mul3A_22 : vector<2048x64xf32>
    %add3A_24 = vector.broadcast %get3A_10 : vector<1x64xf32> to vector<2048x64xf32>
    %add3A_25 = arith.addf %mul3A_23, %add3A_24 : vector<2048x64xf32>
    %max3A = arith.constant 0.000000e+00 : f32
    %max3A_26 = vector.broadcast %max3A : f32 to vector<2048x64xf32>
    %max3A_27 = arith.maximumf %add3A_25, %max3A_26 : vector<2048x64xf32>
    %convert_element_type3A = arith.truncf %max3A_27 : vector<2048x64xf32> to vector<2048x64xbf16>
    %get3A_28 = arith.constant 0 : index
    %get3A_29 = arith.constant 0 : index
    %get3A_30 = vector.load %arg5[%get3A_28, %get3A_29] : memref<64x128xf32, #tpu.memory_space<vmem>>, vector<64x128xf32>
    %convert_element_type3A_31 = arith.truncf %get3A_30 : vector<64x128xf32> to vector<64x128xbf16>
    %dot_general3A = arith.constant dense<0.000000e+00> : vector<2048x128xf32>
    %dot_general3A_32 = tpu.matmul %convert_element_type3A, %convert_element_type3A_31, %dot_general3A {dimension_numbers = #tpu.dot_dimension_numbers<[1], [0], [0], [1], [0, 0, 1, 1], [], []>, transpose_lhs_hint = false} : vector<2048x64xbf16>, vector<64x128xbf16>, vector<2048x128xf32> -> vector<2048x128xf32>
    %get3A_33 = arith.constant 0 : index
    %get3A_34 = arith.constant 0 : index
    %get3A_35 = vector.load %arg6[%get3A_33, %get3A_34] : memref<1x128xf32, #tpu.memory_space<vmem>>, vector<1x128xf32>
    %add3A_36 = vector.broadcast %get3A_35 : vector<1x128xf32> to vector<2048x128xf32>
    %add3A_37 = arith.addf %dot_general3A_32, %add3A_36 : vector<2048x128xf32>
    %get3A_38 = arith.constant 0 : index
    %get3A_39 = arith.constant 0 : index
    %get3A_40 = vector.load %arg7[%get3A_38, %get3A_39] : memref<2x128xf32, #tpu.memory_space<vmem>>, vector<2x128xf32>
    %get3A_41 = arith.constant 0 : index
    %get3A_42 = arith.constant 0 : index
    %get3A_43 = vector.load %arg8[%get3A_41, %get3A_42] : memref<1x128xf32, #tpu.memory_space<vmem>>, vector<1x128xf32>
    %get3A_44 = arith.constant 0 : index
    %get3A_45 = arith.constant 0 : index
    %get3A_46 = vector.load %arg9[%get3A_44, %get3A_45] : memref<1x128xf32, #tpu.memory_space<vmem>>, vector<1x128xf32>
    %slice3A_47 = vector.extract_strided_slice %get3A_40 {offsets = [0, 0], sizes = [1, 128], strides = [1, 1]} : vector<2x128xf32> to vector<1x128xf32>
    %div3A_48 = arith.constant 2.621440e+05 : f32
    %div3A_49 = vector.broadcast %div3A_48 : f32 to vector<1x128xf32>
    %div3A_50 = arith.divf %slice3A_47, %div3A_49 : vector<1x128xf32>
    %slice3A_51 = vector.extract_strided_slice %get3A_40 {offsets = [1, 0], sizes = [1, 128], strides = [1, 1]} : vector<2x128xf32> to vector<1x128xf32>
    %div3A_52 = arith.constant 2.621440e+05 : f32
    %div3A_53 = vector.broadcast %div3A_52 : f32 to vector<1x128xf32>
    %div3A_54 = arith.divf %slice3A_51, %div3A_53 : vector<1x128xf32>
    %mul3A_55 = arith.mulf %div3A_50, %div3A_50 : vector<1x128xf32>
    %sub3A_56 = arith.subf %div3A_54, %mul3A_55 : vector<1x128xf32>
    %add3A_57 = arith.constant 9.99999974E-6 : f32
    %add3A_58 = vector.broadcast %add3A_57 : f32 to vector<1x128xf32>
    %add3A_59 = arith.addf %sub3A_56, %add3A_58 : vector<1x128xf32>
    %rsqrt3A_60 = math.rsqrt %add3A_59 : vector<1x128xf32>
    %mul3A_61 = arith.mulf %get3A_43, %rsqrt3A_60 : vector<1x128xf32>
    %sub3A_62 = vector.broadcast %div3A_50 : vector<1x128xf32> to vector<2048x128xf32>
    %sub3A_63 = arith.subf %add3A_37, %sub3A_62 : vector<2048x128xf32>
    %mul3A_64 = vector.broadcast %mul3A_61 : vector<1x128xf32> to vector<2048x128xf32>
    %mul3A_65 = arith.mulf %sub3A_63, %mul3A_64 : vector<2048x128xf32>
    %add3A_66 = vector.broadcast %get3A_46 : vector<1x128xf32> to vector<2048x128xf32>
    %add3A_67 = arith.addf %mul3A_65, %add3A_66 : vector<2048x128xf32>
    %max3A_68 = arith.constant 0.000000e+00 : f32
    %max3A_69 = vector.broadcast %max3A_68 : f32 to vector<2048x128xf32>
    %max3A_70 = arith.maximumf %add3A_67, %max3A_69 : vector<2048x128xf32>
    %reshape3A = vector.shape_cast %max3A_70 : vector<2048x128xf32> to vector<64x32x128xf32>
    %reduce_max3A = arith.constant dense<0xFF800000> : vector<64x128xf32>
    %reduce_max3A_71 = vector.multi_reduction <maximumf>, %reshape3A, %reduce_max3A [1] : vector<64x32x128xf32> to vector<64x128xf32>
    %swap3A = arith.constant 0 : index
    %swap3A_72 = arith.constant 0 : index
    %swap3A_73 = vector.load %arg10[%swap3A, %swap3A_72] : memref<64x128xf32, #tpu.memory_space<vmem>>, vector<64x128xf32>
    tpu.vector_store %arg10[%swap3A, %swap3A_72], %reduce_max3A_71 {strides = array<i32>} : memref<64x128xf32, #tpu.memory_space<vmem>>, vector<64x128xf32>,
    return
  }
  func.func @transform_0(%arg0: i32) -> (i32, i32) {
    %c0_i32 = arith.constant 0 : i32
    %c0_i32_0 = arith.constant 0 : i32
    return %arg0, %c0_i32 : i32, i32
  }
  func.func @transform_1(%arg0: i32) -> (i32, i32) {
    %c0_i32 = arith.constant 0 : i32
    %c0_i32_0 = arith.constant 0 : i32
    %c0_i32_1 = arith.constant 0 : i32
    return %c0_i32, %c0_i32_0 : i32, i32
  }
  func.func @transform_2(%arg0: i32) -> (i32, i32) {
    %c0_i32 = arith.constant 0 : i32
    %c0_i32_0 = arith.constant 0 : i32
    %c0_i32_1 = arith.constant 0 : i32
    return %c0_i32, %c0_i32_0 : i32, i32
  }
  func.func @transform_3(%arg0: i32) -> (i32, i32) {
    %c0_i32 = arith.constant 0 : i32
    %c0_i32_0 = arith.constant 0 : i32
    %c0_i32_1 = arith.constant 0 : i32
    return %c0_i32, %c0_i32_0 : i32, i32
  }
  func.func @transform_4(%arg0: i32) -> (i32, i32) {
    %c0_i32 = arith.constant 0 : i32
    %c0_i32_0 = arith.constant 0 : i32
    %c0_i32_1 = arith.constant 0 : i32
    return %c0_i32, %c0_i32_0 : i32, i32
  }
  func.func @transform_5(%arg0: i32) -> (i32, i32) {
    %c0_i32 = arith.constant 0 : i32
    %c0_i32_0 = arith.constant 0 : i32
    %c0_i32_1 = arith.constant 0 : i32
    return %c0_i32, %c0_i32_0 : i32, i32
  }
  func.func @transform_6(%arg0: i32) -> (i32, i32) {
    %c0_i32 = arith.constant 0 : i32
    %c0_i32_0 = arith.constant 0 : i32
    %c0_i32_1 = arith.constant 0 : i32
    return %c0_i32, %c0_i32_0 : i32, i32
  }
  func.func @transform_7(%arg0: i32) -> (i32, i32) {
    %c0_i32 = arith.constant 0 : i32
    %c0_i32_0 = arith.constant 0 : i32
    %c0_i32_1 = arith.constant 0 : i32
    return %c0_i32, %c0_i32_0 : i32, i32
  }
  func.func @transform_8(%arg0: i32) -> (i32, i32) {
    %c0_i32 = arith.constant 0 : i32
    %c0_i32_0 = arith.constant 0 : i32
    %c0_i32_1 = arith.constant 0 : i32
    return %c0_i32, %c0_i32_0 : i32, i32
  }
  func.func @transform_9(%arg0: i32) -> (i32, i32) {
    %c0_i32 = arith.constant 0 : i32
    %c0_i32_0 = arith.constant 0 : i32
    return %arg0, %c0_i32 : i32, i32
  }
}

module attributes {stable_mosaic.version = 14 : i64} {
  func.func @body(%arg0: i32, %arg1: memref<2048x144xf32, #tpu.memory_space<vmem>>, %arg2: memref<32x144xf32, #tpu.memory_space<vmem>>, %arg3: memref<144x128xf32, #tpu.memory_space<vmem>>, %arg4: memref<1x128xf32, #tpu.memory_space<vmem>>, %arg5: memref<2048x128xf32, #tpu.memory_space<vmem>>, %arg6: memref<2x128xf32, #tpu.memory_space<vmem>>) attributes {dimension_semantics = [#tpu.dimension_semantics<arbitrary>], iteration_bounds = array<i64: 64>, scalar_prefetch = 0 : i64, scratch_operands = 0 : i64, tpu.core_type = #tpu.core_type<tc>, window_params = [{transform_indices = @transform_0, window_bounds = array<i64: 2048, 144>}, {transform_indices = @transform_1, window_bounds = array<i64: 32, 144>}, {pipeline_mode = #tpu.pipeline_mode<synchronous>, transform_indices = @transform_2, window_bounds = array<i64: 144, 128>}, {pipeline_mode = #tpu.pipeline_mode<synchronous>, transform_indices = @transform_3, window_bounds = array<i64: 1, 128>}, {transform_indices = @transform_4, window_bounds = array<i64: 2048, 128>}, {pipeline_mode = #tpu.pipeline_mode<synchronous>, transform_indices = @transform_5, window_bounds = array<i64: 2, 128>}]} {
    %get3A = arith.constant 0 : index
    %get3A_0 = arith.constant 0 : index
    %get3A_1 = vector.load %arg1[%get3A, %get3A_0] : memref<2048x144xf32, #tpu.memory_space<vmem>>, vector<2048x144xf32>
    %reshape3A = vector.shape_cast %get3A_1 : vector<2048x144xf32> to vector<32x64x144xf32>
    %get3A_2 = arith.constant 0 : index
    %get3A_3 = arith.constant 0 : index
    %get3A_4 = vector.load %arg2[%get3A_2, %get3A_3] : memref<32x144xf32, #tpu.memory_space<vmem>>, vector<32x144xf32>
    %broadcast_in_dim3A = vector.shape_cast %get3A_4 : vector<32x144xf32> to vector<32x1x144xf32>
    %sub3A = vector.broadcast %broadcast_in_dim3A : vector<32x1x144xf32> to vector<32x64x144xf32>
    %sub3A_5 = arith.subf %reshape3A, %sub3A : vector<32x64x144xf32>
    %reshape3A_6 = vector.shape_cast %sub3A_5 : vector<32x64x144xf32> to vector<2048x144xf32>
    %convert_element_type3A = arith.truncf %reshape3A_6 : vector<2048x144xf32> to vector<2048x144xbf16>
    %get3A_7 = arith.constant 0 : index
    %get3A_8 = arith.constant 0 : index
    %get3A_9 = vector.load %arg3[%get3A_7, %get3A_8] : memref<144x128xf32, #tpu.memory_space<vmem>>, vector<144x128xf32>
    %convert_element_type3A_10 = arith.truncf %get3A_9 : vector<144x128xf32> to vector<144x128xbf16>
    %dot_general3A = arith.constant dense<0.000000e+00> : vector<2048x128xf32>
    %dot_general3A_11 = tpu.matmul %convert_element_type3A, %convert_element_type3A_10, %dot_general3A {dimension_numbers = #tpu.dot_dimension_numbers<[1], [0], [0], [1], [0, 0, 1, 1], [], []>, transpose_lhs_hint = false} : vector<2048x144xbf16>, vector<144x128xbf16>, vector<2048x128xf32> -> vector<2048x128xf32>
    %get3A_12 = arith.constant 0 : index
    %get3A_13 = arith.constant 0 : index
    %get3A_14 = vector.load %arg4[%get3A_12, %get3A_13] : memref<1x128xf32, #tpu.memory_space<vmem>>, vector<1x128xf32>
    %add3A = vector.broadcast %get3A_14 : vector<1x128xf32> to vector<2048x128xf32>
    %add3A_15 = arith.addf %dot_general3A_11, %add3A : vector<2048x128xf32>
    %swap3A = arith.constant 0 : index
    %swap3A_16 = arith.constant 0 : index
    %swap3A_17 = vector.load %arg5[%swap3A, %swap3A_16] : memref<2048x128xf32, #tpu.memory_space<vmem>>, vector<2048x128xf32>
    tpu.vector_store %arg5[%swap3A, %swap3A_16], %add3A_15 {strides = array<i32>} : memref<2048x128xf32, #tpu.memory_space<vmem>>, vector<2048x128xf32>,
    %eq3A = arith.constant 0 : i32
    %eq3A_18 = arith.cmpi eq, %arg0, %eq3A : i32
    %convert_element_type3A_19 = arith.extui %eq3A_18 : i1 to i32
    %cond3A = arith.constant 0 : i32
    %cond3A_20 = arith.cmpi ne, %convert_element_type3A_19, %cond3A : i32
    scf.if %cond3A_20 {
      %broadcast_in_dim3A_33 = arith.constant 0.000000e+00 : f32
      %broadcast_in_dim3A_34 = vector.broadcast %broadcast_in_dim3A_33 : f32 to vector<2x128xf32>
      %swap3A_35 = arith.constant 0 : index
      %swap3A_36 = arith.constant 0 : index
      %swap3A_37 = vector.load %arg6[%swap3A_35, %swap3A_36] : memref<2x128xf32, #tpu.memory_space<vmem>>, vector<2x128xf32>
      tpu.vector_store %arg6[%swap3A_35, %swap3A_36], %broadcast_in_dim3A_34 {strides = array<i32>} : memref<2x128xf32, #tpu.memory_space<vmem>>, vector<2x128xf32>,
    } else {
    }
    %reduce_sum3A = arith.constant dense<0.000000e+00> : vector<128xf32>
    %reduce_sum3A_21 = vector.multi_reduction <add>, %add3A_15, %reduce_sum3A [0] : vector<2048x128xf32> to vector<128xf32>
    %broadcast_in_dim3A_22 = vector.shape_cast %reduce_sum3A_21 : vector<128xf32> to vector<1x128xf32>
    %mul3A = arith.mulf %add3A_15, %add3A_15 : vector<2048x128xf32>
    %reduce_sum3A_23 = arith.constant dense<0.000000e+00> : vector<128xf32>
    %reduce_sum3A_24 = vector.multi_reduction <add>, %mul3A, %reduce_sum3A_23 [0] : vector<2048x128xf32> to vector<128xf32>
    %broadcast_in_dim3A_25 = vector.shape_cast %reduce_sum3A_24 : vector<128xf32> to vector<1x128xf32>
    %get3A_26 = arith.constant 0 : index
    %get3A_27 = arith.constant 0 : index
    %get3A_28 = vector.load %arg6[%get3A_26, %get3A_27] : memref<2x128xf32, #tpu.memory_space<vmem>>, vector<2x128xf32>
    %concatenate3A = tpu.concatenate %broadcast_in_dim3A_22, %broadcast_in_dim3A_25 in 0 : vector<1x128xf32>, vector<1x128xf32> -> vector<2x128xf32>
    %add3A_29 = arith.addf %get3A_28, %concatenate3A : vector<2x128xf32>
    %swap3A_30 = arith.constant 0 : index
    %swap3A_31 = arith.constant 0 : index
    %swap3A_32 = vector.load %arg6[%swap3A_30, %swap3A_31] : memref<2x128xf32, #tpu.memory_space<vmem>>, vector<2x128xf32>
    tpu.vector_store %arg6[%swap3A_30, %swap3A_31], %add3A_29 {strides = array<i32>} : memref<2x128xf32, #tpu.memory_space<vmem>>, vector<2x128xf32>,
    return
  }
  func.func @transform_0(%arg0: i32) -> (i32, i32) {
    %c0_i32 = arith.constant 0 : i32
    %c0_i32_0 = arith.constant 0 : i32
    return %arg0, %c0_i32 : i32, i32
  }
  func.func @transform_1(%arg0: i32) -> (i32, i32) {
    %c0_i32 = arith.constant 0 : i32
    %c0_i32_0 = arith.constant 0 : i32
    return %arg0, %c0_i32 : i32, i32
  }
  func.func @transform_2(%arg0: i32) -> (i32, i32) {
    %c0_i32 = arith.constant 0 : i32
    %c0_i32_0 = arith.constant 0 : i32
    %c0_i32_1 = arith.constant 0 : i32
    return %c0_i32, %c0_i32_0 : i32, i32
  }
  func.func @transform_3(%arg0: i32) -> (i32, i32) {
    %c0_i32 = arith.constant 0 : i32
    %c0_i32_0 = arith.constant 0 : i32
    %c0_i32_1 = arith.constant 0 : i32
    return %c0_i32, %c0_i32_0 : i32, i32
  }
  func.func @transform_4(%arg0: i32) -> (i32, i32) {
    %c0_i32 = arith.constant 0 : i32
    %c0_i32_0 = arith.constant 0 : i32
    return %arg0, %c0_i32 : i32, i32
  }
  func.func @transform_5(%arg0: i32) -> (i32, i32) {
    %c0_i32 = arith.constant 0 : i32
    %c0_i32_0 = arith.constant 0 : i32
    %c0_i32_1 = arith.constant 0 : i32
    return %c0_i32, %c0_i32_0 : i32, i32
  }
}

module attributes {stable_mosaic.version = 14 : i64} {
  func.func @body(%arg0: i32, %arg1: memref<2048x128xf32, #tpu.memory_space<vmem>>, %arg2: memref<2x128xf32, #tpu.memory_space<vmem>>, %arg3: memref<1x128xf32, #tpu.memory_space<vmem>>, %arg4: memref<1x128xf32, #tpu.memory_space<vmem>>, %arg5: memref<128x128xf32, #tpu.memory_space<vmem>>, %arg6: memref<1x128xf32, #tpu.memory_space<vmem>>, %arg7: memref<2048x128xf32, #tpu.memory_space<vmem>>, %arg8: memref<2x128xf32, #tpu.memory_space<vmem>>) attributes {dimension_semantics = [#tpu.dimension_semantics<arbitrary>], iteration_bounds = array<i64: 64>, scalar_prefetch = 0 : i64, scratch_operands = 0 : i64, tpu.core_type = #tpu.core_type<tc>, window_params = [{transform_indices = @transform_0, window_bounds = array<i64: 2048, 128>}, {pipeline_mode = #tpu.pipeline_mode<synchronous>, transform_indices = @transform_1, window_bounds = array<i64: 2, 128>}, {pipeline_mode = #tpu.pipeline_mode<synchronous>, transform_indices = @transform_2, window_bounds = array<i64: 1, 128>}, {pipeline_mode = #tpu.pipeline_mode<synchronous>, transform_indices = @transform_3, window_bounds = array<i64: 1, 128>}, {pipeline_mode = #tpu.pipeline_mode<synchronous>, transform_indices = @transform_4, window_bounds = array<i64: 128, 128>}, {pipeline_mode = #tpu.pipeline_mode<synchronous>, transform_indices = @transform_5, window_bounds = array<i64: 1, 128>}, {transform_indices = @transform_6, window_bounds = array<i64: 2048, 128>}, {pipeline_mode = #tpu.pipeline_mode<synchronous>, transform_indices = @transform_7, window_bounds = array<i64: 2, 128>}]} {
    %get3A = arith.constant 0 : index
    %get3A_0 = arith.constant 0 : index
    %get3A_1 = vector.load %arg1[%get3A, %get3A_0] : memref<2048x128xf32, #tpu.memory_space<vmem>>, vector<2048x128xf32>
    %get3A_2 = arith.constant 0 : index
    %get3A_3 = arith.constant 0 : index
    %get3A_4 = vector.load %arg2[%get3A_2, %get3A_3] : memref<2x128xf32, #tpu.memory_space<vmem>>, vector<2x128xf32>
    %get3A_5 = arith.constant 0 : index
    %get3A_6 = arith.constant 0 : index
    %get3A_7 = vector.load %arg3[%get3A_5, %get3A_6] : memref<1x128xf32, #tpu.memory_space<vmem>>, vector<1x128xf32>
    %get3A_8 = arith.constant 0 : index
    %get3A_9 = arith.constant 0 : index
    %get3A_10 = vector.load %arg4[%get3A_8, %get3A_9] : memref<1x128xf32, #tpu.memory_space<vmem>>, vector<1x128xf32>
    %slice3A = vector.extract_strided_slice %get3A_4 {offsets = [0, 0], sizes = [1, 128], strides = [1, 1]} : vector<2x128xf32> to vector<1x128xf32>
    %div3A = arith.constant 1.310720e+05 : f32
    %div3A_11 = vector.broadcast %div3A : f32 to vector<1x128xf32>
    %div3A_12 = arith.divf %slice3A, %div3A_11 : vector<1x128xf32>
    %slice3A_13 = vector.extract_strided_slice %get3A_4 {offsets = [1, 0], sizes = [1, 128], strides = [1, 1]} : vector<2x128xf32> to vector<1x128xf32>
    %div3A_14 = arith.constant 1.310720e+05 : f32
    %div3A_15 = vector.broadcast %div3A_14 : f32 to vector<1x128xf32>
    %div3A_16 = arith.divf %slice3A_13, %div3A_15 : vector<1x128xf32>
    %mul3A = arith.mulf %div3A_12, %div3A_12 : vector<1x128xf32>
    %sub3A = arith.subf %div3A_16, %mul3A : vector<1x128xf32>
    %add3A = arith.constant 9.99999974E-6 : f32
    %add3A_17 = vector.broadcast %add3A : f32 to vector<1x128xf32>
    %add3A_18 = arith.addf %sub3A, %add3A_17 : vector<1x128xf32>
    %rsqrt3A = math.rsqrt %add3A_18 : vector<1x128xf32>
    %mul3A_19 = arith.mulf %get3A_7, %rsqrt3A : vector<1x128xf32>
    %sub3A_20 = vector.broadcast %div3A_12 : vector<1x128xf32> to vector<2048x128xf32>
    %sub3A_21 = arith.subf %get3A_1, %sub3A_20 : vector<2048x128xf32>
    %mul3A_22 = vector.broadcast %mul3A_19 : vector<1x128xf32> to vector<2048x128xf32>
    %mul3A_23 = arith.mulf %sub3A_21, %mul3A_22 : vector<2048x128xf32>
    %add3A_24 = vector.broadcast %get3A_10 : vector<1x128xf32> to vector<2048x128xf32>
    %add3A_25 = arith.addf %mul3A_23, %add3A_24 : vector<2048x128xf32>
    %max3A = arith.constant 0.000000e+00 : f32
    %max3A_26 = vector.broadcast %max3A : f32 to vector<2048x128xf32>
    %max3A_27 = arith.maximumf %add3A_25, %max3A_26 : vector<2048x128xf32>
    %convert_element_type3A = arith.truncf %max3A_27 : vector<2048x128xf32> to vector<2048x128xbf16>
    %get3A_28 = arith.constant 0 : index
    %get3A_29 = arith.constant 0 : index
    %get3A_30 = vector.load %arg5[%get3A_28, %get3A_29] : memref<128x128xf32, #tpu.memory_space<vmem>>, vector<128x128xf32>
    %convert_element_type3A_31 = arith.truncf %get3A_30 : vector<128x128xf32> to vector<128x128xbf16>
    %dot_general3A = arith.constant dense<0.000000e+00> : vector<2048x128xf32>
    %dot_general3A_32 = tpu.matmul %convert_element_type3A, %convert_element_type3A_31, %dot_general3A {dimension_numbers = #tpu.dot_dimension_numbers<[1], [0], [0], [1], [0, 0, 1, 1], [], []>, transpose_lhs_hint = false} : vector<2048x128xbf16>, vector<128x128xbf16>, vector<2048x128xf32> -> vector<2048x128xf32>
    %get3A_33 = arith.constant 0 : index
    %get3A_34 = arith.constant 0 : index
    %get3A_35 = vector.load %arg6[%get3A_33, %get3A_34] : memref<1x128xf32, #tpu.memory_space<vmem>>, vector<1x128xf32>
    %add3A_36 = vector.broadcast %get3A_35 : vector<1x128xf32> to vector<2048x128xf32>
    %add3A_37 = arith.addf %dot_general3A_32, %add3A_36 : vector<2048x128xf32>
    %swap3A = arith.constant 0 : index
    %swap3A_38 = arith.constant 0 : index
    %swap3A_39 = vector.load %arg7[%swap3A, %swap3A_38] : memref<2048x128xf32, #tpu.memory_space<vmem>>, vector<2048x128xf32>
    tpu.vector_store %arg7[%swap3A, %swap3A_38], %add3A_37 {strides = array<i32>} : memref<2048x128xf32, #tpu.memory_space<vmem>>, vector<2048x128xf32>,
    %eq3A = arith.constant 0 : i32
    %eq3A_40 = arith.cmpi eq, %arg0, %eq3A : i32
    %convert_element_type3A_41 = arith.extui %eq3A_40 : i1 to i32
    %cond3A = arith.constant 0 : i32
    %cond3A_42 = arith.cmpi ne, %convert_element_type3A_41, %cond3A : i32
    scf.if %cond3A_42 {
      %broadcast_in_dim3A_55 = arith.constant 0.000000e+00 : f32
      %broadcast_in_dim3A_56 = vector.broadcast %broadcast_in_dim3A_55 : f32 to vector<2x128xf32>
      %swap3A_57 = arith.constant 0 : index
      %swap3A_58 = arith.constant 0 : index
      %swap3A_59 = vector.load %arg8[%swap3A_57, %swap3A_58] : memref<2x128xf32, #tpu.memory_space<vmem>>, vector<2x128xf32>
      tpu.vector_store %arg8[%swap3A_57, %swap3A_58], %broadcast_in_dim3A_56 {strides = array<i32>} : memref<2x128xf32, #tpu.memory_space<vmem>>, vector<2x128xf32>,
    } else {
    }
    %reduce_sum3A = arith.constant dense<0.000000e+00> : vector<128xf32>
    %reduce_sum3A_43 = vector.multi_reduction <add>, %add3A_37, %reduce_sum3A [0] : vector<2048x128xf32> to vector<128xf32>
    %broadcast_in_dim3A = vector.shape_cast %reduce_sum3A_43 : vector<128xf32> to vector<1x128xf32>
    %mul3A_44 = arith.mulf %add3A_37, %add3A_37 : vector<2048x128xf32>
    %reduce_sum3A_45 = arith.constant dense<0.000000e+00> : vector<128xf32>
    %reduce_sum3A_46 = vector.multi_reduction <add>, %mul3A_44, %reduce_sum3A_45 [0] : vector<2048x128xf32> to vector<128xf32>
    %broadcast_in_dim3A_47 = vector.shape_cast %reduce_sum3A_46 : vector<128xf32> to vector<1x128xf32>
    %get3A_48 = arith.constant 0 : index
    %get3A_49 = arith.constant 0 : index
    %get3A_50 = vector.load %arg8[%get3A_48, %get3A_49] : memref<2x128xf32, #tpu.memory_space<vmem>>, vector<2x128xf32>
    %concatenate3A = tpu.concatenate %broadcast_in_dim3A, %broadcast_in_dim3A_47 in 0 : vector<1x128xf32>, vector<1x128xf32> -> vector<2x128xf32>
    %add3A_51 = arith.addf %get3A_50, %concatenate3A : vector<2x128xf32>
    %swap3A_52 = arith.constant 0 : index
    %swap3A_53 = arith.constant 0 : index
    %swap3A_54 = vector.load %arg8[%swap3A_52, %swap3A_53] : memref<2x128xf32, #tpu.memory_space<vmem>>, vector<2x128xf32>
    tpu.vector_store %arg8[%swap3A_52, %swap3A_53], %add3A_51 {strides = array<i32>} : memref<2x128xf32, #tpu.memory_space<vmem>>, vector<2x128xf32>,
    return
  }
  func.func @transform_0(%arg0: i32) -> (i32, i32) {
    %c0_i32 = arith.constant 0 : i32
    %c0_i32_0 = arith.constant 0 : i32
    return %arg0, %c0_i32 : i32, i32
  }
  func.func @transform_1(%arg0: i32) -> (i32, i32) {
    %c0_i32 = arith.constant 0 : i32
    %c0_i32_0 = arith.constant 0 : i32
    %c0_i32_1 = arith.constant 0 : i32
    return %c0_i32, %c0_i32_0 : i32, i32
  }
  func.func @transform_2(%arg0: i32) -> (i32, i32) {
    %c0_i32 = arith.constant 0 : i32
    %c0_i32_0 = arith.constant 0 : i32
    %c0_i32_1 = arith.constant 0 : i32
    return %c0_i32, %c0_i32_0 : i32, i32
  }
  func.func @transform_3(%arg0: i32) -> (i32, i32) {
    %c0_i32 = arith.constant 0 : i32
    %c0_i32_0 = arith.constant 0 : i32
    %c0_i32_1 = arith.constant 0 : i32
    return %c0_i32, %c0_i32_0 : i32, i32
  }
  func.func @transform_4(%arg0: i32) -> (i32, i32) {
    %c0_i32 = arith.constant 0 : i32
    %c0_i32_0 = arith.constant 0 : i32
    %c0_i32_1 = arith.constant 0 : i32
    return %c0_i32, %c0_i32_0 : i32, i32
  }
  func.func @transform_5(%arg0: i32) -> (i32, i32) {
    %c0_i32 = arith.constant 0 : i32
    %c0_i32_0 = arith.constant 0 : i32
    %c0_i32_1 = arith.constant 0 : i32
    return %c0_i32, %c0_i32_0 : i32, i32
  }
  func.func @transform_6(%arg0: i32) -> (i32, i32) {
    %c0_i32 = arith.constant 0 : i32
    %c0_i32_0 = arith.constant 0 : i32
    return %arg0, %c0_i32 : i32, i32
  }
  func.func @transform_7(%arg0: i32) -> (i32, i32) {
    %c0_i32 = arith.constant 0 : i32
    %c0_i32_0 = arith.constant 0 : i32
    %c0_i32_1 = arith.constant 0 : i32
    return %c0_i32, %c0_i32_0 : i32, i32
  }
}

module attributes {stable_mosaic.version = 14 : i64} {
  func.func @body(%arg0: i32, %arg1: memref<2048x128xf32, #tpu.memory_space<vmem>>, %arg2: memref<2x128xf32, #tpu.memory_space<vmem>>, %arg3: memref<1x128xf32, #tpu.memory_space<vmem>>, %arg4: memref<1x128xf32, #tpu.memory_space<vmem>>, %arg5: memref<128x256xf32, #tpu.memory_space<vmem>>, %arg6: memref<1x256xf32, #tpu.memory_space<vmem>>, %arg7: memref<2x256xf32, #tpu.memory_space<vmem>>) attributes {dimension_semantics = [#tpu.dimension_semantics<arbitrary>], iteration_bounds = array<i64: 64>, scalar_prefetch = 0 : i64, scratch_operands = 0 : i64, tpu.core_type = #tpu.core_type<tc>, window_params = [{transform_indices = @transform_0, window_bounds = array<i64: 2048, 128>}, {pipeline_mode = #tpu.pipeline_mode<synchronous>, transform_indices = @transform_1, window_bounds = array<i64: 2, 128>}, {pipeline_mode = #tpu.pipeline_mode<synchronous>, transform_indices = @transform_2, window_bounds = array<i64: 1, 128>}, {pipeline_mode = #tpu.pipeline_mode<synchronous>, transform_indices = @transform_3, window_bounds = array<i64: 1, 128>}, {pipeline_mode = #tpu.pipeline_mode<synchronous>, transform_indices = @transform_4, window_bounds = array<i64: 128, 256>}, {pipeline_mode = #tpu.pipeline_mode<synchronous>, transform_indices = @transform_5, window_bounds = array<i64: 1, 256>}, {pipeline_mode = #tpu.pipeline_mode<synchronous>, transform_indices = @transform_6, window_bounds = array<i64: 2, 256>}]} {
    %get3A = arith.constant 0 : index
    %get3A_0 = arith.constant 0 : index
    %get3A_1 = vector.load %arg1[%get3A, %get3A_0] : memref<2048x128xf32, #tpu.memory_space<vmem>>, vector<2048x128xf32>
    %get3A_2 = arith.constant 0 : index
    %get3A_3 = arith.constant 0 : index
    %get3A_4 = vector.load %arg2[%get3A_2, %get3A_3] : memref<2x128xf32, #tpu.memory_space<vmem>>, vector<2x128xf32>
    %get3A_5 = arith.constant 0 : index
    %get3A_6 = arith.constant 0 : index
    %get3A_7 = vector.load %arg3[%get3A_5, %get3A_6] : memref<1x128xf32, #tpu.memory_space<vmem>>, vector<1x128xf32>
    %get3A_8 = arith.constant 0 : index
    %get3A_9 = arith.constant 0 : index
    %get3A_10 = vector.load %arg4[%get3A_8, %get3A_9] : memref<1x128xf32, #tpu.memory_space<vmem>>, vector<1x128xf32>
    %slice3A = vector.extract_strided_slice %get3A_4 {offsets = [0, 0], sizes = [1, 128], strides = [1, 1]} : vector<2x128xf32> to vector<1x128xf32>
    %div3A = arith.constant 1.310720e+05 : f32
    %div3A_11 = vector.broadcast %div3A : f32 to vector<1x128xf32>
    %div3A_12 = arith.divf %slice3A, %div3A_11 : vector<1x128xf32>
    %slice3A_13 = vector.extract_strided_slice %get3A_4 {offsets = [1, 0], sizes = [1, 128], strides = [1, 1]} : vector<2x128xf32> to vector<1x128xf32>
    %div3A_14 = arith.constant 1.310720e+05 : f32
    %div3A_15 = vector.broadcast %div3A_14 : f32 to vector<1x128xf32>
    %div3A_16 = arith.divf %slice3A_13, %div3A_15 : vector<1x128xf32>
    %mul3A = arith.mulf %div3A_12, %div3A_12 : vector<1x128xf32>
    %sub3A = arith.subf %div3A_16, %mul3A : vector<1x128xf32>
    %add3A = arith.constant 9.99999974E-6 : f32
    %add3A_17 = vector.broadcast %add3A : f32 to vector<1x128xf32>
    %add3A_18 = arith.addf %sub3A, %add3A_17 : vector<1x128xf32>
    %rsqrt3A = math.rsqrt %add3A_18 : vector<1x128xf32>
    %mul3A_19 = arith.mulf %get3A_7, %rsqrt3A : vector<1x128xf32>
    %sub3A_20 = vector.broadcast %div3A_12 : vector<1x128xf32> to vector<2048x128xf32>
    %sub3A_21 = arith.subf %get3A_1, %sub3A_20 : vector<2048x128xf32>
    %mul3A_22 = vector.broadcast %mul3A_19 : vector<1x128xf32> to vector<2048x128xf32>
    %mul3A_23 = arith.mulf %sub3A_21, %mul3A_22 : vector<2048x128xf32>
    %add3A_24 = vector.broadcast %get3A_10 : vector<1x128xf32> to vector<2048x128xf32>
    %add3A_25 = arith.addf %mul3A_23, %add3A_24 : vector<2048x128xf32>
    %max3A = arith.constant 0.000000e+00 : f32
    %max3A_26 = vector.broadcast %max3A : f32 to vector<2048x128xf32>
    %max3A_27 = arith.maximumf %add3A_25, %max3A_26 : vector<2048x128xf32>
    %convert_element_type3A = arith.truncf %max3A_27 : vector<2048x128xf32> to vector<2048x128xbf16>
    %get3A_28 = arith.constant 0 : index
    %get3A_29 = arith.constant 0 : index
    %get3A_30 = vector.load %arg5[%get3A_28, %get3A_29] : memref<128x256xf32, #tpu.memory_space<vmem>>, vector<128x256xf32>
    %convert_element_type3A_31 = arith.truncf %get3A_30 : vector<128x256xf32> to vector<128x256xbf16>
    %dot_general3A = arith.constant dense<0.000000e+00> : vector<2048x256xf32>
    %dot_general3A_32 = tpu.matmul %convert_element_type3A, %convert_element_type3A_31, %dot_general3A {dimension_numbers = #tpu.dot_dimension_numbers<[1], [0], [0], [1], [0, 0, 1, 1], [], []>, transpose_lhs_hint = false} : vector<2048x128xbf16>, vector<128x256xbf16>, vector<2048x256xf32> -> vector<2048x256xf32>
    %get3A_33 = arith.constant 0 : index
    %get3A_34 = arith.constant 0 : index
    %get3A_35 = vector.load %arg6[%get3A_33, %get3A_34] : memref<1x256xf32, #tpu.memory_space<vmem>>, vector<1x256xf32>
    %add3A_36 = vector.broadcast %get3A_35 : vector<1x256xf32> to vector<2048x256xf32>
    %add3A_37 = arith.addf %dot_general3A_32, %add3A_36 : vector<2048x256xf32>
    %eq3A = arith.constant 0 : i32
    %eq3A_38 = arith.cmpi eq, %arg0, %eq3A : i32
    %convert_element_type3A_39 = arith.extui %eq3A_38 : i1 to i32
    %cond3A = arith.constant 0 : i32
    %cond3A_40 = arith.cmpi ne, %convert_element_type3A_39, %cond3A : i32
    scf.if %cond3A_40 {
      %broadcast_in_dim3A_52 = arith.constant 0.000000e+00 : f32
      %broadcast_in_dim3A_53 = vector.broadcast %broadcast_in_dim3A_52 : f32 to vector<2x256xf32>
      %swap3A_54 = arith.constant 0 : index
      %swap3A_55 = arith.constant 0 : index
      %swap3A_56 = vector.load %arg7[%swap3A_54, %swap3A_55] : memref<2x256xf32, #tpu.memory_space<vmem>>, vector<2x256xf32>
      tpu.vector_store %arg7[%swap3A_54, %swap3A_55], %broadcast_in_dim3A_53 {strides = array<i32>} : memref<2x256xf32, #tpu.memory_space<vmem>>, vector<2x256xf32>,
    } else {
    }
    %reduce_sum3A = arith.constant dense<0.000000e+00> : vector<256xf32>
    %reduce_sum3A_41 = vector.multi_reduction <add>, %add3A_37, %reduce_sum3A [0] : vector<2048x256xf32> to vector<256xf32>
    %broadcast_in_dim3A = vector.shape_cast %reduce_sum3A_41 : vector<256xf32> to vector<1x256xf32>
    %mul3A_42 = arith.mulf %add3A_37, %add3A_37 : vector<2048x256xf32>
    %reduce_sum3A_43 = arith.constant dense<0.000000e+00> : vector<256xf32>
    %reduce_sum3A_44 = vector.multi_reduction <add>, %mul3A_42, %reduce_sum3A_43 [0] : vector<2048x256xf32> to vector<256xf32>
    %broadcast_in_dim3A_45 = vector.shape_cast %reduce_sum3A_44 : vector<256xf32> to vector<1x256xf32>
    %get3A_46 = arith.constant 0 : index
    %get3A_47 = arith.constant 0 : index
    %get3A_48 = vector.load %arg7[%get3A_46, %get3A_47] : memref<2x256xf32, #tpu.memory_space<vmem>>, vector<2x256xf32>
    %concatenate3A = tpu.concatenate %broadcast_in_dim3A, %broadcast_in_dim3A_45 in 0 : vector<1x256xf32>, vector<1x256xf32> -> vector<2x256xf32>
    %add3A_49 = arith.addf %get3A_48, %concatenate3A : vector<2x256xf32>
    %swap3A = arith.constant 0 : index
    %swap3A_50 = arith.constant 0 : index
    %swap3A_51 = vector.load %arg7[%swap3A, %swap3A_50] : memref<2x256xf32, #tpu.memory_space<vmem>>, vector<2x256xf32>
    tpu.vector_store %arg7[%swap3A, %swap3A_50], %add3A_49 {strides = array<i32>} : memref<2x256xf32, #tpu.memory_space<vmem>>, vector<2x256xf32>,
    return
  }
  func.func @transform_0(%arg0: i32) -> (i32, i32) {
    %c0_i32 = arith.constant 0 : i32
    %c0_i32_0 = arith.constant 0 : i32
    return %arg0, %c0_i32 : i32, i32
  }
  func.func @transform_1(%arg0: i32) -> (i32, i32) {
    %c0_i32 = arith.constant 0 : i32
    %c0_i32_0 = arith.constant 0 : i32
    %c0_i32_1 = arith.constant 0 : i32
    return %c0_i32, %c0_i32_0 : i32, i32
  }
  func.func @transform_2(%arg0: i32) -> (i32, i32) {
    %c0_i32 = arith.constant 0 : i32
    %c0_i32_0 = arith.constant 0 : i32
    %c0_i32_1 = arith.constant 0 : i32
    return %c0_i32, %c0_i32_0 : i32, i32
  }
  func.func @transform_3(%arg0: i32) -> (i32, i32) {
    %c0_i32 = arith.constant 0 : i32
    %c0_i32_0 = arith.constant 0 : i32
    %c0_i32_1 = arith.constant 0 : i32
    return %c0_i32, %c0_i32_0 : i32, i32
  }
  func.func @transform_4(%arg0: i32) -> (i32, i32) {
    %c0_i32 = arith.constant 0 : i32
    %c0_i32_0 = arith.constant 0 : i32
    %c0_i32_1 = arith.constant 0 : i32
    return %c0_i32, %c0_i32_0 : i32, i32
  }
  func.func @transform_5(%arg0: i32) -> (i32, i32) {
    %c0_i32 = arith.constant 0 : i32
    %c0_i32_0 = arith.constant 0 : i32
    %c0_i32_1 = arith.constant 0 : i32
    return %c0_i32, %c0_i32_0 : i32, i32
  }
  func.func @transform_6(%arg0: i32) -> (i32, i32) {
    %c0_i32 = arith.constant 0 : i32
    %c0_i32_0 = arith.constant 0 : i32
    %c0_i32_1 = arith.constant 0 : i32
    return %c0_i32, %c0_i32_0 : i32, i32
  }
}

module attributes {stable_mosaic.version = 14 : i64} {
  func.func @body(%arg0: i32, %arg1: memref<2048x128xf32, #tpu.memory_space<vmem>>, %arg2: memref<2x128xf32, #tpu.memory_space<vmem>>, %arg3: memref<1x128xf32, #tpu.memory_space<vmem>>, %arg4: memref<1x128xf32, #tpu.memory_space<vmem>>, %arg5: memref<128x256xf32, #tpu.memory_space<vmem>>, %arg6: memref<1x256xf32, #tpu.memory_space<vmem>>, %arg7: memref<2x256xf32, #tpu.memory_space<vmem>>, %arg8: memref<1x256xf32, #tpu.memory_space<vmem>>, %arg9: memref<1x256xf32, #tpu.memory_space<vmem>>, %arg10: memref<32x256xf32, #tpu.memory_space<vmem>>) attributes {dimension_semantics = [#tpu.dimension_semantics<arbitrary>], iteration_bounds = array<i64: 64>, scalar_prefetch = 0 : i64, scratch_operands = 0 : i64, tpu.core_type = #tpu.core_type<tc>, window_params = [{transform_indices = @transform_0, window_bounds = array<i64: 2048, 128>}, {pipeline_mode = #tpu.pipeline_mode<synchronous>, transform_indices = @transform_1, window_bounds = array<i64: 2, 128>}, {pipeline_mode = #tpu.pipeline_mode<synchronous>, transform_indices = @transform_2, window_bounds = array<i64: 1, 128>}, {pipeline_mode = #tpu.pipeline_mode<synchronous>, transform_indices = @transform_3, window_bounds = array<i64: 1, 128>}, {pipeline_mode = #tpu.pipeline_mode<synchronous>, transform_indices = @transform_4, window_bounds = array<i64: 128, 256>}, {pipeline_mode = #tpu.pipeline_mode<synchronous>, transform_indices = @transform_5, window_bounds = array<i64: 1, 256>}, {pipeline_mode = #tpu.pipeline_mode<synchronous>, transform_indices = @transform_6, window_bounds = array<i64: 2, 256>}, {pipeline_mode = #tpu.pipeline_mode<synchronous>, transform_indices = @transform_7, window_bounds = array<i64: 1, 256>}, {pipeline_mode = #tpu.pipeline_mode<synchronous>, transform_indices = @transform_8, window_bounds = array<i64: 1, 256>}, {transform_indices = @transform_9, window_bounds = array<i64: 32, 256>}]} {
    %get3A = arith.constant 0 : index
    %get3A_0 = arith.constant 0 : index
    %get3A_1 = vector.load %arg1[%get3A, %get3A_0] : memref<2048x128xf32, #tpu.memory_space<vmem>>, vector<2048x128xf32>
    %get3A_2 = arith.constant 0 : index
    %get3A_3 = arith.constant 0 : index
    %get3A_4 = vector.load %arg2[%get3A_2, %get3A_3] : memref<2x128xf32, #tpu.memory_space<vmem>>, vector<2x128xf32>
    %get3A_5 = arith.constant 0 : index
    %get3A_6 = arith.constant 0 : index
    %get3A_7 = vector.load %arg3[%get3A_5, %get3A_6] : memref<1x128xf32, #tpu.memory_space<vmem>>, vector<1x128xf32>
    %get3A_8 = arith.constant 0 : index
    %get3A_9 = arith.constant 0 : index
    %get3A_10 = vector.load %arg4[%get3A_8, %get3A_9] : memref<1x128xf32, #tpu.memory_space<vmem>>, vector<1x128xf32>
    %slice3A = vector.extract_strided_slice %get3A_4 {offsets = [0, 0], sizes = [1, 128], strides = [1, 1]} : vector<2x128xf32> to vector<1x128xf32>
    %div3A = arith.constant 1.310720e+05 : f32
    %div3A_11 = vector.broadcast %div3A : f32 to vector<1x128xf32>
    %div3A_12 = arith.divf %slice3A, %div3A_11 : vector<1x128xf32>
    %slice3A_13 = vector.extract_strided_slice %get3A_4 {offsets = [1, 0], sizes = [1, 128], strides = [1, 1]} : vector<2x128xf32> to vector<1x128xf32>
    %div3A_14 = arith.constant 1.310720e+05 : f32
    %div3A_15 = vector.broadcast %div3A_14 : f32 to vector<1x128xf32>
    %div3A_16 = arith.divf %slice3A_13, %div3A_15 : vector<1x128xf32>
    %mul3A = arith.mulf %div3A_12, %div3A_12 : vector<1x128xf32>
    %sub3A = arith.subf %div3A_16, %mul3A : vector<1x128xf32>
    %add3A = arith.constant 9.99999974E-6 : f32
    %add3A_17 = vector.broadcast %add3A : f32 to vector<1x128xf32>
    %add3A_18 = arith.addf %sub3A, %add3A_17 : vector<1x128xf32>
    %rsqrt3A = math.rsqrt %add3A_18 : vector<1x128xf32>
    %mul3A_19 = arith.mulf %get3A_7, %rsqrt3A : vector<1x128xf32>
    %sub3A_20 = vector.broadcast %div3A_12 : vector<1x128xf32> to vector<2048x128xf32>
    %sub3A_21 = arith.subf %get3A_1, %sub3A_20 : vector<2048x128xf32>
    %mul3A_22 = vector.broadcast %mul3A_19 : vector<1x128xf32> to vector<2048x128xf32>
    %mul3A_23 = arith.mulf %sub3A_21, %mul3A_22 : vector<2048x128xf32>
    %add3A_24 = vector.broadcast %get3A_10 : vector<1x128xf32> to vector<2048x128xf32>
    %add3A_25 = arith.addf %mul3A_23, %add3A_24 : vector<2048x128xf32>
    %max3A = arith.constant 0.000000e+00 : f32
    %max3A_26 = vector.broadcast %max3A : f32 to vector<2048x128xf32>
    %max3A_27 = arith.maximumf %add3A_25, %max3A_26 : vector<2048x128xf32>
    %convert_element_type3A = arith.truncf %max3A_27 : vector<2048x128xf32> to vector<2048x128xbf16>
    %get3A_28 = arith.constant 0 : index
    %get3A_29 = arith.constant 0 : index
    %get3A_30 = vector.load %arg5[%get3A_28, %get3A_29] : memref<128x256xf32, #tpu.memory_space<vmem>>, vector<128x256xf32>
    %convert_element_type3A_31 = arith.truncf %get3A_30 : vector<128x256xf32> to vector<128x256xbf16>
    %dot_general3A = arith.constant dense<0.000000e+00> : vector<2048x256xf32>
    %dot_general3A_32 = tpu.matmul %convert_element_type3A, %convert_element_type3A_31, %dot_general3A {dimension_numbers = #tpu.dot_dimension_numbers<[1], [0], [0], [1], [0, 0, 1, 1], [], []>, transpose_lhs_hint = false} : vector<2048x128xbf16>, vector<128x256xbf16>, vector<2048x256xf32> -> vector<2048x256xf32>
    %get3A_33 = arith.constant 0 : index
    %get3A_34 = arith.constant 0 : index
    %get3A_35 = vector.load %arg6[%get3A_33, %get3A_34] : memref<1x256xf32, #tpu.memory_space<vmem>>, vector<1x256xf32>
    %add3A_36 = vector.broadcast %get3A_35 : vector<1x256xf32> to vector<2048x256xf32>
    %add3A_37 = arith.addf %dot_general3A_32, %add3A_36 : vector<2048x256xf32>
    %get3A_38 = arith.constant 0 : index
    %get3A_39 = arith.constant 0 : index
    %get3A_40 = vector.load %arg7[%get3A_38, %get3A_39] : memref<2x256xf32, #tpu.memory_space<vmem>>, vector<2x256xf32>
    %get3A_41 = arith.constant 0 : index
    %get3A_42 = arith.constant 0 : index
    %get3A_43 = vector.load %arg8[%get3A_41, %get3A_42] : memref<1x256xf32, #tpu.memory_space<vmem>>, vector<1x256xf32>
    %get3A_44 = arith.constant 0 : index
    %get3A_45 = arith.constant 0 : index
    %get3A_46 = vector.load %arg9[%get3A_44, %get3A_45] : memref<1x256xf32, #tpu.memory_space<vmem>>, vector<1x256xf32>
    %slice3A_47 = vector.extract_strided_slice %get3A_40 {offsets = [0, 0], sizes = [1, 256], strides = [1, 1]} : vector<2x256xf32> to vector<1x256xf32>
    %div3A_48 = arith.constant 1.310720e+05 : f32
    %div3A_49 = vector.broadcast %div3A_48 : f32 to vector<1x256xf32>
    %div3A_50 = arith.divf %slice3A_47, %div3A_49 : vector<1x256xf32>
    %slice3A_51 = vector.extract_strided_slice %get3A_40 {offsets = [1, 0], sizes = [1, 256], strides = [1, 1]} : vector<2x256xf32> to vector<1x256xf32>
    %div3A_52 = arith.constant 1.310720e+05 : f32
    %div3A_53 = vector.broadcast %div3A_52 : f32 to vector<1x256xf32>
    %div3A_54 = arith.divf %slice3A_51, %div3A_53 : vector<1x256xf32>
    %mul3A_55 = arith.mulf %div3A_50, %div3A_50 : vector<1x256xf32>
    %sub3A_56 = arith.subf %div3A_54, %mul3A_55 : vector<1x256xf32>
    %add3A_57 = arith.constant 9.99999974E-6 : f32
    %add3A_58 = vector.broadcast %add3A_57 : f32 to vector<1x256xf32>
    %add3A_59 = arith.addf %sub3A_56, %add3A_58 : vector<1x256xf32>
    %rsqrt3A_60 = math.rsqrt %add3A_59 : vector<1x256xf32>
    %mul3A_61 = arith.mulf %get3A_43, %rsqrt3A_60 : vector<1x256xf32>
    %sub3A_62 = vector.broadcast %div3A_50 : vector<1x256xf32> to vector<2048x256xf32>
    %sub3A_63 = arith.subf %add3A_37, %sub3A_62 : vector<2048x256xf32>
    %mul3A_64 = vector.broadcast %mul3A_61 : vector<1x256xf32> to vector<2048x256xf32>
    %mul3A_65 = arith.mulf %sub3A_63, %mul3A_64 : vector<2048x256xf32>
    %add3A_66 = vector.broadcast %get3A_46 : vector<1x256xf32> to vector<2048x256xf32>
    %add3A_67 = arith.addf %mul3A_65, %add3A_66 : vector<2048x256xf32>
    %max3A_68 = arith.constant 0.000000e+00 : f32
    %max3A_69 = vector.broadcast %max3A_68 : f32 to vector<2048x256xf32>
    %max3A_70 = arith.maximumf %add3A_67, %max3A_69 : vector<2048x256xf32>
    %reshape3A = vector.shape_cast %max3A_70 : vector<2048x256xf32> to vector<32x64x256xf32>
    %reduce_max3A = arith.constant dense<0xFF800000> : vector<32x256xf32>
    %reduce_max3A_71 = vector.multi_reduction <maximumf>, %reshape3A, %reduce_max3A [1] : vector<32x64x256xf32> to vector<32x256xf32>
    %swap3A = arith.constant 0 : index
    %swap3A_72 = arith.constant 0 : index
    %swap3A_73 = vector.load %arg10[%swap3A, %swap3A_72] : memref<32x256xf32, #tpu.memory_space<vmem>>, vector<32x256xf32>
    tpu.vector_store %arg10[%swap3A, %swap3A_72], %reduce_max3A_71 {strides = array<i32>} : memref<32x256xf32, #tpu.memory_space<vmem>>, vector<32x256xf32>,
    return
  }
  func.func @transform_0(%arg0: i32) -> (i32, i32) {
    %c0_i32 = arith.constant 0 : i32
    %c0_i32_0 = arith.constant 0 : i32
    return %arg0, %c0_i32 : i32, i32
  }
  func.func @transform_1(%arg0: i32) -> (i32, i32) {
    %c0_i32 = arith.constant 0 : i32
    %c0_i32_0 = arith.constant 0 : i32
    %c0_i32_1 = arith.constant 0 : i32
    return %c0_i32, %c0_i32_0 : i32, i32
  }
  func.func @transform_2(%arg0: i32) -> (i32, i32) {
    %c0_i32 = arith.constant 0 : i32
    %c0_i32_0 = arith.constant 0 : i32
    %c0_i32_1 = arith.constant 0 : i32
    return %c0_i32, %c0_i32_0 : i32, i32
  }
  func.func @transform_3(%arg0: i32) -> (i32, i32) {
    %c0_i32 = arith.constant 0 : i32
    %c0_i32_0 = arith.constant 0 : i32
    %c0_i32_1 = arith.constant 0 : i32
    return %c0_i32, %c0_i32_0 : i32, i32
  }
  func.func @transform_4(%arg0: i32) -> (i32, i32) {
    %c0_i32 = arith.constant 0 : i32
    %c0_i32_0 = arith.constant 0 : i32
    %c0_i32_1 = arith.constant 0 : i32
    return %c0_i32, %c0_i32_0 : i32, i32
  }
  func.func @transform_5(%arg0: i32) -> (i32, i32) {
    %c0_i32 = arith.constant 0 : i32
    %c0_i32_0 = arith.constant 0 : i32
    %c0_i32_1 = arith.constant 0 : i32
    return %c0_i32, %c0_i32_0 : i32, i32
  }
  func.func @transform_6(%arg0: i32) -> (i32, i32) {
    %c0_i32 = arith.constant 0 : i32
    %c0_i32_0 = arith.constant 0 : i32
    %c0_i32_1 = arith.constant 0 : i32
    return %c0_i32, %c0_i32_0 : i32, i32
  }
  func.func @transform_7(%arg0: i32) -> (i32, i32) {
    %c0_i32 = arith.constant 0 : i32
    %c0_i32_0 = arith.constant 0 : i32
    %c0_i32_1 = arith.constant 0 : i32
    return %c0_i32, %c0_i32_0 : i32, i32
  }
  func.func @transform_8(%arg0: i32) -> (i32, i32) {
    %c0_i32 = arith.constant 0 : i32
    %c0_i32_0 = arith.constant 0 : i32
    %c0_i32_1 = arith.constant 0 : i32
    return %c0_i32, %c0_i32_0 : i32, i32
  }
  func.func @transform_9(%arg0: i32) -> (i32, i32) {
    %c0_i32 = arith.constant 0 : i32
    %c0_i32_0 = arith.constant 0 : i32
    return %arg0, %c0_i32 : i32, i32
  }
}

module attributes {stable_mosaic.version = 14 : i64} {
  func.func @body(%arg0: memref<2048x259xf32, #tpu.memory_space<vmem>>, %arg1: memref<259x256xf32, #tpu.memory_space<vmem>>, %arg2: memref<1x256xf32, #tpu.memory_space<vmem>>, %arg3: memref<1x256xf32, #tpu.memory_space<vmem>>, %arg4: memref<1x256xf32, #tpu.memory_space<vmem>>, %arg5: memref<256x512xf32, #tpu.memory_space<vmem>>, %arg6: memref<1x512xf32, #tpu.memory_space<vmem>>, %arg7: memref<1x512xf32, #tpu.memory_space<vmem>>, %arg8: memref<1x512xf32, #tpu.memory_space<vmem>>, %arg9: memref<512x1024xf32, #tpu.memory_space<vmem>>, %arg10: memref<1x1024xf32, #tpu.memory_space<vmem>>, %arg11: memref<1x1024xf32, #tpu.memory_space<vmem>>, %arg12: memref<1x1024xf32, #tpu.memory_space<vmem>>, %arg13: memref<1024x512xf32, #tpu.memory_space<vmem>>, %arg14: memref<1x512xf32, #tpu.memory_space<vmem>>, %arg15: memref<1x512xf32, #tpu.memory_space<vmem>>, %arg16: memref<1x512xf32, #tpu.memory_space<vmem>>, %arg17: memref<512x256xf32, #tpu.memory_space<vmem>>, %arg18: memref<1x256xf32, #tpu.memory_space<vmem>>, %arg19: memref<1x256xf32, #tpu.memory_space<vmem>>, %arg20: memref<1x256xf32, #tpu.memory_space<vmem>>, %arg21: memref<256x40xf32, #tpu.memory_space<vmem>>, %arg22: memref<1x40xf32, #tpu.memory_space<vmem>>, %arg23: memref<16x40xf32, #tpu.memory_space<vmem>>, %arg24: memref<16x1024xf32, #tpu.memory_space<vmem>>) attributes {dimension_semantics = [], scalar_prefetch = 0 : i64, scratch_operands = 0 : i64, tpu.core_type = #tpu.core_type<tc>} {
    %get3A = arith.constant 0 : index
    %get3A_0 = arith.constant 0 : index
    %get3A_1 = vector.load %arg0[%get3A, %get3A_0] : memref<2048x259xf32, #tpu.memory_space<vmem>>, vector<2048x259xf32>
    %get3A_2 = arith.constant 0 : index
    %get3A_3 = arith.constant 0 : index
    %get3A_4 = vector.load %arg1[%get3A_2, %get3A_3] : memref<259x256xf32, #tpu.memory_space<vmem>>, vector<259x256xf32>
    %convert_element_type3A = arith.truncf %get3A_1 : vector<2048x259xf32> to vector<2048x259xbf16>
    %convert_element_type3A_5 = arith.truncf %get3A_4 : vector<259x256xf32> to vector<259x256xbf16>
    %dot_general3A = arith.constant dense<0.000000e+00> : vector<2048x256xf32>
    %dot_general3A_6 = tpu.matmul %convert_element_type3A, %convert_element_type3A_5, %dot_general3A {dimension_numbers = #tpu.dot_dimension_numbers<[1], [0], [0], [1], [0, 0, 1, 1], [], []>, transpose_lhs_hint = false} : vector<2048x259xbf16>, vector<259x256xbf16>, vector<2048x256xf32> -> vector<2048x256xf32>
    %get3A_7 = arith.constant 0 : index
    %get3A_8 = arith.constant 0 : index
    %get3A_9 = vector.load %arg2[%get3A_7, %get3A_8] : memref<1x256xf32, #tpu.memory_space<vmem>>, vector<1x256xf32>
    %add3A = vector.broadcast %get3A_9 : vector<1x256xf32> to vector<2048x256xf32>
    %add3A_10 = arith.addf %dot_general3A_6, %add3A : vector<2048x256xf32>
    %reduce_sum3A = arith.constant dense<0.000000e+00> : vector<256xf32>
    %reduce_sum3A_11 = vector.multi_reduction <add>, %add3A_10, %reduce_sum3A [0] : vector<2048x256xf32> to vector<256xf32>
    %broadcast_in_dim3A = vector.shape_cast %reduce_sum3A_11 : vector<256xf32> to vector<1x256xf32>
    %div3A = arith.constant 2.048000e+03 : f32
    %div3A_12 = vector.broadcast %div3A : f32 to vector<1x256xf32>
    %div3A_13 = arith.divf %broadcast_in_dim3A, %div3A_12 : vector<1x256xf32>
    %sub3A = vector.broadcast %div3A_13 : vector<1x256xf32> to vector<2048x256xf32>
    %sub3A_14 = arith.subf %add3A_10, %sub3A : vector<2048x256xf32>
    %sub3A_15 = vector.broadcast %div3A_13 : vector<1x256xf32> to vector<2048x256xf32>
    %sub3A_16 = arith.subf %add3A_10, %sub3A_15 : vector<2048x256xf32>
    %mul3A = arith.mulf %sub3A_14, %sub3A_16 : vector<2048x256xf32>
    %reduce_sum3A_17 = arith.constant dense<0.000000e+00> : vector<256xf32>
    %reduce_sum3A_18 = vector.multi_reduction <add>, %mul3A, %reduce_sum3A_17 [0] : vector<2048x256xf32> to vector<256xf32>
    %broadcast_in_dim3A_19 = vector.shape_cast %reduce_sum3A_18 : vector<256xf32> to vector<1x256xf32>
    %div3A_20 = arith.constant 2.048000e+03 : f32
    %div3A_21 = vector.broadcast %div3A_20 : f32 to vector<1x256xf32>
    %div3A_22 = arith.divf %broadcast_in_dim3A_19, %div3A_21 : vector<1x256xf32>
    %sub3A_23 = vector.broadcast %div3A_13 : vector<1x256xf32> to vector<2048x256xf32>
    %sub3A_24 = arith.subf %add3A_10, %sub3A_23 : vector<2048x256xf32>
    %get3A_25 = arith.constant 0 : index
    %get3A_26 = arith.constant 0 : index
    %get3A_27 = vector.load %arg3[%get3A_25, %get3A_26] : memref<1x256xf32, #tpu.memory_space<vmem>>, vector<1x256xf32>
    %add3A_28 = arith.constant 9.99999974E-6 : f32
    %add3A_29 = vector.broadcast %add3A_28 : f32 to vector<1x256xf32>
    %add3A_30 = arith.addf %div3A_22, %add3A_29 : vector<1x256xf32>
    %rsqrt3A = math.rsqrt %add3A_30 : vector<1x256xf32>
    %mul3A_31 = arith.mulf %get3A_27, %rsqrt3A : vector<1x256xf32>
    %mul3A_32 = vector.broadcast %mul3A_31 : vector<1x256xf32> to vector<2048x256xf32>
    %mul3A_33 = arith.mulf %sub3A_24, %mul3A_32 : vector<2048x256xf32>
    %get3A_34 = arith.constant 0 : index
    %get3A_35 = arith.constant 0 : index
    %get3A_36 = vector.load %arg4[%get3A_34, %get3A_35] : memref<1x256xf32, #tpu.memory_space<vmem>>, vector<1x256xf32>
    %add3A_37 = vector.broadcast %get3A_36 : vector<1x256xf32> to vector<2048x256xf32>
    %add3A_38 = arith.addf %mul3A_33, %add3A_37 : vector<2048x256xf32>
    %max3A = arith.constant 0.000000e+00 : f32
    %max3A_39 = vector.broadcast %max3A : f32 to vector<2048x256xf32>
    %max3A_40 = arith.maximumf %add3A_38, %max3A_39 : vector<2048x256xf32>
    %get3A_41 = arith.constant 0 : index
    %get3A_42 = arith.constant 0 : index
    %get3A_43 = vector.load %arg5[%get3A_41, %get3A_42] : memref<256x512xf32, #tpu.memory_space<vmem>>, vector<256x512xf32>
    %convert_element_type3A_44 = arith.truncf %max3A_40 : vector<2048x256xf32> to vector<2048x256xbf16>
    %convert_element_type3A_45 = arith.truncf %get3A_43 : vector<256x512xf32> to vector<256x512xbf16>
    %dot_general3A_46 = arith.constant dense<0.000000e+00> : vector<2048x512xf32>
    %dot_general3A_47 = tpu.matmul %convert_element_type3A_44, %convert_element_type3A_45, %dot_general3A_46 {dimension_numbers = #tpu.dot_dimension_numbers<[1], [0], [0], [1], [0, 0, 1, 1], [], []>, transpose_lhs_hint = false} : vector<2048x256xbf16>, vector<256x512xbf16>, vector<2048x512xf32> -> vector<2048x512xf32>
    %get3A_48 = arith.constant 0 : index
    %get3A_49 = arith.constant 0 : index
    %get3A_50 = vector.load %arg6[%get3A_48, %get3A_49] : memref<1x512xf32, #tpu.memory_space<vmem>>, vector<1x512xf32>
    %add3A_51 = vector.broadcast %get3A_50 : vector<1x512xf32> to vector<2048x512xf32>
    %add3A_52 = arith.addf %dot_general3A_47, %add3A_51 : vector<2048x512xf32>
    %reduce_sum3A_53 = arith.constant dense<0.000000e+00> : vector<512xf32>
    %reduce_sum3A_54 = vector.multi_reduction <add>, %add3A_52, %reduce_sum3A_53 [0] : vector<2048x512xf32> to vector<512xf32>
    %broadcast_in_dim3A_55 = vector.shape_cast %reduce_sum3A_54 : vector<512xf32> to vector<1x512xf32>
    %div3A_56 = arith.constant 2.048000e+03 : f32
    %div3A_57 = vector.broadcast %div3A_56 : f32 to vector<1x512xf32>
    %div3A_58 = arith.divf %broadcast_in_dim3A_55, %div3A_57 : vector<1x512xf32>
    %sub3A_59 = vector.broadcast %div3A_58 : vector<1x512xf32> to vector<2048x512xf32>
    %sub3A_60 = arith.subf %add3A_52, %sub3A_59 : vector<2048x512xf32>
    %sub3A_61 = vector.broadcast %div3A_58 : vector<1x512xf32> to vector<2048x512xf32>
    %sub3A_62 = arith.subf %add3A_52, %sub3A_61 : vector<2048x512xf32>
    %mul3A_63 = arith.mulf %sub3A_60, %sub3A_62 : vector<2048x512xf32>
    %reduce_sum3A_64 = arith.constant dense<0.000000e+00> : vector<512xf32>
    %reduce_sum3A_65 = vector.multi_reduction <add>, %mul3A_63, %reduce_sum3A_64 [0] : vector<2048x512xf32> to vector<512xf32>
    %broadcast_in_dim3A_66 = vector.shape_cast %reduce_sum3A_65 : vector<512xf32> to vector<1x512xf32>
    %div3A_67 = arith.constant 2.048000e+03 : f32
    %div3A_68 = vector.broadcast %div3A_67 : f32 to vector<1x512xf32>
    %div3A_69 = arith.divf %broadcast_in_dim3A_66, %div3A_68 : vector<1x512xf32>
    %sub3A_70 = vector.broadcast %div3A_58 : vector<1x512xf32> to vector<2048x512xf32>
    %sub3A_71 = arith.subf %add3A_52, %sub3A_70 : vector<2048x512xf32>
    %get3A_72 = arith.constant 0 : index
    %get3A_73 = arith.constant 0 : index
    %get3A_74 = vector.load %arg7[%get3A_72, %get3A_73] : memref<1x512xf32, #tpu.memory_space<vmem>>, vector<1x512xf32>
    %add3A_75 = arith.constant 9.99999974E-6 : f32
    %add3A_76 = vector.broadcast %add3A_75 : f32 to vector<1x512xf32>
    %add3A_77 = arith.addf %div3A_69, %add3A_76 : vector<1x512xf32>
    %rsqrt3A_78 = math.rsqrt %add3A_77 : vector<1x512xf32>
    %mul3A_79 = arith.mulf %get3A_74, %rsqrt3A_78 : vector<1x512xf32>
    %mul3A_80 = vector.broadcast %mul3A_79 : vector<1x512xf32> to vector<2048x512xf32>
    %mul3A_81 = arith.mulf %sub3A_71, %mul3A_80 : vector<2048x512xf32>
    %get3A_82 = arith.constant 0 : index
    %get3A_83 = arith.constant 0 : index
    %get3A_84 = vector.load %arg8[%get3A_82, %get3A_83] : memref<1x512xf32, #tpu.memory_space<vmem>>, vector<1x512xf32>
    %add3A_85 = vector.broadcast %get3A_84 : vector<1x512xf32> to vector<2048x512xf32>
    %add3A_86 = arith.addf %mul3A_81, %add3A_85 : vector<2048x512xf32>
    %max3A_87 = arith.constant 0.000000e+00 : f32
    %max3A_88 = vector.broadcast %max3A_87 : f32 to vector<2048x512xf32>
    %max3A_89 = arith.maximumf %add3A_86, %max3A_88 : vector<2048x512xf32>
    %get3A_90 = arith.constant 0 : index
    %get3A_91 = arith.constant 0 : index
    %get3A_92 = vector.load %arg9[%get3A_90, %get3A_91] : memref<512x1024xf32, #tpu.memory_space<vmem>>, vector<512x1024xf32>
    %convert_element_type3A_93 = arith.truncf %max3A_89 : vector<2048x512xf32> to vector<2048x512xbf16>
    %convert_element_type3A_94 = arith.truncf %get3A_92 : vector<512x1024xf32> to vector<512x1024xbf16>
    %dot_general3A_95 = arith.constant dense<0.000000e+00> : vector<2048x1024xf32>
    %dot_general3A_96 = tpu.matmul %convert_element_type3A_93, %convert_element_type3A_94, %dot_general3A_95 {dimension_numbers = #tpu.dot_dimension_numbers<[1], [0], [0], [1], [0, 0, 1, 1], [], []>, transpose_lhs_hint = false} : vector<2048x512xbf16>, vector<512x1024xbf16>, vector<2048x1024xf32> -> vector<2048x1024xf32>
    %get3A_97 = arith.constant 0 : index
    %get3A_98 = arith.constant 0 : index
    %get3A_99 = vector.load %arg10[%get3A_97, %get3A_98] : memref<1x1024xf32, #tpu.memory_space<vmem>>, vector<1x1024xf32>
    %add3A_100 = vector.broadcast %get3A_99 : vector<1x1024xf32> to vector<2048x1024xf32>
    %add3A_101 = arith.addf %dot_general3A_96, %add3A_100 : vector<2048x1024xf32>
    %reduce_sum3A_102 = arith.constant dense<0.000000e+00> : vector<1024xf32>
    %reduce_sum3A_103 = vector.multi_reduction <add>, %add3A_101, %reduce_sum3A_102 [0] : vector<2048x1024xf32> to vector<1024xf32>
    %broadcast_in_dim3A_104 = vector.shape_cast %reduce_sum3A_103 : vector<1024xf32> to vector<1x1024xf32>
    %div3A_105 = arith.constant 2.048000e+03 : f32
    %div3A_106 = vector.broadcast %div3A_105 : f32 to vector<1x1024xf32>
    %div3A_107 = arith.divf %broadcast_in_dim3A_104, %div3A_106 : vector<1x1024xf32>
    %sub3A_108 = vector.broadcast %div3A_107 : vector<1x1024xf32> to vector<2048x1024xf32>
    %sub3A_109 = arith.subf %add3A_101, %sub3A_108 : vector<2048x1024xf32>
    %sub3A_110 = vector.broadcast %div3A_107 : vector<1x1024xf32> to vector<2048x1024xf32>
    %sub3A_111 = arith.subf %add3A_101, %sub3A_110 : vector<2048x1024xf32>
    %mul3A_112 = arith.mulf %sub3A_109, %sub3A_111 : vector<2048x1024xf32>
    %reduce_sum3A_113 = arith.constant dense<0.000000e+00> : vector<1024xf32>
    %reduce_sum3A_114 = vector.multi_reduction <add>, %mul3A_112, %reduce_sum3A_113 [0] : vector<2048x1024xf32> to vector<1024xf32>
    %broadcast_in_dim3A_115 = vector.shape_cast %reduce_sum3A_114 : vector<1024xf32> to vector<1x1024xf32>
    %div3A_116 = arith.constant 2.048000e+03 : f32
    %div3A_117 = vector.broadcast %div3A_116 : f32 to vector<1x1024xf32>
    %div3A_118 = arith.divf %broadcast_in_dim3A_115, %div3A_117 : vector<1x1024xf32>
    %sub3A_119 = vector.broadcast %div3A_107 : vector<1x1024xf32> to vector<2048x1024xf32>
    %sub3A_120 = arith.subf %add3A_101, %sub3A_119 : vector<2048x1024xf32>
    %get3A_121 = arith.constant 0 : index
    %get3A_122 = arith.constant 0 : index
    %get3A_123 = vector.load %arg11[%get3A_121, %get3A_122] : memref<1x1024xf32, #tpu.memory_space<vmem>>, vector<1x1024xf32>
    %add3A_124 = arith.constant 9.99999974E-6 : f32
    %add3A_125 = vector.broadcast %add3A_124 : f32 to vector<1x1024xf32>
    %add3A_126 = arith.addf %div3A_118, %add3A_125 : vector<1x1024xf32>
    %rsqrt3A_127 = math.rsqrt %add3A_126 : vector<1x1024xf32>
    %mul3A_128 = arith.mulf %get3A_123, %rsqrt3A_127 : vector<1x1024xf32>
    %mul3A_129 = vector.broadcast %mul3A_128 : vector<1x1024xf32> to vector<2048x1024xf32>
    %mul3A_130 = arith.mulf %sub3A_120, %mul3A_129 : vector<2048x1024xf32>
    %get3A_131 = arith.constant 0 : index
    %get3A_132 = arith.constant 0 : index
    %get3A_133 = vector.load %arg12[%get3A_131, %get3A_132] : memref<1x1024xf32, #tpu.memory_space<vmem>>, vector<1x1024xf32>
    %add3A_134 = vector.broadcast %get3A_133 : vector<1x1024xf32> to vector<2048x1024xf32>
    %add3A_135 = arith.addf %mul3A_130, %add3A_134 : vector<2048x1024xf32>
    %max3A_136 = arith.constant 0.000000e+00 : f32
    %max3A_137 = vector.broadcast %max3A_136 : f32 to vector<2048x1024xf32>
    %max3A_138 = arith.maximumf %add3A_135, %max3A_137 : vector<2048x1024xf32>
    %reshape3A = vector.shape_cast %max3A_138 : vector<2048x1024xf32> to vector<16x128x1024xf32>
    %reduce_max3A = arith.constant dense<0xFF800000> : vector<16x1024xf32>
    %reduce_max3A_139 = vector.multi_reduction <maximumf>, %reshape3A, %reduce_max3A [1] : vector<16x128x1024xf32> to vector<16x1024xf32>
    %swap3A = arith.constant 0 : index
    %swap3A_140 = arith.constant 0 : index
    %swap3A_141 = vector.load %arg24[%swap3A, %swap3A_140] : memref<16x1024xf32, #tpu.memory_space<vmem>>, vector<16x1024xf32>
    tpu.vector_store %arg24[%swap3A, %swap3A_140], %reduce_max3A_139 {strides = array<i32>} : memref<16x1024xf32, #tpu.memory_space<vmem>>, vector<16x1024xf32>,
    %get3A_142 = arith.constant 0 : index
    %get3A_143 = arith.constant 0 : index
    %get3A_144 = vector.load %arg13[%get3A_142, %get3A_143] : memref<1024x512xf32, #tpu.memory_space<vmem>>, vector<1024x512xf32>
    %convert_element_type3A_145 = arith.truncf %reduce_max3A_139 : vector<16x1024xf32> to vector<16x1024xbf16>
    %convert_element_type3A_146 = arith.truncf %get3A_144 : vector<1024x512xf32> to vector<1024x512xbf16>
    %dot_general3A_147 = arith.constant dense<0.000000e+00> : vector<16x512xf32>
    %dot_general3A_148 = tpu.matmul %convert_element_type3A_145, %convert_element_type3A_146, %dot_general3A_147 {dimension_numbers = #tpu.dot_dimension_numbers<[1], [0], [0], [1], [0, 0, 1, 1], [], []>, transpose_lhs_hint = false} : vector<16x1024xbf16>, vector<1024x512xbf16>, vector<16x512xf32> -> vector<16x512xf32>
    %get3A_149 = arith.constant 0 : index
    %get3A_150 = arith.constant 0 : index
    %get3A_151 = vector.load %arg14[%get3A_149, %get3A_150] : memref<1x512xf32, #tpu.memory_space<vmem>>, vector<1x512xf32>
    %add3A_152 = vector.broadcast %get3A_151 : vector<1x512xf32> to vector<16x512xf32>
    %add3A_153 = arith.addf %dot_general3A_148, %add3A_152 : vector<16x512xf32>
    %reduce_sum3A_154 = arith.constant dense<0.000000e+00> : vector<512xf32>
    %reduce_sum3A_155 = vector.multi_reduction <add>, %add3A_153, %reduce_sum3A_154 [0] : vector<16x512xf32> to vector<512xf32>
    %broadcast_in_dim3A_156 = vector.shape_cast %reduce_sum3A_155 : vector<512xf32> to vector<1x512xf32>
    %div3A_157 = arith.constant 1.600000e+01 : f32
    %div3A_158 = vector.broadcast %div3A_157 : f32 to vector<1x512xf32>
    %div3A_159 = arith.divf %broadcast_in_dim3A_156, %div3A_158 : vector<1x512xf32>
    %sub3A_160 = vector.broadcast %div3A_159 : vector<1x512xf32> to vector<16x512xf32>
    %sub3A_161 = arith.subf %add3A_153, %sub3A_160 : vector<16x512xf32>
    %sub3A_162 = vector.broadcast %div3A_159 : vector<1x512xf32> to vector<16x512xf32>
    %sub3A_163 = arith.subf %add3A_153, %sub3A_162 : vector<16x512xf32>
    %mul3A_164 = arith.mulf %sub3A_161, %sub3A_163 : vector<16x512xf32>
    %reduce_sum3A_165 = arith.constant dense<0.000000e+00> : vector<512xf32>
    %reduce_sum3A_166 = vector.multi_reduction <add>, %mul3A_164, %reduce_sum3A_165 [0] : vector<16x512xf32> to vector<512xf32>
    %broadcast_in_dim3A_167 = vector.shape_cast %reduce_sum3A_166 : vector<512xf32> to vector<1x512xf32>
    %div3A_168 = arith.constant 1.600000e+01 : f32
    %div3A_169 = vector.broadcast %div3A_168 : f32 to vector<1x512xf32>
    %div3A_170 = arith.divf %broadcast_in_dim3A_167, %div3A_169 : vector<1x512xf32>
    %sub3A_171 = vector.broadcast %div3A_159 : vector<1x512xf32> to vector<16x512xf32>
    %sub3A_172 = arith.subf %add3A_153, %sub3A_171 : vector<16x512xf32>
    %add3A_173 = arith.constant 9.99999974E-6 : f32
    %add3A_174 = vector.broadcast %add3A_173 : f32 to vector<1x512xf32>
    %add3A_175 = arith.addf %div3A_170, %add3A_174 : vector<1x512xf32>
    %rsqrt3A_176 = math.rsqrt %add3A_175 : vector<1x512xf32>
    %mul3A_177 = vector.broadcast %rsqrt3A_176 : vector<1x512xf32> to vector<16x512xf32>
    %mul3A_178 = arith.mulf %sub3A_172, %mul3A_177 : vector<16x512xf32>
    %get3A_179 = arith.constant 0 : index
    %get3A_180 = arith.constant 0 : index
    %get3A_181 = vector.load %arg15[%get3A_179, %get3A_180] : memref<1x512xf32, #tpu.memory_space<vmem>>, vector<1x512xf32>
    %mul3A_182 = vector.broadcast %get3A_181 : vector<1x512xf32> to vector<16x512xf32>
    %mul3A_183 = arith.mulf %mul3A_178, %mul3A_182 : vector<16x512xf32>
    %get3A_184 = arith.constant 0 : index
    %get3A_185 = arith.constant 0 : index
    %get3A_186 = vector.load %arg16[%get3A_184, %get3A_185] : memref<1x512xf32, #tpu.memory_space<vmem>>, vector<1x512xf32>
    %add3A_187 = vector.broadcast %get3A_186 : vector<1x512xf32> to vector<16x512xf32>
    %add3A_188 = arith.addf %mul3A_183, %add3A_187 : vector<16x512xf32>
    %max3A_189 = arith.constant 0.000000e+00 : f32
    %max3A_190 = vector.broadcast %max3A_189 : f32 to vector<16x512xf32>
    %max3A_191 = arith.maximumf %add3A_188, %max3A_190 : vector<16x512xf32>
    %get3A_192 = arith.constant 0 : index
    %get3A_193 = arith.constant 0 : index
    %get3A_194 = vector.load %arg17[%get3A_192, %get3A_193] : memref<512x256xf32, #tpu.memory_space<vmem>>, vector<512x256xf32>
    %convert_element_type3A_195 = arith.truncf %max3A_191 : vector<16x512xf32> to vector<16x512xbf16>
    %convert_element_type3A_196 = arith.truncf %get3A_194 : vector<512x256xf32> to vector<512x256xbf16>
    %dot_general3A_197 = arith.constant dense<0.000000e+00> : vector<16x256xf32>
    %dot_general3A_198 = tpu.matmul %convert_element_type3A_195, %convert_element_type3A_196, %dot_general3A_197 {dimension_numbers = #tpu.dot_dimension_numbers<[1], [0], [0], [1], [0, 0, 1, 1], [], []>, transpose_lhs_hint = false} : vector<16x512xbf16>, vector<512x256xbf16>, vector<16x256xf32> -> vector<16x256xf32>
    %get3A_199 = arith.constant 0 : index
    %get3A_200 = arith.constant 0 : index
    %get3A_201 = vector.load %arg18[%get3A_199, %get3A_200] : memref<1x256xf32, #tpu.memory_space<vmem>>, vector<1x256xf32>
    %add3A_202 = vector.broadcast %get3A_201 : vector<1x256xf32> to vector<16x256xf32>
    %add3A_203 = arith.addf %dot_general3A_198, %add3A_202 : vector<16x256xf32>
    %reduce_sum3A_204 = arith.constant dense<0.000000e+00> : vector<256xf32>
    %reduce_sum3A_205 = vector.multi_reduction <add>, %add3A_203, %reduce_sum3A_204 [0] : vector<16x256xf32> to vector<256xf32>
    %broadcast_in_dim3A_206 = vector.shape_cast %reduce_sum3A_205 : vector<256xf32> to vector<1x256xf32>
    %div3A_207 = arith.constant 1.600000e+01 : f32
    %div3A_208 = vector.broadcast %div3A_207 : f32 to vector<1x256xf32>
    %div3A_209 = arith.divf %broadcast_in_dim3A_206, %div3A_208 : vector<1x256xf32>
    %sub3A_210 = vector.broadcast %div3A_209 : vector<1x256xf32> to vector<16x256xf32>
    %sub3A_211 = arith.subf %add3A_203, %sub3A_210 : vector<16x256xf32>
    %sub3A_212 = vector.broadcast %div3A_209 : vector<1x256xf32> to vector<16x256xf32>
    %sub3A_213 = arith.subf %add3A_203, %sub3A_212 : vector<16x256xf32>
    %mul3A_214 = arith.mulf %sub3A_211, %sub3A_213 : vector<16x256xf32>
    %reduce_sum3A_215 = arith.constant dense<0.000000e+00> : vector<256xf32>
    %reduce_sum3A_216 = vector.multi_reduction <add>, %mul3A_214, %reduce_sum3A_215 [0] : vector<16x256xf32> to vector<256xf32>
    %broadcast_in_dim3A_217 = vector.shape_cast %reduce_sum3A_216 : vector<256xf32> to vector<1x256xf32>
    %div3A_218 = arith.constant 1.600000e+01 : f32
    %div3A_219 = vector.broadcast %div3A_218 : f32 to vector<1x256xf32>
    %div3A_220 = arith.divf %broadcast_in_dim3A_217, %div3A_219 : vector<1x256xf32>
    %sub3A_221 = vector.broadcast %div3A_209 : vector<1x256xf32> to vector<16x256xf32>
    %sub3A_222 = arith.subf %add3A_203, %sub3A_221 : vector<16x256xf32>
    %add3A_223 = arith.constant 9.99999974E-6 : f32
    %add3A_224 = vector.broadcast %add3A_223 : f32 to vector<1x256xf32>
    %add3A_225 = arith.addf %div3A_220, %add3A_224 : vector<1x256xf32>
    %rsqrt3A_226 = math.rsqrt %add3A_225 : vector<1x256xf32>
    %mul3A_227 = vector.broadcast %rsqrt3A_226 : vector<1x256xf32> to vector<16x256xf32>
    %mul3A_228 = arith.mulf %sub3A_222, %mul3A_227 : vector<16x256xf32>
    %get3A_229 = arith.constant 0 : index
    %get3A_230 = arith.constant 0 : index
    %get3A_231 = vector.load %arg19[%get3A_229, %get3A_230] : memref<1x256xf32, #tpu.memory_space<vmem>>, vector<1x256xf32>
    %mul3A_232 = vector.broadcast %get3A_231 : vector<1x256xf32> to vector<16x256xf32>
    %mul3A_233 = arith.mulf %mul3A_228, %mul3A_232 : vector<16x256xf32>
    %get3A_234 = arith.constant 0 : index
    %get3A_235 = arith.constant 0 : index
    %get3A_236 = vector.load %arg20[%get3A_234, %get3A_235] : memref<1x256xf32, #tpu.memory_space<vmem>>, vector<1x256xf32>
    %add3A_237 = vector.broadcast %get3A_236 : vector<1x256xf32> to vector<16x256xf32>
    %add3A_238 = arith.addf %mul3A_233, %add3A_237 : vector<16x256xf32>
    %max3A_239 = arith.constant 0.000000e+00 : f32
    %max3A_240 = vector.broadcast %max3A_239 : f32 to vector<16x256xf32>
    %max3A_241 = arith.maximumf %add3A_238, %max3A_240 : vector<16x256xf32>
    %get3A_242 = arith.constant 0 : index
    %get3A_243 = arith.constant 0 : index
    %get3A_244 = vector.load %arg21[%get3A_242, %get3A_243] : memref<256x40xf32, #tpu.memory_space<vmem>>, vector<256x40xf32>
    %convert_element_type3A_245 = arith.truncf %max3A_241 : vector<16x256xf32> to vector<16x256xbf16>
    %convert_element_type3A_246 = arith.truncf %get3A_244 : vector<256x40xf32> to vector<256x40xbf16>
    %dot_general3A_247 = arith.constant dense<0.000000e+00> : vector<16x40xf32>
    %dot_general3A_248 = tpu.matmul %convert_element_type3A_245, %convert_element_type3A_246, %dot_general3A_247 {dimension_numbers = #tpu.dot_dimension_numbers<[1], [0], [0], [1], [0, 0, 1, 1], [], []>, transpose_lhs_hint = false} : vector<16x256xbf16>, vector<256x40xbf16>, vector<16x40xf32> -> vector<16x40xf32>
    %get3A_249 = arith.constant 0 : index
    %get3A_250 = arith.constant 0 : index
    %get3A_251 = vector.load %arg22[%get3A_249, %get3A_250] : memref<1x40xf32, #tpu.memory_space<vmem>>, vector<1x40xf32>
    %add3A_252 = vector.broadcast %get3A_251 : vector<1x40xf32> to vector<16x40xf32>
    %add3A_253 = arith.addf %dot_general3A_248, %add3A_252 : vector<16x40xf32>
    %reduce_max3A_254 = arith.constant dense<0xFF800000> : vector<16xf32>
    %reduce_max3A_255 = vector.multi_reduction <maximumf>, %add3A_253, %reduce_max3A_254 [1] : vector<16x40xf32> to vector<16xf32>
    %broadcast_in_dim3A_256 = vector.shape_cast %reduce_max3A_255 : vector<16xf32> to vector<16x1xf32>
    %sub3A_257 = vector.broadcast %broadcast_in_dim3A_256 : vector<16x1xf32> to vector<16x40xf32>
    %sub3A_258 = arith.subf %add3A_253, %sub3A_257 : vector<16x40xf32>
    %exp3A = math.exp %sub3A_258 : vector<16x40xf32>
    %reduce_sum3A_259 = arith.constant dense<0.000000e+00> : vector<16xf32>
    %reduce_sum3A_260 = vector.multi_reduction <add>, %exp3A, %reduce_sum3A_259 [1] : vector<16x40xf32> to vector<16xf32>
    %broadcast_in_dim3A_261 = vector.shape_cast %reduce_sum3A_260 : vector<16xf32> to vector<16x1xf32>
    %log3A = math.log %broadcast_in_dim3A_261 : vector<16x1xf32>
    %sub3A_262 = vector.broadcast %log3A : vector<16x1xf32> to vector<16x40xf32>
    %sub3A_263 = arith.subf %sub3A_258, %sub3A_262 : vector<16x40xf32>
    %swap3A_264 = arith.constant 0 : index
    %swap3A_265 = arith.constant 0 : index
    %swap3A_266 = vector.load %arg23[%swap3A_264, %swap3A_265] : memref<16x40xf32, #tpu.memory_space<vmem>>, vector<16x40xf32>
    tpu.vector_store %arg23[%swap3A_264, %swap3A_265], %sub3A_263 {strides = array<i32>} : memref<16x40xf32, #tpu.memory_space<vmem>>, vector<16x40xf32>,
    return
  }
}

</mosaic_0001>

<sc_bundles>
// kernel: kernel.17.cloned.1.call-start
scs
__scs_entry_jumppad:
0x0: {  	(pc) =	sbr.rel $0x88, $3  }
0x1: {  	(tag) =	ssettag $0x0;
	lr =	simm.s32 $0x1  }
0x2: {  	[smem:$0x3F72] =	sst lr;
	_ =	strace $0xD0000000  }
0x3: {  	_ = 	snop  }
0x4: {  	_ = 	snop  }
0x5: {  	_ = 	snop  }
0x6: {  	_ = 	snop  }
0x7: {  	_ = 	snop  }
__scs_overlays_trampoline_lowered:
0x8: {  	[smem:$0x3F81] =	sst s0  }
0x9: {  	[smem:$0x3F82] =	sst s1  }
0xa: {  	[smem:$0x3F83] =	sst s2  }
0xb: {  	[smem:$0x3F84] =	sst s3  }
0xc: {  	[smem:$0x3F85] =	sst s4  }
0xd: {  	[smem:$0x3F86] =	sst s5  }
0xe: {  	[smem:$0x3F87] =	sst s6  }
0xf: {  	[smem:$0x3F88] =	sst s7  }
0x10: {  	[smem:$0x3F89] =	sst s8  }
0x11: {  	[smem:$0x3F8A] =	sst s9;
	s0 =	simm.s32 @!p0 $0x0  }
0x12: {  	s1 =	sld [smem:$0x3F70];
	s0 =	simm.s32 @p0 $0x1  }
0x13: {  	[smem:$0x3F8B] =	sst s0;
	s0 =	simm.s32 @!p1 $0x0  }
0x14: {  	s2 =	sld [smem:$0x3F6F];
	s0 =	simm.s32 @p1 $0x1  }
0x15: {  	[smem:$0x3F8C] =	sst s0;
	s0 =	simm.s32 @!p2 $0x0  }
0x16: {  	s3 =	sld [smem:$0x3FDB];
	s0 =	simm.s32 @p2 $0x1  }
0x17: {  	s4 =	simm.s32 $0x1BF5;
	[smem:$0x3F8E] =	sst s0  }
0x18: {  	s0 =	sld [smem:$0x3F71];
	_ =	swait.ge [sflag:s4], $0x0  }
0x19: {  	s7 =	sld [smem:$0x3F72]  }
0x1a: {  	s8 =	sadd.s32 $0xFFFFE003, lr  }
0x1b: {  	s9 =	sadd.s32 $0xFFFFFEF7, lr;
	s5 =	simm.s32 $0xFFFFFFFF;
	p2 =	slt.u32 s8, $0xFFFFF086  }
0x1c: {  	p1 =	slt.u32 s9, $0xF7A;
	s5 =	simm.s32 @!p2 $0x0  }
0x1d: {  	s5 =	simm.s32 @p1 $0x1;
	p0 =	seq.s32 s7, s2  }
0x1e: {  	s7 =	smul.u32 @!p0 $0xF7A, s2;
	p2 =	seq.s32 @!p0 s5, $0x0  }
0x1f: {  	s9 =	smul.u32 $0xF7A, s1;
	s8 =	simm.s32 @!p0 $0x1BF5;
	p2 =	por !p2, p0  }
0x20: {  	[sflag:s8] =	ssyncset.s32 @!p0 $0xFFFFF086;
	s6 =	sadd.s32 @!p0 s3, s7;
	s7 =	simm.s32 @!p0 $0x108  }
0x21: {  	s3 =	sadd.s32 s3, s9;
	s6 =	sadd.s32 @!p0 $0x88, s6;
	s7 =	simm.s32 @p2 $0x1082  }
0x22: {  	[simem:s7], [sflag:s8] =	dma.local @!p0 [hbm:s6], $0xF7A  }
0x23: {  	s9 =	sor.u32 $0xD0000000, s2;
	s6 =	simm.s32 $0x108;
	_ =	swait.ge @!p0 [sflag:s8], $0x0  }
0x24: {  	s3 =	sadd.s32 $0x88, s3;
	s6 =	simm.s32 @!p1 $0x1082;
	[sflag:s4] =	ssyncset.s32 $0xFFFFF086  }
0x25: {  	[simem:s6], [sflag:s4] =	dma.local [hbm:s3], $0xF7A  }
0x26: {  	[smem:$0x3F72] =	sst s1;
	(tag) =	ssettag s2;
	_ =	strace s9  }
0x27: {  	s1 =	sld [smem:$0x3F82]  }
0x28: {  	s2 =	sld [smem:$0x3F83]  }
0x29: {  	s4 =	sld [smem:$0x3F85]  }
0x2a: {  	p0 =	seq.s32 s5, $0x0;
	s5 =	sld [smem:$0x3F86]  }
0x2b: {  	s6 =	sld [smem:$0x3F87]  }
0x2c: {  	s7 =	sld [smem:$0x3F88]  }
0x2d: {  	s3 =	simm.s32 $0x108;
	s8 =	sld [smem:$0x3F89]  }
0x2e: {  	s3 =	simm.s32 @!p0 $0x1082;
	s9 =	sld [smem:$0x3F8A]  }
0x2f: {  	lr =	sadd.s32 s0, s3;
	s0 =	sld [smem:$0x3F81]  }
0x30: {  	s3 =	sld [smem:$0x3F84]  }
0x31: {  	[smem:$0x3F8D] =	sst s10  }
0x32: {  	s10 =	sld [smem:$0x3F8B];
	_ =	sdelay $0x3  }
0x33: {  	p0 =	seq.s32 s10, $0x1;
	s10 =	sld [smem:$0x3F8D];
	_ =	sdelay $0x3  }
0x34: {  	[smem:$0x3F8D] =	sst s10  }
0x35: {  	s10 =	sld [smem:$0x3F8C];
	_ =	sdelay $0x3  }
0x36: {  	p1 =	seq.s32 s10, $0x1;
	s10 =	sld [smem:$0x3F8D];
	_ =	sdelay $0x3  }
0x37: {  	[smem:$0x3F8D] =	sst s10  }
0x38: {  	s10 =	sld [smem:$0x3F8E]  }
0x39: {  	_ = 	snop;
	(pc) =	sbr.ind lr, $3  }
0x3a: {  	_ = 	snop  }
0x3b: {  	_ = 	snop  }
0x3c: {  	p2 =	seq.s32 s10, $0x1;
	s10 =	sld [smem:$0x3F8D]  }
0x3d: {  	_ =	shalt  }
0x3e: {  	_ =	shalt  }
0x3f: {  	_ =	shalt  }
0x40: {  	_ =	shalt  }
0x41: {  	_ =	shalt  }
0x42: {  	_ =	shalt  }
0x43: {  	_ =	shalt  }
0x44: {  	_ =	shalt  }
0x45: {  	_ =	shalt  }
0x46: {  	_ =	shalt  }
0x47: {  	_ =	shalt  }
0x48: {  	_ =	shalt  }
0x49: {  	_ =	shalt  }
0x4a: {  	_ =	shalt  }
0x4b: {  	_ =	shalt  }
0x4c: {  	_ =	shalt  }
0x4d: {  	_ =	shalt  }
0x4e: {  	_ =	shalt  }
0x4f: {  	_ =	shalt  }
0x50: {  	_ =	shalt  }
0x51: {  	_ =	shalt  }
0x52: {  	_ =	shalt  }
0x53: {  	_ =	shalt  }
0x54: {  	_ =	shalt  }
0x55: {  	_ =	shalt  }
0x56: {  	_ =	shalt  }
0x57: {  	_ =	shalt  }
0x58: {  	_ =	shalt  }
0x59: {  	_ =	shalt  }
0x5a: {  	_ =	shalt  }
0x5b: {  	_ =	shalt  }
0x5c: {  	_ =	shalt  }
0x5d: {  	_ =	shalt  }
0x5e: {  	_ =	shalt  }
0x5f: {  	_ =	shalt  }
0x60: {  	_ =	shalt  }
0x61: {  	_ =	shalt  }
0x62: {  	_ =	shalt  }
0x63: {  	_ =	shalt  }
0x64: {  	_ =	shalt  }
0x65: {  	_ =	shalt  }
0x66: {  	_ =	shalt  }
0x67: {  	_ =	shalt  }
0x68: {  	_ =	shalt  }
0x69: {  	_ =	shalt  }
0x6a: {  	_ =	shalt  }
0x6b: {  	_ =	shalt  }
0x6c: {  	_ =	shalt  }
0x6d: {  	_ =	shalt  }
0x6e: {  	_ =	shalt  }
0x6f: {  	_ =	shalt  }
0x70: {  	_ =	shalt  }
0x71: {  	_ =	shalt  }
0x72: {  	_ =	shalt  }
0x73: {  	_ =	shalt  }
0x74: {  	_ =	shalt  }
0x75: {  	_ =	shalt  }
0x76: {  	_ =	shalt  }
0x77: {  	_ =	shalt  }
0x78: {  	_ =	shalt  }
0x79: {  	_ =	shalt  }
0x7a: {  	_ =	shalt  }
0x7b: {  	_ =	shalt  }
0x7c: {  	_ =	shalt  }
0x7d: {  	_ =	shalt  }
0x7e: {  	_ =	shalt  }
0x7f: {  	_ =	shalt  }
0x80: {  	_ =	shalt  }
0x81: {  	_ =	shalt  }
0x82: {  	_ =	shalt  }
0x83: {  	_ =	shalt  }
0x84: {  	_ =	shalt  }
0x85: {  	_ =	shalt  }
0x86: {  	_ =	shalt  }
0x87: {  	_ =	shalt  }
.Lfunc_end0:
.L_simem_size_0:
called_computation_lowered:
.L_overlay_start_0:
0x88: {  	s2 =	sld [smem:$0x3FD9]  }
0x89: {  	s3 =	sld [smem:$0x3FFE];
	_ =	sdelay $0x1  }
0x8a: {  	s1 =	srdreg.scid  }
0x8b: {  	s0 =	sand.u32 $0x1, s1  }
0x8c: {  	s16 =	sshll.u32 s0, $0xA;
	s2 =	sadd.s32 s3, s2  }
0x8d: {  	s2 =	sadd.s32 s2, s16  }
0x8e: {  	[smem:$0x3F99] =	sst s2  }
0x8f: {  	_ = 	snop  }
0x90: {  	(tm) =	ssettm $0x1  }
0x91: {  	s17 =	sld [smem:$0x3FFB];
	_ =	sdelay $0x3  }
0x92: {  	_ =	strace s17  }
0x93: {  	s2 =	sld [smem:$0x3FFC];
	_ =	sdelay $0x3  }
0x94: {  	_ =	strace s2  }
0x95: {  	s2 =	sld [smem:$0x3FFD];
	_ =	sdelay $0x3  }
0x96: {  	_ =	strace s2  }
0x97: {  	_ =	strace $0x8FFFFFFF  }
0x98: {  	s18 =	sld [smem:$0x3FDB];
	_ =	sdelay $0x1  }
0x99: {  	s19 =	simm.s32 $_scs_section_size  }
0x9a: {  	s4 =	simm.s32 $_size__tile_overlayer_lowered;
	s5 =	simm.s32 $_tile_overlayer_lowered  }
0x9b: {  	s22 =	simm.s32 $0x1BFF;
	s21 =	sshll.u32 s5, $0x1;
	s2 =	sadd.s32 s19, s18  }
0x9c: {  	s6 =	simm.s32 $0x0;
	s20 =	sshll.u32 s4, $0x1;
	s4 =	sadd.s32 s21, s2  }
0x9d: {  	[timem:s6], [sflag:s22] =	dma.local [hbm:s4], s20  }
0x9e: {  	_ =	swait.ge [sflag:s22], s20  }
0x9f: {  	s3 =	ssub.s32 $0x0, s20;
	[sflag:s22] =	ssyncset.done $0x0  }
0xa0: {  	[sflag:s22] =	ssyncadd.s32 s3;
	_ =	sdelay $0x1  }
0xa1: {  	s23 =	simm.s32 $0x1B8B  }
0xa2: {  	_ =	swait.ge [sflag:s23], $0x1  }
0xa3: {  	[sflag:s23] =	ssyncset.done $0x0  }
0xa4: {  	s25 =	simm.s32 $0x1B8E;
	s24 =	sld [smem:$0x3FFE];
	[sflag:s23] =	ssyncadd.s32 $0xFFFFFFFF  }
0xa5: {  	s26 =	simm.s32 $execute0_lowered;
	[smem:$0x3FD2] =	sst s25  }
0xa6: {  	s4 =	sshll.u32 s26, $0x1;
	_ =	strace $0x80000046;
	[dreg:$0x1] =	wrdreg $0xFFFFFFFF  }
0xa7: {  	s28 =	simm.s32 $_size_execute0_lowered;
	s2 =	sadd.s32 s2, s4;
	[dreg:$0x0] =	wrdreg $0x0  }
0xa8: {  	s4 =	sshll.u32 s28, $0x1;
	[dreg:$0x2] =	wrdreg s2  }
0xa9: {  	[dreg:$0x3] =	wrdreg s4  }
0xaa: {  	[dreg:$0x4] =	wrdreg $0xC0  }
0xab: {  	_ =	task [dreg:s6], $0x5FFFF  }
0xac: {  	[dreg:$0x1] =	wrdreg $0xFFFFFFFF  }
0xad: {  	[dreg:$0x0] =	wrdreg $0x60  }
0xae: {  	[dreg:$0x2] =	wrdreg s24  }
0xaf: {  	[dreg:$0x3] =	wrdreg $0x9  }
0xb0: {  	_ =	task.clear_ibuf [dreg:s6], $0x4FFFF;
	_ =	strace $0x90000046  }
0xb1: {  	s29 =	simm.s32 $0x9;
	_ =	strace $0x80000048  }
0xb2: {  	_ =	swait.ge [sflag:s29], $0x1  }
0xb3: {  	[sflag:s29] =	ssyncadd.s32 $0xFFFFFFFF  }
0xb4: {  	_ =	strace $0x90000048  }
0xb5: {  	_ =	sfence  }
0xb6: {  	s30 =	sld [smem:$0x0];
	_ =	sdelay $0x2  }
0xb7: {  	s31 =	sshll.u32 s1, $0xD;
	s1 =	sshrl.u32 s1, $0x2  }
0xb8: {  	s3 =	sand.u32 $0x4000, s31;
	s1 =	sadd.s32 s1, s30  }
0xb9: {  	s0 =	sor.u32 s3, s0;
	s1 =	sshll.u32 s1, $0x11  }
0xba: {  	s0 =	sor.u32 s1, s0  }
0xbb: {  	s0 =	sadd.s32 $0x8F2B, s0  }
0xbc: {  	[sflag:s0] =	ssyncadd.remote.s32 $0x1  }
0xbd: {  	_ =	sfence.sel $0xFFFF  }
0xbe: {  	[dreg:$0x0] =	wrdreg $0xFFFFFFFF;
	(pc) =	sbr.abs _section_cstart, $3  }
0xbf: {  	[dreg:$0x1] =	wrdreg $0xFFFFFFFF  }
0xc0: {  	_ =	task.clear_ibuf [dreg:s6], $0x2FFFF;
	_ =	strace $0x9FFFFFFF  }
0xc1: {  	(tm) =	ssettm $0x7FFFFFFF  }
tec
execute0_lowered:
.L_overlay_start_1:
0x0: {  	(tag) =	ssettag $0x1  }
0x1: {  	s4 =	rddreg [dreg:$0x0]  }
0x2: {  	s0 =	rddreg [dreg:$0x1];
	s3 =	srdreg.scid  }
0x3: {  	s2 =	simm.s32 $0x0;
	s1 =	stileid.u32;
	s10 =	simm.s32 $0x2800  }
0x4: {  	s11 =	simm.s32 $0x3000;
	s12 =	simm.s32 $0x3800;
	s13 =	simm.s32 $0x4000  }
0x5: {  	s14 =	simm.s32 $0x4800;
	s15 =	simm.s32 $0x5000;
	s16 =	simm.s32 $0x5800  }
0x6: {  	s17 =	simm.s32 $0x1;
	s18 =	simm.s32 $0x0;
	s5 =	sand.u32 $0x1, s3  }
0x7: {  	[smem:$0x7FF] =	sst s2;
	s6 =	sshll.u32 s1, $0xE;
	s3 =	sadd.s32 $0x11C00, s4  }
0x8: {  	s30 =	sshll.u32 s1, $0xF;
	s7 =	sshll.u32 s5, $0xD;
	_ =	strace $0x80000047  }
0x9: {  	s8 =	ssub.s32 $0x2, s5;
	s5 =	sshll.u32 s5, $0xE;
	s6 =	sor.u32 s7, s6  }
0xa: {  	s7 =	sadd.s32 s30, s4;
	s9 =	sshrl.u32 s8, $0x1;
	s6 =	sshrl.u32 s6, $0x3  }
0xb: {  	s31 =	ssub.s32 s8, s9;
	s7 =	sadd.s32 s5, s7;
	s8 =	simm.s32 $0x80  }
0xc: {  	s9 =	simm.s32 $0x2000;
	s4 =	sadd.s32 s6, s4;
	s5 =	smax.u32 s31, $0x1  }
0xd: {  	s6 =	sadd.s32 $0x21C00, s7;
	s7 =	simm.s32 $0x2;
	s4 =	sadd.s32 $0x9C00, s4  }
.LBB2_1:
0xe: {  	[tilespmem:s2], [sflag:$0x2] =	stream.linear.gather [hbm4b:s4+s2], $0x2000, $0x38;
	[tilespmem:$0x6000] =	vst v63  }
0xf: {  	_ =	swait.ge [sflag:s7], $0x2000  }
0x10: {  	[sflag:s7] =	ssyncset.done $0x0  }
0x11: {  	s19 =	simm.s32 $0x0;
	[sflag:s7] =	ssyncadd.s32 $0xFFFFE000  }
0x12: {  	[tilespmem:s9], [sflag:$0x1] =	stream.indirect.gather [hbm4b:s3+s8], $0x10, s19, s8, $0xb8;
	[tilespmem:$0x6000] =	vst v63  }
0x13: {  	s24 =	simm.s32 $0x80  }
0x14: {  	[tilespmem:s10], [sflag:$0x1] =	stream.indirect.gather [hbm4b:s3+s8], $0x10, s24, s8, $0xb8;
	[tilespmem:$0x6000] =	vst v63  }
0x15: {  	s25 =	simm.s32 $0x100  }
0x16: {  	[tilespmem:s11], [sflag:$0x1] =	stream.indirect.gather [hbm4b:s3+s8], $0x10, s25, s8, $0xb8;
	[tilespmem:$0x6000] =	vst v63  }
0x17: {  	s26 =	simm.s32 $0x180  }
0x18: {  	[tilespmem:s12], [sflag:$0x1] =	stream.indirect.gather [hbm4b:s3+s8], $0x10, s26, s8, $0xb8;
	[tilespmem:$0x6000] =	vst v63  }
0x19: {  	s28 =	simm.s32 $0x200  }
0x1a: {  	[tilespmem:s13], [sflag:$0x1] =	stream.indirect.gather [hbm4b:s3+s8], $0x10, s28, s8, $0xb8;
	[tilespmem:$0x6000] =	vst v63  }
0x1b: {  	s29 =	simm.s32 $0x280  }
0x1c: {  	[tilespmem:s14], [sflag:$0x1] =	stream.indirect.gather [hbm4b:s3+s8], $0x10, s29, s8, $0xb8;
	[tilespmem:$0x6000] =	vst v63  }
0x1d: {  	s30 =	simm.s32 $0x300  }
0x1e: {  	[tilespmem:s15], [sflag:$0x1] =	stream.indirect.gather [hbm4b:s3+s8], $0x10, s30, s8, $0xb8;
	[tilespmem:$0x6000] =	vst v63  }
0x1f: {  	s31 =	simm.s32 $0x380  }
0x20: {  	[tilespmem:s16], [sflag:$0x1] =	stream.indirect.gather [hbm4b:s3+s8], $0x10, s31, s8, $0xb8;
	[tilespmem:$0x6000] =	vst v63  }
0x21: {  	_ =	swait.ge [sflag:s17], $0x800  }
0x22: {  	[sflag:s17] =	ssyncset.done $0x0  }
0x23: {  	[sflag:s17] =	ssyncadd.s32 $0xFFFFF800  }
0x24: {  	_ =	swait.ge [sflag:s17], $0x800  }
0x25: {  	[sflag:s17] =	ssyncset.done $0x0  }
0x26: {  	[sflag:s17] =	ssyncadd.s32 $0xFFFFF800  }
0x27: {  	_ =	swait.ge [sflag:s17], $0x800  }
0x28: {  	[sflag:s17] =	ssyncset.done $0x0  }
0x29: {  	[sflag:s17] =	ssyncadd.s32 $0xFFFFF800  }
0x2a: {  	_ =	swait.ge [sflag:s17], $0x800  }
0x2b: {  	[sflag:s17] =	ssyncset.done $0x0  }
0x2c: {  	[sflag:s17] =	ssyncadd.s32 $0xFFFFF800  }
0x2d: {  	_ =	swait.ge [sflag:s17], $0x800  }
0x2e: {  	[sflag:s17] =	ssyncset.done $0x0  }
0x2f: {  	[sflag:s17] =	ssyncadd.s32 $0xFFFFF800  }
0x30: {  	_ =	swait.ge [sflag:s17], $0x800  }
0x31: {  	[sflag:s17] =	ssyncset.done $0x0  }
0x32: {  	[sflag:s17] =	ssyncadd.s32 $0xFFFFF800  }
0x33: {  	_ =	swait.ge [sflag:s17], $0x800  }
0x34: {  	[sflag:s17] =	ssyncset.done $0x0  }
0x35: {  	[sflag:s17] =	ssyncadd.s32 $0xFFFFF800  }
0x36: {  	_ =	swait.ge [sflag:s17], $0x800  }
0x37: {  	[sflag:s17] =	ssyncset.done $0x0  }
0x38: {  	[sflag:s17] =	ssyncadd.s32 $0xFFFFF800  }
0x39: {  	[hbm4b:s6+s2] =	stream.linear.scatter [tilespmem:s9], [sflag:$0x2], $0x4000, $0x38;
	[tilespmem:$0x6000] =	vst v63  }
0x3a: {  	s20 =	simm.s32 $0x1000;
	_ =	swait.ge [sflag:s7], $0x4000  }
0x3b: {  	s22 =	simm.s32 $0x2000;
	s19 =	sadd.s32 $0x800, s6;
	[sflag:s7] =	ssyncset.done $0x0  }
.LBB2_2:
0x3c: {  	s23 =	sshra.s32 s20, $0x2  }
0x3d: {  	[sflag:s7] =	ssyncadd.s32 $0xFFFFC000;
	s20 =	smov.u32 s22;
	s21 =	sadd.s32 $0x1000, s22  }
0x3e: {  	[tilespmem:s9], [sflag:$0x1] =	stream.indirect.gather [hbm4b:s3+s8], $0x10, s23, s8, $0xb8;
	[tilespmem:$0x6000] =	vst v63  }
0x3f: {  	p0 =	sne.s32 s22, $0x7000;
	s22 =	sadd.s32 $0x80, s23  }
0x40: {  	[tilespmem:s10], [sflag:$0x1] =	stream.indirect.gather [hbm4b:s3+s8], $0x10, s22, s8, $0xb8;
	[tilespmem:$0x6000] =	vst v63  }
0x41: {  	s22 =	sadd.s32 $0x100, s23  }
0x42: {  	[tilespmem:s11], [sflag:$0x1] =	stream.indirect.gather [hbm4b:s3+s8], $0x10, s22, s8, $0xb8;
	[tilespmem:$0x6000] =	vst v63  }
0x43: {  	s22 =	sadd.s32 $0x180, s23  }
0x44: {  	[tilespmem:s12], [sflag:$0x1] =	stream.indirect.gather [hbm4b:s3+s8], $0x10, s22, s8, $0xb8;
	[tilespmem:$0x6000] =	vst v63  }
0x45: {  	s22 =	sadd.s32 $0x200, s23  }
0x46: {  	[tilespmem:s13], [sflag:$0x1] =	stream.indirect.gather [hbm4b:s3+s8], $0x10, s22, s8, $0xb8;
	[tilespmem:$0x6000] =	vst v63  }
0x47: {  	s22 =	sadd.s32 $0x280, s23  }
0x48: {  	[tilespmem:s14], [sflag:$0x1] =	stream.indirect.gather [hbm4b:s3+s8], $0x10, s22, s8, $0xb8;
	[tilespmem:$0x6000] =	vst v63  }
0x49: {  	s22 =	sadd.s32 $0x300, s23  }
0x4a: {  	[tilespmem:s15], [sflag:$0x1] =	stream.indirect.gather [hbm4b:s3+s8], $0x10, s22, s8, $0xb8;
	[tilespmem:$0x6000] =	vst v63  }
0x4b: {  	s22 =	sadd.s32 $0x380, s23  }
0x4c: {  	[tilespmem:s16], [sflag:$0x1] =	stream.indirect.gather [hbm4b:s3+s8], $0x10, s22, s8, $0xb8;
	[tilespmem:$0x6000] =	vst v63  }
0x4d: {  	_ =	swait.ge [sflag:s17], $0x800  }
0x4e: {  	[sflag:s17] =	ssyncset.done $0x0  }
0x4f: {  	[sflag:s17] =	ssyncadd.s32 $0xFFFFF800  }
0x50: {  	_ =	swait.ge [sflag:s17], $0x800  }
0x51: {  	[sflag:s17] =	ssyncset.done $0x0  }
0x52: {  	[sflag:s17] =	ssyncadd.s32 $0xFFFFF800  }
0x53: {  	_ =	swait.ge [sflag:s17], $0x800  }
0x54: {  	[sflag:s17] =	ssyncset.done $0x0  }
0x55: {  	[sflag:s17] =	ssyncadd.s32 $0xFFFFF800  }
0x56: {  	_ =	swait.ge [sflag:s17], $0x800  }
0x57: {  	[sflag:s17] =	ssyncset.done $0x0  }
0x58: {  	[sflag:s17] =	ssyncadd.s32 $0xFFFFF800  }
0x59: {  	_ =	swait.ge [sflag:s17], $0x800  }
0x5a: {  	[sflag:s17] =	ssyncset.done $0x0  }
0x5b: {  	[sflag:s17] =	ssyncadd.s32 $0xFFFFF800  }
0x5c: {  	_ =	swait.ge [sflag:s17], $0x800  }
0x5d: {  	[sflag:s17] =	ssyncset.done $0x0  }
0x5e: {  	[sflag:s17] =	ssyncadd.s32 $0xFFFFF800  }
0x5f: {  	_ =	swait.ge [sflag:s17], $0x800  }
0x60: {  	[sflag:s17] =	ssyncset.done $0x0  }
0x61: {  	[sflag:s17] =	ssyncadd.s32 $0xFFFFF800  }
0x62: {  	_ =	swait.ge [sflag:s17], $0x800  }
.Ltmp0:
0x63: {  	[sflag:s17] =	ssyncset.done $0x0;
	(pc) =	sbr.rel @p0 .LBB2_2-.Ltmp0, $4  }
0x64: {  	[sflag:s17] =	ssyncadd.s32 $0xFFFFF800  }
0x65: {  	[hbm4b:s19+s2] =	stream.linear.scatter [tilespmem:s9], [sflag:$0x2], $0x4000, $0x38;
	[tilespmem:$0x6000] =	vst v63  }
0x66: {  	_ =	swait.ge [sflag:s7], $0x4000  }
0x67: {  	s22 =	smov.u32 s21;
	s19 =	sadd.s32 $0x800, s19;
	[sflag:s7] =	ssyncset.done $0x0  }
0x68: {  	s20 =	sshra.s32 s20, $0x2;
	[sflag:s7] =	ssyncadd.s32 $0xFFFFC000  }
0x69: {  	[tilespmem:s9], [sflag:$0x1] =	stream.indirect.gather [hbm4b:s3+s8], $0x10, s20, s8, $0xb8;
	[tilespmem:$0x6000] =	vst v63  }
0x6a: {  	s21 =	sadd.s32 $0x80, s20  }
0x6b: {  	[tilespmem:s10], [sflag:$0x1] =	stream.indirect.gather [hbm4b:s3+s8], $0x10, s21, s8, $0xb8;
	[tilespmem:$0x6000] =	vst v63  }
0x6c: {  	s26 =	sadd.s32 $0x100, s20  }
0x6d: {  	[tilespmem:s11], [sflag:$0x1] =	stream.indirect.gather [hbm4b:s3+s8], $0x10, s26, s8, $0xb8;
	[tilespmem:$0x6000] =	vst v63  }
0x6e: {  	s28 =	sadd.s32 $0x180, s20  }
0x6f: {  	[tilespmem:s12], [sflag:$0x1] =	stream.indirect.gather [hbm4b:s3+s8], $0x10, s28, s8, $0xb8;
	[tilespmem:$0x6000] =	vst v63  }
0x70: {  	s29 =	sadd.s32 $0x200, s20  }
0x71: {  	[tilespmem:s13], [sflag:$0x1] =	stream.indirect.gather [hbm4b:s3+s8], $0x10, s29, s8, $0xb8;
	[tilespmem:$0x6000] =	vst v63  }
0x72: {  	s30 =	sadd.s32 $0x280, s20  }
0x73: {  	[tilespmem:s14], [sflag:$0x1] =	stream.indirect.gather [hbm4b:s3+s8], $0x10, s30, s8, $0xb8;
	[tilespmem:$0x6000] =	vst v63  }
0x74: {  	s31 =	sadd.s32 $0x300, s20  }
0x75: {  	[tilespmem:s15], [sflag:$0x1] =	stream.indirect.gather [hbm4b:s3+s8], $0x10, s31, s8, $0xb8;
	[tilespmem:$0x6000] =	vst v63  }
0x76: {  	s20 =	sadd.s32 $0x380, s20  }
0x77: {  	[tilespmem:s16], [sflag:$0x1] =	stream.indirect.gather [hbm4b:s3+s8], $0x10, s20, s8, $0xb8;
	[tilespmem:$0x6000] =	vst v63  }
0x78: {  	_ =	swait.ge [sflag:s17], $0x800  }
0x79: {  	[sflag:s17] =	ssyncset.done $0x0  }
0x7a: {  	[sflag:s17] =	ssyncadd.s32 $0xFFFFF800  }
0x7b: {  	_ =	swait.ge [sflag:s17], $0x800  }
0x7c: {  	[sflag:s17] =	ssyncset.done $0x0  }
0x7d: {  	[sflag:s17] =	ssyncadd.s32 $0xFFFFF800  }
0x7e: {  	_ =	swait.ge [sflag:s17], $0x800  }
0x7f: {  	[sflag:s17] =	ssyncset.done $0x0  }
0x80: {  	[sflag:s17] =	ssyncadd.s32 $0xFFFFF800  }
0x81: {  	_ =	swait.ge [sflag:s17], $0x800  }
0x82: {  	[sflag:s17] =	ssyncset.done $0x0  }
0x83: {  	[sflag:s17] =	ssyncadd.s32 $0xFFFFF800  }
0x84: {  	_ =	swait.ge [sflag:s17], $0x800  }
0x85: {  	[sflag:s17] =	ssyncset.done $0x0  }
0x86: {  	[sflag:s17] =	ssyncadd.s32 $0xFFFFF800  }
0x87: {  	_ =	swait.ge [sflag:s17], $0x800  }
0x88: {  	[sflag:s17] =	ssyncset.done $0x0  }
0x89: {  	[sflag:s17] =	ssyncadd.s32 $0xFFFFF800  }
0x8a: {  	_ =	swait.ge [sflag:s17], $0x800  }
0x8b: {  	[sflag:s17] =	ssyncset.done $0x0  }
0x8c: {  	[sflag:s17] =	ssyncadd.s32 $0xFFFFF800  }
0x8d: {  	s18 =	sadd.s32 $0x1, s18;
	_ =	swait.ge [sflag:s17], $0x800  }
0x8e: {  	p0 =	sne.s32 s18, s5;
	[sflag:s17] =	ssyncset.done $0x0  }
.Ltmp1:
0x8f: {  	[sflag:s17] =	ssyncadd.s32 $0xFFFFF800;
	(pc) =	sbr.rel @p0 .LBB2_1-.Ltmp1, $4  }
0x90: {  	[hbm4b:s19+s2] =	stream.linear.scatter [tilespmem:s9], [sflag:$0x2], $0x4000, $0x38;
	[tilespmem:$0x6000] =	vst v63  }
0x91: {  	_ =	swait.ge [sflag:s7], $0x4000  }
0x92: {  	[sflag:s7] =	ssyncset.done $0x0  }
0x93: {  	[sflag:s7] =	ssyncadd.s32 $0xFFFFC000  }
0x94: {  	_ =	sfence.sel $0x180000  }
0x95: {  	[bflag:$0x0] =	sbarrier.arrive $0xFFFF  }
0x96: {  	p0 =	sne.s32 s1, $0x0;
	_ =	strace $0x90000047  }
0x97: {  	s0 =	sadd.s32 @!p0 $0x100000, s0;
	[bflag:$0x2] =	sbarrier.arrive $0xFFFF  }
0x98: {  	[sflag:s0] =	ssyncadd.tile.s32 @!p0 $0x1;
	_ =	shalt  }
.Lfunc_end2:
_tile_overlayer_lowered:
.L_overlay_start_2:
0x99: {  	(tag) =	ssettag $0x2  }
0x9a: {  	s0 =	rddreg [dreg:$0x0];
	s2 =	stileid.u32  }
0x9b: {  	s1 =	rddreg [dreg:$0x1];
	p0 =	sne.s32 s2, $0x0  }
0x9c: {  	s3 =	rddreg [dreg:$0x2];
	[bflag:$0x3] =	sbarrier.arrive $0xFFFF;
	s2 =	simm.s32 @!p0 $0x1C02  }
0x9d: {  	[timem:s3], [sflag:s2] =	dma.local @!p0 [hbm:s0], s1  }
0x9e: {  	s0 =	simm.s32 @!p0 $0x2  }
0x9f: {  	_ =	swait.ge @!p0 [sflag:s0], s1  }
0xa0: {  	s1 =	ssub.s32 @!p0 $0x0, s1;
	[sflag:s0] =	ssyncset.done @!p0 $0x0  }
0xa1: {  	[sflag:s0] =	ssyncadd.s32 @!p0 s1  }
0xa2: {  	[bflag:$0x3] =	sbarrier.arrive $0xFFFF  }
0xa3: {  	_ =	shalt  }

// kernel: kernel.20.cloned.1.call-start
scs
__scs_entry_jumppad:
0x0: {  	(pc) =	sbr.rel $0x88, $3  }
0x1: {  	(tag) =	ssettag $0x0;
	lr =	simm.s32 $0x1  }
0x2: {  	[smem:$0x3F72] =	sst lr;
	_ =	strace $0xD0000000  }
0x3: {  	_ = 	snop  }
0x4: {  	_ = 	snop  }
0x5: {  	_ = 	snop  }
0x6: {  	_ = 	snop  }
0x7: {  	_ = 	snop  }
__scs_overlays_trampoline_lowered:
0x8: {  	[smem:$0x3F81] =	sst s0  }
0x9: {  	[smem:$0x3F82] =	sst s1  }
0xa: {  	[smem:$0x3F83] =	sst s2  }
0xb: {  	[smem:$0x3F84] =	sst s3  }
0xc: {  	[smem:$0x3F85] =	sst s4  }
0xd: {  	[smem:$0x3F86] =	sst s5  }
0xe: {  	[smem:$0x3F87] =	sst s6  }
0xf: {  	[smem:$0x3F88] =	sst s7  }
0x10: {  	[smem:$0x3F89] =	sst s8  }
0x11: {  	[smem:$0x3F8A] =	sst s9;
	s0 =	simm.s32 @!p0 $0x0  }
0x12: {  	s1 =	sld [smem:$0x3F70];
	s0 =	simm.s32 @p0 $0x1  }
0x13: {  	[smem:$0x3F8B] =	sst s0;
	s0 =	simm.s32 @!p1 $0x0  }
0x14: {  	s2 =	sld [smem:$0x3F6F];
	s0 =	simm.s32 @p1 $0x1  }
0x15: {  	[smem:$0x3F8C] =	sst s0;
	s0 =	simm.s32 @!p2 $0x0  }
0x16: {  	s3 =	sld [smem:$0x3FDB];
	s0 =	simm.s32 @p2 $0x1  }
0x17: {  	s4 =	simm.s32 $0x1BF5;
	[smem:$0x3F8E] =	sst s0  }
0x18: {  	s0 =	sld [smem:$0x3F71];
	_ =	swait.ge [sflag:s4], $0x0  }
0x19: {  	s7 =	sld [smem:$0x3F72]  }
0x1a: {  	s8 =	sadd.s32 $0xFFFFE003, lr  }
0x1b: {  	s9 =	sadd.s32 $0xFFFFFEF7, lr;
	s5 =	simm.s32 $0xFFFFFFFF;
	p2 =	slt.u32 s8, $0xFFFFF086  }
0x1c: {  	p1 =	slt.u32 s9, $0xF7A;
	s5 =	simm.s32 @!p2 $0x0  }
0x1d: {  	s5 =	simm.s32 @p1 $0x1;
	p0 =	seq.s32 s7, s2  }
0x1e: {  	s7 =	smul.u32 @!p0 $0xF7A, s2;
	p2 =	seq.s32 @!p0 s5, $0x0  }
0x1f: {  	s9 =	smul.u32 $0xF7A, s1;
	s8 =	simm.s32 @!p0 $0x1BF5;
	p2 =	por !p2, p0  }
0x20: {  	[sflag:s8] =	ssyncset.s32 @!p0 $0xFFFFF086;
	s6 =	sadd.s32 @!p0 s3, s7;
	s7 =	simm.s32 @!p0 $0x108  }
0x21: {  	s3 =	sadd.s32 s3, s9;
	s6 =	sadd.s32 @!p0 $0x88, s6;
	s7 =	simm.s32 @p2 $0x1082  }
0x22: {  	[simem:s7], [sflag:s8] =	dma.local @!p0 [hbm:s6], $0xF7A  }
0x23: {  	s9 =	sor.u32 $0xD0000000, s2;
	s6 =	simm.s32 $0x108;
	_ =	swait.ge @!p0 [sflag:s8], $0x0  }
0x24: {  	s3 =	sadd.s32 $0x88, s3;
	s6 =	simm.s32 @!p1 $0x1082;
	[sflag:s4] =	ssyncset.s32 $0xFFFFF086  }
0x25: {  	[simem:s6], [sflag:s4] =	dma.local [hbm:s3], $0xF7A  }
0x26: {  	[smem:$0x3F72] =	sst s1;
	(tag) =	ssettag s2;
	_ =	strace s9  }
0x27: {  	s1 =	sld [smem:$0x3F82]  }
0x28: {  	s2 =	sld [smem:$0x3F83]  }
0x29: {  	s4 =	sld [smem:$0x3F85]  }
0x2a: {  	p0 =	seq.s32 s5, $0x0;
	s5 =	sld [smem:$0x3F86]  }
0x2b: {  	s6 =	sld [smem:$0x3F87]  }
0x2c: {  	s7 =	sld [smem:$0x3F88]  }
0x2d: {  	s3 =	simm.s32 $0x108;
	s8 =	sld [smem:$0x3F89]  }
0x2e: {  	s3 =	simm.s32 @!p0 $0x1082;
	s9 =	sld [smem:$0x3F8A]  }
0x2f: {  	lr =	sadd.s32 s0, s3;
	s0 =	sld [smem:$0x3F81]  }
0x30: {  	s3 =	sld [smem:$0x3F84]  }
0x31: {  	[smem:$0x3F8D] =	sst s10  }
0x32: {  	s10 =	sld [smem:$0x3F8B];
	_ =	sdelay $0x3  }
0x33: {  	p0 =	seq.s32 s10, $0x1;
	s10 =	sld [smem:$0x3F8D];
	_ =	sdelay $0x3  }
0x34: {  	[smem:$0x3F8D] =	sst s10  }
0x35: {  	s10 =	sld [smem:$0x3F8C];
	_ =	sdelay $0x3  }
0x36: {  	p1 =	seq.s32 s10, $0x1;
	s10 =	sld [smem:$0x3F8D];
	_ =	sdelay $0x3  }
0x37: {  	[smem:$0x3F8D] =	sst s10  }
0x38: {  	s10 =	sld [smem:$0x3F8E]  }
0x39: {  	_ = 	snop;
	(pc) =	sbr.ind lr, $3  }
0x3a: {  	_ = 	snop  }
0x3b: {  	_ = 	snop  }
0x3c: {  	p2 =	seq.s32 s10, $0x1;
	s10 =	sld [smem:$0x3F8D]  }
0x3d: {  	_ =	shalt  }
0x3e: {  	_ =	shalt  }
0x3f: {  	_ =	shalt  }
0x40: {  	_ =	shalt  }
0x41: {  	_ =	shalt  }
0x42: {  	_ =	shalt  }
0x43: {  	_ =	shalt  }
0x44: {  	_ =	shalt  }
0x45: {  	_ =	shalt  }
0x46: {  	_ =	shalt  }
0x47: {  	_ =	shalt  }
0x48: {  	_ =	shalt  }
0x49: {  	_ =	shalt  }
0x4a: {  	_ =	shalt  }
0x4b: {  	_ =	shalt  }
0x4c: {  	_ =	shalt  }
0x4d: {  	_ =	shalt  }
0x4e: {  	_ =	shalt  }
0x4f: {  	_ =	shalt  }
0x50: {  	_ =	shalt  }
0x51: {  	_ =	shalt  }
0x52: {  	_ =	shalt  }
0x53: {  	_ =	shalt  }
0x54: {  	_ =	shalt  }
0x55: {  	_ =	shalt  }
0x56: {  	_ =	shalt  }
0x57: {  	_ =	shalt  }
0x58: {  	_ =	shalt  }
0x59: {  	_ =	shalt  }
0x5a: {  	_ =	shalt  }
0x5b: {  	_ =	shalt  }
0x5c: {  	_ =	shalt  }
0x5d: {  	_ =	shalt  }
0x5e: {  	_ =	shalt  }
0x5f: {  	_ =	shalt  }
0x60: {  	_ =	shalt  }
0x61: {  	_ =	shalt  }
0x62: {  	_ =	shalt  }
0x63: {  	_ =	shalt  }
0x64: {  	_ =	shalt  }
0x65: {  	_ =	shalt  }
0x66: {  	_ =	shalt  }
0x67: {  	_ =	shalt  }
0x68: {  	_ =	shalt  }
0x69: {  	_ =	shalt  }
0x6a: {  	_ =	shalt  }
0x6b: {  	_ =	shalt  }
0x6c: {  	_ =	shalt  }
0x6d: {  	_ =	shalt  }
0x6e: {  	_ =	shalt  }
0x6f: {  	_ =	shalt  }
0x70: {  	_ =	shalt  }
0x71: {  	_ =	shalt  }
0x72: {  	_ =	shalt  }
0x73: {  	_ =	shalt  }
0x74: {  	_ =	shalt  }
0x75: {  	_ =	shalt  }
0x76: {  	_ =	shalt  }
0x77: {  	_ =	shalt  }
0x78: {  	_ =	shalt  }
0x79: {  	_ =	shalt  }
0x7a: {  	_ =	shalt  }
0x7b: {  	_ =	shalt  }
0x7c: {  	_ =	shalt  }
0x7d: {  	_ =	shalt  }
0x7e: {  	_ =	shalt  }
0x7f: {  	_ =	shalt  }
0x80: {  	_ =	shalt  }
0x81: {  	_ =	shalt  }
0x82: {  	_ =	shalt  }
0x83: {  	_ =	shalt  }
0x84: {  	_ =	shalt  }
0x85: {  	_ =	shalt  }
0x86: {  	_ =	shalt  }
0x87: {  	_ =	shalt  }
.Lfunc_end0:
.L_simem_size_0:
called_computation.1_lowered:
.L_overlay_start_0:
0x88: {  	s2 =	sld [smem:$0x3FD9]  }
0x89: {  	s3 =	sld [smem:$0x3FFE];
	_ =	sdelay $0x1  }
0x8a: {  	s1 =	srdreg.scid  }
0x8b: {  	s0 =	sand.u32 $0x1, s1  }
0x8c: {  	s16 =	sshll.u32 s0, $0xA;
	s2 =	sadd.s32 s3, s2  }
0x8d: {  	s2 =	sadd.s32 s2, s16  }
0x8e: {  	[smem:$0x3F99] =	sst s2  }
0x8f: {  	_ = 	snop  }
0x90: {  	(tm) =	ssettm $0x1  }
0x91: {  	s17 =	sld [smem:$0x3FFB];
	_ =	sdelay $0x3  }
0x92: {  	_ =	strace s17  }
0x93: {  	s2 =	sld [smem:$0x3FFC];
	_ =	sdelay $0x3  }
0x94: {  	_ =	strace s2  }
0x95: {  	s2 =	sld [smem:$0x3FFD];
	_ =	sdelay $0x3  }
0x96: {  	_ =	strace s2  }
0x97: {  	_ =	strace $0x8FFFFFFF  }
0x98: {  	s18 =	sld [smem:$0x3FDB];
	_ =	sdelay $0x1  }
0x99: {  	s19 =	simm.s32 $_scs_section_size  }
0x9a: {  	s4 =	simm.s32 $_size__tile_overlayer_lowered;
	s5 =	simm.s32 $_tile_overlayer_lowered  }
0x9b: {  	s22 =	simm.s32 $0x1BFF;
	s21 =	sshll.u32 s5, $0x1;
	s2 =	sadd.s32 s19, s18  }
0x9c: {  	s6 =	simm.s32 $0x0;
	s20 =	sshll.u32 s4, $0x1;
	s4 =	sadd.s32 s21, s2  }
0x9d: {  	[timem:s6], [sflag:s22] =	dma.local [hbm:s4], s20  }
0x9e: {  	_ =	swait.ge [sflag:s22], s20  }
0x9f: {  	s3 =	ssub.s32 $0x0, s20;
	[sflag:s22] =	ssyncset.done $0x0  }
0xa0: {  	[sflag:s22] =	ssyncadd.s32 s3;
	_ =	sdelay $0x1  }
0xa1: {  	s23 =	simm.s32 $0x1B8B  }
0xa2: {  	_ =	swait.ge [sflag:s23], $0x1  }
0xa3: {  	[sflag:s23] =	ssyncset.done $0x0  }
0xa4: {  	s25 =	simm.s32 $0x1B8E;
	s24 =	sld [smem:$0x3FFE];
	[sflag:s23] =	ssyncadd.s32 $0xFFFFFFFF  }
0xa5: {  	s26 =	simm.s32 $execute0_lowered;
	[smem:$0x3FD2] =	sst s25  }
0xa6: {  	s4 =	sshll.u32 s26, $0x1;
	_ =	strace $0x80000049;
	[dreg:$0x1] =	wrdreg $0xFFFFFFFF  }
0xa7: {  	s28 =	simm.s32 $_size_execute0_lowered;
	s2 =	sadd.s32 s2, s4;
	[dreg:$0x0] =	wrdreg $0x0  }
0xa8: {  	s4 =	sshll.u32 s28, $0x1;
	[dreg:$0x2] =	wrdreg s2  }
0xa9: {  	[dreg:$0x3] =	wrdreg s4  }
0xaa: {  	[dreg:$0x4] =	wrdreg $0xC0  }
0xab: {  	_ =	task [dreg:s6], $0x5FFFF  }
0xac: {  	[dreg:$0x1] =	wrdreg $0xFFFFFFFF  }
0xad: {  	[dreg:$0x0] =	wrdreg $0x60  }
0xae: {  	[dreg:$0x2] =	wrdreg s24  }
0xaf: {  	[dreg:$0x3] =	wrdreg $0x9  }
0xb0: {  	_ =	task.clear_ibuf [dreg:s6], $0x4FFFF;
	_ =	strace $0x90000049  }
0xb1: {  	s29 =	simm.s32 $0x9;
	_ =	strace $0x8000004B  }
0xb2: {  	_ =	swait.ge [sflag:s29], $0x1  }
0xb3: {  	[sflag:s29] =	ssyncadd.s32 $0xFFFFFFFF  }
0xb4: {  	_ =	strace $0x9000004B  }
0xb5: {  	_ =	sfence  }
0xb6: {  	s30 =	sld [smem:$0x0];
	_ =	sdelay $0x2  }
0xb7: {  	s31 =	sshll.u32 s1, $0xD;
	s1 =	sshrl.u32 s1, $0x2  }
0xb8: {  	s3 =	sand.u32 $0x4000, s31;
	s1 =	sadd.s32 s1, s30  }
0xb9: {  	s0 =	sor.u32 s3, s0;
	s1 =	sshll.u32 s1, $0x11  }
0xba: {  	s0 =	sor.u32 s1, s0  }
0xbb: {  	s0 =	sadd.s32 $0x8F2B, s0  }
0xbc: {  	[sflag:s0] =	ssyncadd.remote.s32 $0x1  }
0xbd: {  	_ =	sfence.sel $0xFFFF  }
0xbe: {  	[dreg:$0x0] =	wrdreg $0xFFFFFFFF;
	(pc) =	sbr.abs _section_cstart, $3  }
0xbf: {  	[dreg:$0x1] =	wrdreg $0xFFFFFFFF  }
0xc0: {  	_ =	task.clear_ibuf [dreg:s6], $0x2FFFF;
	_ =	strace $0x9FFFFFFF  }
0xc1: {  	(tm) =	ssettm $0x7FFFFFFF  }
tec
execute0_lowered:
.L_overlay_start_1:
0x0: {  	(tag) =	ssettag $0x1  }
0x1: {  	s4 =	rddreg [dreg:$0x0]  }
0x2: {  	s0 =	rddreg [dreg:$0x1];
	s1 =	simm.s32 $0x0  }
0x3: {  	s5 =	srdreg.scid;
	s2 =	stileid.u32;
	s10 =	simm.s32 $0x5800  }
0x4: {  	s11 =	simm.s32 $0x1;
	s12 =	simm.s32 $0x0;
	[smem:$0x7FF] =	sst s1  }
0x5: {  	s3 =	sadd.s32 $0xA1E00, s4;
	s5 =	sand.u32 $0x1, s5;
	s6 =	sshll.u32 s2, $0xD  }
0x6: {  	s8 =	smul.u32 $0x24000, s2;
	_ =	strace $0x8000004A;
	s7 =	sshll.u32 s5, $0xC  }
0x7: {  	s29 =	ssub.s32 $0x2, s5;
	s5 =	smul.u32 $0x12000, s5;
	s6 =	sor.u32 s7, s6  }
0x8: {  	s8 =	sadd.s32 s8, s4;
	s9 =	sshrl.u32 s29, $0x1;
	s7 =	simm.s32 $0x2  }
0x9: {  	s6 =	sshrl.u32 s6, $0x3;
	s30 =	ssub.s32 s29, s9;
	s31 =	sadd.s32 s5, s8  }
0xa: {  	s8 =	simm.s32 $0x80;
	s9 =	simm.s32 $0x1000;
	s4 =	sadd.s32 s6, s4  }
0xb: {  	s5 =	smax.u32 s30, $0x1;
	s6 =	sadd.s32 $0x105E00, s31;
	s4 =	sadd.s32 $0x101E00, s4  }
.LBB2_1:
0xc: {  	[tilespmem:s1], [sflag:$0x2] =	stream.linear.gather [hbm4b:s4+s1], $0x1000, $0x38;
	[tilespmem:$0xA000] =	vst v63  }
0xd: {  	_ =	swait.ge [sflag:s7], $0x1000  }
0xe: {  	[sflag:s7] =	ssyncset.done $0x0  }
0xf: {  	s13 =	simm.s32 $0x0;
	[sflag:s7] =	ssyncadd.s32 $0xFFFFF000  }
0x10: {  	[tilespmem:s9], [sflag:$0x1] =	stream.indirect.gather [hbm4b:s3+s8], $0x90, s13, s8, $0xb8;
	[tilespmem:$0xA000] =	vst v63  }
0x11: {  	_ = 	snop  }
0x12: {  	[tilespmem:s10], [sflag:$0x1] =	stream.indirect.gather [hbm4b:s3+s8], $0x90, s8, s8, $0xb8;
	[tilespmem:$0xA000] =	vst v63  }
0x13: {  	_ =	swait.ge [sflag:s11], $0x4800  }
0x14: {  	[sflag:s11] =	ssyncset.done $0x0  }
0x15: {  	[sflag:s11] =	ssyncadd.s32 $0xFFFFB800  }
0x16: {  	_ =	swait.ge [sflag:s11], $0x4800  }
0x17: {  	[sflag:s11] =	ssyncset.done $0x0  }
0x18: {  	s31 =	sadd.s32 $0x0, s6;
	[sflag:s11] =	ssyncadd.s32 $0xFFFFB800  }
0x19: {  	[hbm4b:s31+s1] =	stream.linear.scatter [tilespmem:s9], [sflag:$0x2], $0x9000, $0x38;
	[tilespmem:$0xA000] =	vst v63  }
0x1a: {  	s15 =	simm.s32 $0x2400;
	_ =	swait.ge [sflag:s7], $0x9000  }
0x1b: {  	s14 =	simm.s32 $0x180;
	s13 =	simm.s32 $0x1200;
	[sflag:s7] =	ssyncset.done $0x0  }
.LBB2_2:
0x1c: {  	p0 =	sne.s32 s15, $0x10E00;
	s16 =	sadd.s32 $0xFFFFFF80, s14;
	[sflag:s7] =	ssyncadd.s32 $0xFFFF7000  }
0x1d: {  	[tilespmem:s9], [sflag:$0x1] =	stream.indirect.gather [hbm4b:s3+s8], $0x90, s16, s8, $0xb8;
	[tilespmem:$0xA000] =	vst v63  }
0x1e: {  	s16 =	smov.u32 s15;
	s15 =	sadd.s32 $0x1200, s15  }
0x1f: {  	[tilespmem:s10], [sflag:$0x1] =	stream.indirect.gather [hbm4b:s3+s8], $0x90, s14, s8, $0xb8;
	[tilespmem:$0xA000] =	vst v63  }
0x20: {  	_ =	swait.ge [sflag:s11], $0x4800  }
0x21: {  	[sflag:s11] =	ssyncset.done $0x0  }
0x22: {  	[sflag:s11] =	ssyncadd.s32 $0xFFFFB800  }
0x23: {  	_ =	swait.ge [sflag:s11], $0x4800  }
.Ltmp0:
0x24: {  	[sflag:s11] =	ssyncset.done $0x0;
	(pc) =	sbr.rel @p0 .LBB2_2-.Ltmp0, $4  }
0x25: {  	s17 =	sadd.s32 s13, s6;
	s13 =	smov.u32 s16;
	[sflag:s11] =	ssyncadd.s32 $0xFFFFB800  }
0x26: {  	[hbm4b:s17+s1] =	stream.linear.scatter [tilespmem:s9], [sflag:$0x2], $0x9000, $0x38;
	[tilespmem:$0xA000] =	vst v63  }
0x27: {  	_ =	swait.ge [sflag:s7], $0x9000  }
0x28: {  	s14 =	sadd.s32 $0x100, s14;
	[sflag:s7] =	ssyncset.done $0x0  }
0x29: {  	s15 =	sadd.s32 $0xFFFFFF80, s14;
	[sflag:s7] =	ssyncadd.s32 $0xFFFF7000  }
0x2a: {  	[tilespmem:s9], [sflag:$0x1] =	stream.indirect.gather [hbm4b:s3+s8], $0x90, s15, s8, $0xb8;
	[tilespmem:$0xA000] =	vst v63  }
0x2b: {  	_ = 	snop  }
0x2c: {  	[tilespmem:s10], [sflag:$0x1] =	stream.indirect.gather [hbm4b:s3+s8], $0x90, s14, s8, $0xb8;
	[tilespmem:$0xA000] =	vst v63  }
0x2d: {  	_ =	swait.ge [sflag:s11], $0x4800  }
0x2e: {  	[sflag:s11] =	ssyncset.done $0x0  }
0x2f: {  	[sflag:s11] =	ssyncadd.s32 $0xFFFFB800  }
0x30: {  	s12 =	sadd.s32 $0x1, s12;
	_ =	swait.ge [sflag:s11], $0x4800  }
0x31: {  	p0 =	sne.s32 s12, s5;
	[sflag:s11] =	ssyncset.done $0x0  }
.Ltmp1:
0x32: {  	s13 =	sadd.s32 s13, s6;
	[sflag:s11] =	ssyncadd.s32 $0xFFFFB800;
	(pc) =	sbr.rel @p0 .LBB2_1-.Ltmp1, $4  }
0x33: {  	[hbm4b:s13+s1] =	stream.linear.scatter [tilespmem:s9], [sflag:$0x2], $0x9000, $0x38;
	[tilespmem:$0xA000] =	vst v63  }
0x34: {  	_ =	swait.ge [sflag:s7], $0x9000  }
0x35: {  	[sflag:s7] =	ssyncset.done $0x0  }
0x36: {  	[sflag:s7] =	ssyncadd.s32 $0xFFFF7000  }
0x37: {  	_ =	sfence.sel $0x180000  }
0x38: {  	[bflag:$0x0] =	sbarrier.arrive $0xFFFF  }
0x39: {  	p0 =	sne.s32 s2, $0x0;
	_ =	strace $0x9000004A  }
0x3a: {  	s0 =	sadd.s32 @!p0 $0x100000, s0;
	[bflag:$0x2] =	sbarrier.arrive $0xFFFF  }
0x3b: {  	[sflag:s0] =	ssyncadd.tile.s32 @!p0 $0x1;
	_ =	shalt  }
.Lfunc_end2:
_tile_overlayer_lowered:
.L_overlay_start_2:
0x3c: {  	(tag) =	ssettag $0x2  }
0x3d: {  	s0 =	rddreg [dreg:$0x0];
	s2 =	stileid.u32  }
0x3e: {  	s1 =	rddreg [dreg:$0x1];
	p0 =	sne.s32 s2, $0x0  }
0x3f: {  	s3 =	rddreg [dreg:$0x2];
	[bflag:$0x3] =	sbarrier.arrive $0xFFFF;
	s2 =	simm.s32 @!p0 $0x1C02  }
0x40: {  	[timem:s3], [sflag:s2] =	dma.local @!p0 [hbm:s0], s1  }
0x41: {  	s0 =	simm.s32 @!p0 $0x2  }
0x42: {  	_ =	swait.ge @!p0 [sflag:s0], s1  }
0x43: {  	s1 =	ssub.s32 @!p0 $0x0, s1;
	[sflag:s0] =	ssyncset.done @!p0 $0x0  }
0x44: {  	[sflag:s0] =	ssyncadd.s32 @!p0 s1  }
0x45: {  	[bflag:$0x3] =	sbarrier.arrive $0xFFFF  }
0x46: {  	_ =	shalt  }

</sc_bundles>
